<compile_context>
chip_gen: v7x
topology: tpu7x:2x2x1
jax: 0.10.2.dev20260603
libtpu: 0.0.44.dev20260713+nightly
codegen_flags: <defaults>
</compile_context>

<pallas_src>
import functools

import jax
import jax.numpy as jnp
from jax import lax
from jax.experimental import pallas as pl
from jax.experimental.pallas import tpu as pltpu
from jax.experimental.pallas import tpu_sc as plsc

N = 10000
NPAD = 10112
E = 320000
NC, NS = 2, 16
NW = NC * NS
CH = 128
K = 80
EPAD = NW * K * CH
RP = NPAD // NS
H = 64
DEGW = 16
NBUF = 2

_f32 = jnp.float32
_mesh = plsc.VectorSubcoreMesh(core_axis_name="c", subcore_axis_name="s")
_sc_params = pltpu.CompilerParams(use_tc_tiling_on_sc=False)



def _deg_body(dstm, z16, ones16, out, didx, ones_v, deg_sh, *sems):
    c = lax.axis_index("c")
    s = lax.axis_index("s")
    wid = c * NS + s
    pltpu.sync_copy(dstm.at[pl.ds(wid * K, K)], didx)
    pltpu.sync_copy(ones16, ones_v)
    pltpu.sync_copy(z16.at[pl.ds(s * RP, RP)], deg_sh.at[pl.ds(s * RP, RP)])
    plsc.subcore_barrier()

    def body(i, carry):
        base = i * NBUF
        for b in range(NBUF):
            j = base + b

            @pl.when(j >= NBUF)
            def _():
                pltpu.make_async_copy(
                    ones_v, deg_sh.at[didx.at[j - NBUF]], sems[b]).wait()

            pltpu.async_copy(ones_v, deg_sh.at[didx.at[j]], sems[b],
                             add=True)
        return carry

    lax.fori_loop(0, K // NBUF, body, 0)
    for b in range(NBUF):
        pltpu.make_async_copy(
            ones_v, deg_sh.at[didx.at[K - NBUF + b]], sems[b]).wait()
    plsc.subcore_barrier()
    pltpu.sync_copy(deg_sh.at[pl.ds(s * RP, RP)],
                    out.at[pl.ds(c * NPAD + s * RP, RP)])


_deg_call = functools.partial(
    pl.kernel,
    out_type=jax.ShapeDtypeStruct((NC * NPAD, DEGW), _f32),
    mesh=_mesh,
    scratch_types=[
        pltpu.VMEM((K, CH), jnp.int32),
        pltpu.VMEM((CH, DEGW), _f32),
        pltpu.VMEM_SHARED((NPAD, DEGW), _f32),
    ] + [pltpu.SemaphoreType.DMA] * NBUF,
    compiler_params=_sc_params,
)(_deg_body)


def _agg_body(h, srcm, dstm, z64, out, sidx, didx, rows, acc_sh, h_sh, *sems):
    gsem = sems[:NBUF]
    ssem = sems[NBUF:]
    c = lax.axis_index("c")
    s = lax.axis_index("s")
    wid = c * NS + s
    cp0 = pltpu.async_copy(srcm.at[pl.ds(wid * K, K)], sidx, gsem[0])
    cp1 = pltpu.async_copy(dstm.at[pl.ds(wid * K, K)], didx, gsem[1])
    cp2 = pltpu.async_copy(z64.at[pl.ds(s * RP, RP)],
                           acc_sh.at[pl.ds(s * RP, RP)], ssem[0])
    cp3 = pltpu.async_copy(h.at[pl.ds(s * RP, RP)],
                           h_sh.at[pl.ds(s * RP, RP)], ssem[1])
    cp0.wait()
    cp1.wait()
    cp2.wait()
    cp3.wait()
    plsc.subcore_barrier()

    def rbuf(b):
        return rows.at[pl.ds(b * CH, CH)]

    for b in range(NBUF):
        pltpu.async_copy(h_sh.at[sidx.at[b]], rbuf(b), gsem[b])

    def body(i, carry):
        base = i * NBUF
        for b in range(NBUF):
            j = base + b
            pltpu.make_async_copy(h_sh.at[sidx.at[j]], rbuf(b),
                                  gsem[b]).wait()
            pltpu.async_copy(rbuf(b), acc_sh.at[didx.at[j]], ssem[b],
                             add=True)

        for b in range(NBUF):
            j = base + b

            @pl.when(j + NBUF < K)
            def _():
                pltpu.make_async_copy(
                    rbuf(b), acc_sh.at[didx.at[j]], ssem[b]).wait()
                pltpu.async_copy(h_sh.at[sidx.at[j + NBUF]], rbuf(b),
                                 gsem[b])

        return carry

    lax.fori_loop(0, K // NBUF, body, 0)
    for b in range(NBUF):
        pltpu.make_async_copy(
            rbuf(b), acc_sh.at[didx.at[K - NBUF + b]], ssem[b]).wait()
    plsc.subcore_barrier()
    pltpu.sync_copy(acc_sh.at[pl.ds(s * RP, RP)],
                    out.at[pl.ds(c * NPAD + s * RP, RP)])


_agg_call = functools.partial(
    pl.kernel,
    out_type=jax.ShapeDtypeStruct((NC * NPAD, H), _f32),
    mesh=_mesh,
    scratch_types=[
        pltpu.VMEM((K, CH), jnp.int32),
        pltpu.VMEM((K, CH), jnp.int32),
        pltpu.VMEM((NBUF * CH, H), _f32),
        pltpu.VMEM_SHARED((NPAD, H), _f32),
        pltpu.VMEM_SHARED((NPAD, H), _f32),
    ] + [pltpu.SemaphoreType.DMA] * (2 * NBUF),
    compiler_params=_sc_params,
)(_agg_body)



def _tc0_body(x_ref, w_ref, b_ref, degp_ref, h_ref, invs_ref):
    deg = degp_ref[0:NPAD, 0:1] + degp_ref[NPAD:2 * NPAD, 0:1]
    invs = lax.rsqrt(jnp.maximum(deg, 1.0))
    hm = jnp.dot(x_ref[...], w_ref[...], preferred_element_type=_f32)
    hm = jnp.concatenate([hm, jnp.zeros((NPAD - N, H), _f32)], axis=0)
    h_ref[...] = (hm + b_ref[...]) * invs
    invs_ref[...] = invs


def _tc_layer_body(a0_ref, a1_ref, invs_ref, w_ref, b_ref, out_ref):
    invs = invs_ref[...]
    a = a0_ref[...] + a1_ref[...]
    hin = jnp.maximum(a * invs, 0.0)
    hm = jnp.dot(hin, w_ref[...], preferred_element_type=_f32)
    out_ref[...] = (hm + b_ref[...]) * invs


def _tc_final_body(acc_ref, invs_ref, batch_ref, wh_ref, bh_ref, wo_ref,
                   bo_ref, out_ref):
    a = acc_ref[0:NPAD, :] + acc_ref[NPAD:2 * NPAD, :]
    h5 = jnp.maximum(a * invs_ref[...], 0.0)
    gids = lax.broadcasted_iota(jnp.int32, (NPAD, 64), 1)
    onehot = (batch_ref[...] == gids).astype(_f32)
    psum = lax.dot_general(onehot, h5, (((0,), (0,)), ((), ())),
                           preferred_element_type=_f32)
    ones = jnp.ones((NPAD, 1), _f32)
    cnt = lax.dot_general(onehot, ones, (((0,), (0,)), ((), ())),
                          preferred_element_type=_f32)
    pooled = psum / jnp.maximum(cnt, 1.0)
    hid = jnp.maximum(
        jnp.dot(pooled, wh_ref[...], preferred_element_type=_f32)
        + bh_ref[...], 0.0)
    out_ref[...] = (jnp.dot(hid, wo_ref[...], preferred_element_type=_f32)
                    + bo_ref[...])


def _tc0(x, w0, b0, degp):
    return pl.pallas_call(
        _tc0_body,
        out_shape=[
            jax.ShapeDtypeStruct((NPAD, H), _f32),
            jax.ShapeDtypeStruct((NPAD, 1), _f32),
        ],
    )(x, w0, b0, degp)


_TCG = 8
_TBR = NPAD // _TCG


def _tc_layer(acc, invs, w, b):
    return pl.pallas_call(
        _tc_layer_body,
        grid=(_TCG,),
        in_specs=[
            pl.BlockSpec((_TBR, H), lambda i: (i, 0)),
            pl.BlockSpec((_TBR, H), lambda i: (i + _TCG, 0)),
            pl.BlockSpec((_TBR, 1), lambda i: (i, 0)),
            pl.BlockSpec((H, H), lambda i: (0, 0)),
            pl.BlockSpec((1, H), lambda i: (0, 0)),
        ],
        out_specs=pl.BlockSpec((_TBR, H), lambda i: (i, 0)),
        out_shape=jax.ShapeDtypeStruct((NPAD, H), _f32),
    )(acc, acc, invs, w, b)


def _tc_final(acc, invs, batch_pad, wh, bh, wo, bo):
    return pl.pallas_call(
        _tc_final_body,
        out_shape=jax.ShapeDtypeStruct((64, 32), _f32),
    )(acc, invs, batch_pad, wh, bh, wo, bo)



def kernel(x, edge_index, batch, W0, b0, W1, b1, W2, b2, W3, b3, W4, b4,
           Wh, bh, Wo, bo):
    src = edge_index[0].astype(jnp.int32)
    dst = edge_index[1].astype(jnp.int32)
    pad = jnp.full((EPAD - E,), N, dtype=jnp.int32)
    srcm = jnp.concatenate([src, pad]).reshape(NW * K, CH)
    dstm = jnp.concatenate([dst, pad]).reshape(NW * K, CH)

    batch_pad = jnp.concatenate(
        [batch.astype(jnp.int32),
         jnp.full((NPAD - N,), 64, dtype=jnp.int32)]).reshape(NPAD, 1)

    z16 = jnp.zeros((NPAD, DEGW), _f32)
    z64 = jnp.zeros((NPAD, H), _f32)
    ones16 = jnp.ones((CH, DEGW), _f32)

    degp = _deg_call(dstm, z16, ones16)
    h, invs = _tc0(x, W0, b0.reshape(1, H), degp)
    for (W, b) in ((W1, b1), (W2, b2), (W3, b3), (W4, b4)):
        acc = _agg_call(h, srcm, dstm, z64)
        h = _tc_layer(acc, invs, W, b.reshape(1, H))
    acc = _agg_call(h, srcm, dstm, z64)
    return _tc_final(acc, invs, batch_pad, Wh, bh.reshape(1, H),
                     Wo, bo.reshape(1, 32))

# --- scband reference (transcript-rebuilt; emitter-appended) ---
"""Pipeline reference for scband-orthogonal-gcn-50792283243035 (READ-ONLY COPY).

The authoritative reference and input builder live on the scoring server;
editing this copy changes nothing except your own understanding.
"""

import jax, jax.numpy as jnp
import numpy as np

HIDDEN = 64
NUM_GRAPHS = 64


def gcn_conv(x, W, b, src, dst, n):
    # OrthogonalGCNConvLayer: linear transform + symmetric-normalized
    # scatter-add aggregation + ReLU (hermitian variant treated as real GCN conv)
    h = x @ W + b
    deg = jnp.zeros((n,), dtype=x.dtype).at[dst].add(1.0)
    deg = jnp.maximum(deg, 1.0)
    inv_sqrt = 1.0 / jnp.sqrt(deg)
    norm = inv_sqrt[src] * inv_sqrt[dst]
    msg = h[src] * norm[:, None]
    out = jnp.zeros((n, h.shape[1]), dtype=x.dtype).at[dst].add(msg)
    return jax.nn.relu(out)


def setup_inputs(seed: int = 0):
    key = jax.random.key(seed)
    ks = jax.random.split(key, 20)
    n, d, e = 10000, 128, 320000
    out_dim = 32
    inp = {}
    inp['x'] = jax.random.normal(ks[0], (n, d), dtype=jnp.float32)
    inp['edge_index'] = jax.random.randint(ks[1], (2, e), 0, n)
    inp['batch'] = jnp.sort(jax.random.randint(ks[2], (n,), 0, NUM_GRAPHS))
    # conv layer params: input->hidden, then 4 hidden->hidden (use_hermitian)
    inp['W0'] = jax.random.normal(ks[3], (d, HIDDEN), dtype=jnp.float32) * (1.0 / np.sqrt(d))
    inp['b0'] = jnp.zeros((HIDDEN,), dtype=jnp.float32)
    for i in range(1, 5):
        inp['W%d' % i] = jax.random.normal(ks[3 + i], (HIDDEN, HIDDEN), dtype=jnp.float32) * (1.0 / np.sqrt(HIDDEN))
        inp['b%d' % i] = jnp.zeros((HIDDEN,), dtype=jnp.float32)
    inp['Wh'] = jax.random.normal(ks[10], (HIDDEN, HIDDEN), dtype=jnp.float32) * (1.0 / np.sqrt(HIDDEN))
    inp['bh'] = jnp.zeros((HIDDEN,), dtype=jnp.float32)
    inp['Wo'] = jax.random.normal(ks[11], (HIDDEN, out_dim), dtype=jnp.float32) * (1.0 / np.sqrt(HIDDEN))
    inp['bo'] = jnp.zeros((out_dim,), dtype=jnp.float32)
    return inp


def reference(x, edge_index, batch, W0, b0, W1, b1, W2, b2, W3, b3, W4, b4, Wh, bh, Wo, bo):
    n = x.shape[0]
    src = edge_index[0]
    dst = edge_index[1]
    h = gcn_conv(x, W0, b0, src, dst, n)
    for (W, b) in ((W1, b1), (W2, b2), (W3, b3), (W4, b4)):
        h = gcn_conv(h, W, b, src, dst, n)
    # global_mean_pool over data.batch
    sums = jax.ops.segment_sum(h, batch, num_segments=NUM_GRAPHS)
    counts = jax.ops.segment_sum(jnp.ones((n,), dtype=h.dtype), batch, num_segments=NUM_GRAPHS)
    pooled = sums / jnp.maximum(counts, 1.0)[:, None]
    hid = jax.nn.relu(pooled @ Wh + bh)
    return hid @ Wo + bo

if __name__ == "__main__":
    import jax
    _d = setup_inputs()
    print(jax.jit(kernel)(*tuple(_d.values())))

</pallas_src>

<mosaic_0001>
#map = affine_map<(d0, d1) -> (0, 0)>
module attributes {stable_mosaic.version = 14 : i64} {
  func.func @_deg_body(%arg0: i32, %arg1: i32, %arg2: memref<2560x128xi32, #tpu.memory_space<hbm>>, %arg3: memref<10112x16xf32, #tpu.memory_space<hbm>>, %arg4: memref<128x16xf32, #tpu.memory_space<hbm>>, %arg5: memref<20224x16xf32, #tpu.memory_space<hbm>>, %arg6: memref<80x128xi32, #tpu.memory_space<vmem>>, %arg7: memref<128x16xf32, #tpu.memory_space<vmem>>, %arg8: memref<10112x16xf32, #tpu.memory_space<vmem_shared>>, %arg9: memref<!tpu.dma_semaphore, #tpu.memory_space<semaphore_mem>>, %arg10: memref<!tpu.dma_semaphore, #tpu.memory_space<semaphore_mem>>) attributes {dimension_semantics = [#tpu.dimension_semantics<core_parallel>, #tpu.dimension_semantics<subcore_parallel>], iteration_bounds = array<i64: 2, 16>, scalar_prefetch = 0 : i64, scratch_operands = 5 : i64, tpu.core_type = #tpu.core_type<sc_vector_subcore>, window_params = [{transform_indices = #map}, {transform_indices = #map}, {transform_indices = #map}, {transform_indices = #map}]} {
    %mul3A = arith.constant 16 : i32
    %mul3A_0 = arith.muli %arg0, %mul3A : i32
    %add3A = arith.addi %mul3A_0, %arg1 : i32
    %mul3A_1 = arith.constant 80 : i32
    %mul3A_2 = arith.muli %add3A, %mul3A_1 : i32
    "tpu.region"() ({
      %run_scoped3A = tpu.sem_alloc : memref<!tpu.dma_semaphore, #tpu.memory_space<semaphore_mem>>
      %dma_start3A = arith.constant 0 : i32
      %dma_start3A_33 = tpu.memref_slice %arg2[%mul3A_2, %dma_start3A] : memref<2560x128xi32, #tpu.memory_space<hbm>> -> memref<80x128xi32, #tpu.memory_space<hbm>>
      %dma_start3A_34 = arith.constant 0 : i32
      %dma_start3A_35 = tpu.memref_slice %arg2[%mul3A_2, %dma_start3A_34] : memref<2560x128xi32, #tpu.memory_space<hbm>> -> memref<80x128xi32, #tpu.memory_space<hbm>>
      tpu.enqueue_dma source(%dma_start3A_35 : memref<80x128xi32, #tpu.memory_space<hbm>>) target(%arg6 : memref<80x128xi32, #tpu.memory_space<vmem>>) target_semaphore(%run_scoped3A : memref<!tpu.dma_semaphore, #tpu.memory_space<semaphore_mem>>)
      %dma_wait3A_36 = arith.constant 0 : i32
      %dma_wait3A_37 = tpu.memref_slice %arg2[%mul3A_2, %dma_wait3A_36] : memref<2560x128xi32, #tpu.memory_space<hbm>> -> memref<80x128xi32, #tpu.memory_space<hbm>>
      %dma_wait3A_38 = arith.constant 0 : i32
      %dma_wait3A_39 = tpu.memref_slice %arg2[%mul3A_2, %dma_wait3A_38] : memref<2560x128xi32, #tpu.memory_space<hbm>> -> memref<80x128xi32, #tpu.memory_space<hbm>>
      tpu.wait_dma2 semaphore(%run_scoped3A : memref<!tpu.dma_semaphore, #tpu.memory_space<semaphore_mem>>) src(%dma_wait3A_39 : memref<80x128xi32, #tpu.memory_space<hbm>>) dst(%arg6 : memref<80x128xi32, #tpu.memory_space<vmem>>)
      tpu.yield
    }) : () -> ()
    "tpu.region"() ({
      %run_scoped3A = tpu.sem_alloc : memref<!tpu.dma_semaphore, #tpu.memory_space<semaphore_mem>>
      tpu.enqueue_dma source(%arg4 : memref<128x16xf32, #tpu.memory_space<hbm>>) target(%arg7 : memref<128x16xf32, #tpu.memory_space<vmem>>) target_semaphore(%run_scoped3A : memref<!tpu.dma_semaphore, #tpu.memory_space<semaphore_mem>>)
      tpu.wait_dma2 semaphore(%run_scoped3A : memref<!tpu.dma_semaphore, #tpu.memory_space<semaphore_mem>>) src(%arg4 : memref<128x16xf32, #tpu.memory_space<hbm>>) dst(%arg7 : memref<128x16xf32, #tpu.memory_space<vmem>>)
      tpu.yield
    }) : () -> ()
    %mul3A_3 = arith.constant 632 : i32
    %mul3A_4 = arith.muli %arg1, %mul3A_3 : i32
    %mul3A_5 = arith.constant 632 : i32
    %mul3A_6 = arith.muli %arg1, %mul3A_5 : i32
    "tpu.region"() ({
      %run_scoped3A = tpu.sem_alloc : memref<!tpu.dma_semaphore, #tpu.memory_space<semaphore_mem>>
      %dma_start3A = arith.constant 0 : i32
      %dma_start3A_33 = tpu.memref_slice %arg8[%mul3A_6, %dma_start3A] : memref<10112x16xf32, #tpu.memory_space<vmem_shared>> -> memref<632x16xf32, #tpu.memory_space<vmem_shared>>
      %dma_start3A_34 = arith.constant 0 : i32
      %dma_start3A_35 = tpu.memref_slice %arg3[%mul3A_4, %dma_start3A_34] : memref<10112x16xf32, #tpu.memory_space<hbm>> -> memref<632x16xf32, #tpu.memory_space<hbm>>
      tpu.enqueue_dma source(%dma_start3A_35 : memref<632x16xf32, #tpu.memory_space<hbm>>) target(%dma_start3A_33 : memref<632x16xf32, #tpu.memory_space<vmem_shared>>) target_semaphore(%run_scoped3A : memref<!tpu.dma_semaphore, #tpu.memory_space<semaphore_mem>>)
      %dma_wait3A_36 = arith.constant 0 : i32
      %dma_wait3A_37 = tpu.memref_slice %arg8[%mul3A_6, %dma_wait3A_36] : memref<10112x16xf32, #tpu.memory_space<vmem_shared>> -> memref<632x16xf32, #tpu.memory_space<vmem_shared>>
      %dma_wait3A_38 = arith.constant 0 : i32
      %dma_wait3A_39 = tpu.memref_slice %arg3[%mul3A_4, %dma_wait3A_38] : memref<10112x16xf32, #tpu.memory_space<hbm>> -> memref<632x16xf32, #tpu.memory_space<hbm>>
      tpu.wait_dma2 semaphore(%run_scoped3A : memref<!tpu.dma_semaphore, #tpu.memory_space<semaphore_mem>>) src(%dma_wait3A_39 : memref<632x16xf32, #tpu.memory_space<hbm>>) dst(%dma_wait3A_37 : memref<632x16xf32, #tpu.memory_space<vmem_shared>>)
      tpu.yield
    }) : () -> ()
    %barrier3A = arith.constant 0 : index
    tpu.barrier barrier_id(%barrier3A)
    %scan3A = arith.constant 0 : i32
    %scan3A_7 = arith.constant 0 : i32
    %scan3A_8 = arith.constant 40 : i32
    %scan3A_9 = arith.addi %scan3A_7, %scan3A_8 : i32
    %scan3A_10 = arith.constant 1 : i32
    scf.for %scan3A_33 = %scan3A_7 to %scan3A_9 step %scan3A_10  : i32 {
      %mul3A_34 = arith.constant 2 : i32
      %mul3A_35 = arith.muli %scan3A_33, %mul3A_34 : i32
      %add3A_36 = arith.constant 0 : i32
      %add3A_37 = arith.addi %mul3A_35, %add3A_36 : i32
      %ge3A = arith.constant 2 : i32
      %ge3A_38 = arith.cmpi sge, %add3A_37, %ge3A : i32
      %convert_element_type3A = arith.extui %ge3A_38 : i1 to i32
      %cond3A = arith.constant 0 : i32
      %cond3A_39 = arith.cmpi ne, %convert_element_type3A, %cond3A : i32
      scf.if %cond3A_39 {
        %sub3A = arith.constant 2 : i32
        %sub3A_58 = arith.subi %add3A_37, %sub3A : i32
        %dma_wait3A_59 = arith.constant 0 : i32
        %dma_wait3A_60 = tpu.memref_slice %arg6[%sub3A_58, %dma_wait3A_59] : memref<80x128xi32, #tpu.memory_space<vmem>> -> memref<1x128xi32, #tpu.memory_space<vmem>>
        %dma_wait3A_61 = tpu.memref_squeeze %dma_wait3A_60 : memref<1x128xi32, #tpu.memory_space<vmem>> -> memref<128xi32, #tpu.memory_space<vmem>>
        %dma_wait3A_62 = arith.constant 0 : i32
        %dma_wait3A_63 = arith.constant 0 : i32
        %dma_wait3A_64 = tpu.memref_slice %arg8[%dma_wait3A_62, %dma_wait3A_63] : memref<10112x16xf32, #tpu.memory_space<vmem_shared>> -> memref<10112x16xf32, #tpu.memory_space<vmem_shared>>
        tpu.wait_indirect_dma semaphore(%arg9 : memref<!tpu.dma_semaphore, #tpu.memory_space<semaphore_mem>>) src(%arg7 : memref<128x16xf32, #tpu.memory_space<vmem>>) dst(%dma_wait3A_64 : memref<10112x16xf32, #tpu.memory_space<vmem_shared>>)
      } else {
      }
      %dma_start3A = arith.constant 0 : i32
      %dma_start3A_40 = tpu.memref_slice %arg6[%add3A_37, %dma_start3A] : memref<80x128xi32, #tpu.memory_space<vmem>> -> memref<1x128xi32, #tpu.memory_space<vmem>>
      %dma_start3A_41 = tpu.memref_squeeze %dma_start3A_40 : memref<1x128xi32, #tpu.memory_space<vmem>> -> memref<128xi32, #tpu.memory_space<vmem>>
      %dma_start3A_42 = arith.constant 0 : i32
      %dma_start3A_43 = arith.constant 0 : i32
      %dma_start3A_44 = tpu.memref_slice %arg8[%dma_start3A_42, %dma_start3A_43] : memref<10112x16xf32, #tpu.memory_space<vmem_shared>> -> memref<10112x16xf32, #tpu.memory_space<vmem_shared>>
      tpu.enqueue_indirect_dma source(%arg7 : memref<128x16xf32, #tpu.memory_space<vmem>>) target(%dma_start3A_44 : memref<10112x16xf32, #tpu.memory_space<vmem_shared>>) offsets(%dma_start3A_41 : memref<128xi32, #tpu.memory_space<vmem>>) semaphore(%arg9 : memref<!tpu.dma_semaphore, #tpu.memory_space<semaphore_mem>>) {add = true}
      %add3A_45 = arith.constant 1 : i32
      %add3A_46 = arith.addi %mul3A_35, %add3A_45 : i32
      %ge3A_47 = arith.constant 2 : i32
      %ge3A_48 = arith.cmpi sge, %add3A_46, %ge3A_47 : i32
      %convert_element_type3A_49 = arith.extui %ge3A_48 : i1 to i32
      %cond3A_50 = arith.constant 0 : i32
      %cond3A_51 = arith.cmpi ne, %convert_element_type3A_49, %cond3A_50 : i32
      scf.if %cond3A_51 {
        %sub3A = arith.constant 2 : i32
        %sub3A_58 = arith.subi %add3A_46, %sub3A : i32
        %dma_wait3A_59 = arith.constant 0 : i32
        %dma_wait3A_60 = tpu.memref_slice %arg6[%sub3A_58, %dma_wait3A_59] : memref<80x128xi32, #tpu.memory_space<vmem>> -> memref<1x128xi32, #tpu.memory_space<vmem>>
        %dma_wait3A_61 = tpu.memref_squeeze %dma_wait3A_60 : memref<1x128xi32, #tpu.memory_space<vmem>> -> memref<128xi32, #tpu.memory_space<vmem>>
        %dma_wait3A_62 = arith.constant 0 : i32
        %dma_wait3A_63 = arith.constant 0 : i32
        %dma_wait3A_64 = tpu.memref_slice %arg8[%dma_wait3A_62, %dma_wait3A_63] : memref<10112x16xf32, #tpu.memory_space<vmem_shared>> -> memref<10112x16xf32, #tpu.memory_space<vmem_shared>>
        tpu.wait_indirect_dma semaphore(%arg10 : memref<!tpu.dma_semaphore, #tpu.memory_space<semaphore_mem>>) src(%arg7 : memref<128x16xf32, #tpu.memory_space<vmem>>) dst(%dma_wait3A_64 : memref<10112x16xf32, #tpu.memory_space<vmem_shared>>)
      } else {
      }
      %dma_start3A_52 = arith.constant 0 : i32
      %dma_start3A_53 = tpu.memref_slice %arg6[%add3A_46, %dma_start3A_52] : memref<80x128xi32, #tpu.memory_space<vmem>> -> memref<1x128xi32, #tpu.memory_space<vmem>>
      %dma_start3A_54 = tpu.memref_squeeze %dma_start3A_53 : memref<1x128xi32, #tpu.memory_space<vmem>> -> memref<128xi32, #tpu.memory_space<vmem>>
      %dma_start3A_55 = arith.constant 0 : i32
      %dma_start3A_56 = arith.constant 0 : i32
      %dma_start3A_57 = tpu.memref_slice %arg8[%dma_start3A_55, %dma_start3A_56] : memref<10112x16xf32, #tpu.memory_space<vmem_shared>> -> memref<10112x16xf32, #tpu.memory_space<vmem_shared>>
      tpu.enqueue_indirect_dma source(%arg7 : memref<128x16xf32, #tpu.memory_space<vmem>>) target(%dma_start3A_57 : memref<10112x16xf32, #tpu.memory_space<vmem_shared>>) offsets(%dma_start3A_54 : memref<128xi32, #tpu.memory_space<vmem>>) semaphore(%arg10 : memref<!tpu.dma_semaphore, #tpu.memory_space<semaphore_mem>>) {add = true}
    }
    %scan3A_11 = arith.constant 40 : i32
    %dma_wait3A = arith.constant 78 : i32
    %dma_wait3A_12 = arith.constant 0 : i32
    %dma_wait3A_13 = tpu.memref_slice %arg6[%dma_wait3A, %dma_wait3A_12] : memref<80x128xi32, #tpu.memory_space<vmem>> -> memref<1x128xi32, #tpu.memory_space<vmem>>
    %dma_wait3A_14 = tpu.memref_squeeze %dma_wait3A_13 : memref<1x128xi32, #tpu.memory_space<vmem>> -> memref<128xi32, #tpu.memory_space<vmem>>
    %dma_wait3A_15 = arith.constant 0 : i32
    %dma_wait3A_16 = arith.constant 0 : i32
    %dma_wait3A_17 = tpu.memref_slice %arg8[%dma_wait3A_15, %dma_wait3A_16] : memref<10112x16xf32, #tpu.memory_space<vmem_shared>> -> memref<10112x16xf32, #tpu.memory_space<vmem_shared>>
    tpu.wait_indirect_dma semaphore(%arg9 : memref<!tpu.dma_semaphore, #tpu.memory_space<semaphore_mem>>) src(%arg7 : memref<128x16xf32, #tpu.memory_space<vmem>>) dst(%dma_wait3A_17 : memref<10112x16xf32, #tpu.memory_space<vmem_shared>>)
    %dma_wait3A_18 = arith.constant 79 : i32
    %dma_wait3A_19 = arith.constant 0 : i32
    %dma_wait3A_20 = tpu.memref_slice %arg6[%dma_wait3A_18, %dma_wait3A_19] : memref<80x128xi32, #tpu.memory_space<vmem>> -> memref<1x128xi32, #tpu.memory_space<vmem>>
    %dma_wait3A_21 = tpu.memref_squeeze %dma_wait3A_20 : memref<1x128xi32, #tpu.memory_space<vmem>> -> memref<128xi32, #tpu.memory_space<vmem>>
    %dma_wait3A_22 = arith.constant 0 : i32
    %dma_wait3A_23 = arith.constant 0 : i32
    %dma_wait3A_24 = tpu.memref_slice %arg8[%dma_wait3A_22, %dma_wait3A_23] : memref<10112x16xf32, #tpu.memory_space<vmem_shared>> -> memref<10112x16xf32, #tpu.memory_space<vmem_shared>>
    tpu.wait_indirect_dma semaphore(%arg10 : memref<!tpu.dma_semaphore, #tpu.memory_space<semaphore_mem>>) src(%arg7 : memref<128x16xf32, #tpu.memory_space<vmem>>) dst(%dma_wait3A_24 : memref<10112x16xf32, #tpu.memory_space<vmem_shared>>)
    %barrier3A_25 = arith.constant 0 : index
    tpu.barrier barrier_id(%barrier3A_25)
    %mul3A_26 = arith.constant 632 : i32
    %mul3A_27 = arith.muli %arg1, %mul3A_26 : i32
    %mul3A_28 = arith.constant 10112 : i32
    %mul3A_29 = arith.muli %arg0, %mul3A_28 : i32
    %mul3A_30 = arith.constant 632 : i32
    %mul3A_31 = arith.muli %arg1, %mul3A_30 : i32
    %add3A_32 = arith.addi %mul3A_29, %mul3A_31 : i32
    "tpu.region"() ({
      %run_scoped3A = tpu.sem_alloc : memref<!tpu.dma_semaphore, #tpu.memory_space<semaphore_mem>>
      %dma_start3A = arith.constant 0 : i32
      %dma_start3A_33 = tpu.memref_slice %arg5[%add3A_32, %dma_start3A] : memref<20224x16xf32, #tpu.memory_space<hbm>> -> memref<632x16xf32, #tpu.memory_space<hbm>>
      %dma_start3A_34 = arith.constant 0 : i32
      %dma_start3A_35 = tpu.memref_slice %arg8[%mul3A_27, %dma_start3A_34] : memref<10112x16xf32, #tpu.memory_space<vmem_shared>> -> memref<632x16xf32, #tpu.memory_space<vmem_shared>>
      tpu.enqueue_dma source(%dma_start3A_35 : memref<632x16xf32, #tpu.memory_space<vmem_shared>>) target(%dma_start3A_33 : memref<632x16xf32, #tpu.memory_space<hbm>>) target_semaphore(%run_scoped3A : memref<!tpu.dma_semaphore, #tpu.memory_space<semaphore_mem>>)
      %dma_wait3A_36 = arith.constant 0 : i32
      %dma_wait3A_37 = tpu.memref_slice %arg5[%add3A_32, %dma_wait3A_36] : memref<20224x16xf32, #tpu.memory_space<hbm>> -> memref<632x16xf32, #tpu.memory_space<hbm>>
      %dma_wait3A_38 = arith.constant 0 : i32
      %dma_wait3A_39 = tpu.memref_slice %arg8[%mul3A_27, %dma_wait3A_38] : memref<10112x16xf32, #tpu.memory_space<vmem_shared>> -> memref<632x16xf32, #tpu.memory_space<vmem_shared>>
      tpu.wait_dma2 semaphore(%run_scoped3A : memref<!tpu.dma_semaphore, #tpu.memory_space<semaphore_mem>>) src(%dma_wait3A_39 : memref<632x16xf32, #tpu.memory_space<vmem_shared>>) dst(%dma_wait3A_37 : memref<632x16xf32, #tpu.memory_space<hbm>>)
      tpu.yield
    }) : () -> ()
    return
  }
}

#map = affine_map<(d0, d1) -> (0, 0)>
module attributes {stable_mosaic.version = 14 : i64} {
  func.func @_agg_body(%arg0: i32, %arg1: i32, %arg2: memref<10112x64xf32, #tpu.memory_space<hbm>>, %arg3: memref<2560x128xi32, #tpu.memory_space<hbm>>, %arg4: memref<2560x128xi32, #tpu.memory_space<hbm>>, %arg5: memref<10112x64xf32, #tpu.memory_space<hbm>>, %arg6: memref<20224x64xf32, #tpu.memory_space<hbm>>, %arg7: memref<80x128xi32, #tpu.memory_space<vmem>>, %arg8: memref<80x128xi32, #tpu.memory_space<vmem>>, %arg9: memref<256x64xf32, #tpu.memory_space<vmem>>, %arg10: memref<10112x64xf32, #tpu.memory_space<vmem_shared>>, %arg11: memref<10112x64xf32, #tpu.memory_space<vmem_shared>>, %arg12: memref<!tpu.dma_semaphore, #tpu.memory_space<semaphore_mem>>, %arg13: memref<!tpu.dma_semaphore, #tpu.memory_space<semaphore_mem>>, %arg14: memref<!tpu.dma_semaphore, #tpu.memory_space<semaphore_mem>>, %arg15: memref<!tpu.dma_semaphore, #tpu.memory_space<semaphore_mem>>) attributes {dimension_semantics = [#tpu.dimension_semantics<core_parallel>, #tpu.dimension_semantics<subcore_parallel>], iteration_bounds = array<i64: 2, 16>, scalar_prefetch = 0 : i64, scratch_operands = 9 : i64, tpu.core_type = #tpu.core_type<sc_vector_subcore>, window_params = [{transform_indices = #map}, {transform_indices = #map}, {transform_indices = #map}, {transform_indices = #map}, {transform_indices = #map}]} {
    %mul3A = arith.constant 16 : i32
    %mul3A_0 = arith.muli %arg0, %mul3A : i32
    %add3A = arith.addi %mul3A_0, %arg1 : i32
    %mul3A_1 = arith.constant 80 : i32
    %mul3A_2 = arith.muli %add3A, %mul3A_1 : i32
    %dma_start3A = arith.constant 0 : i32
    %dma_start3A_3 = tpu.memref_slice %arg3[%mul3A_2, %dma_start3A] : memref<2560x128xi32, #tpu.memory_space<hbm>> -> memref<80x128xi32, #tpu.memory_space<hbm>>
    %dma_start3A_4 = arith.constant 0 : i32
    %dma_start3A_5 = tpu.memref_slice %arg3[%mul3A_2, %dma_start3A_4] : memref<2560x128xi32, #tpu.memory_space<hbm>> -> memref<80x128xi32, #tpu.memory_space<hbm>>
    tpu.enqueue_dma source(%dma_start3A_5 : memref<80x128xi32, #tpu.memory_space<hbm>>) target(%arg7 : memref<80x128xi32, #tpu.memory_space<vmem>>) target_semaphore(%arg12 : memref<!tpu.dma_semaphore, #tpu.memory_space<semaphore_mem>>)
    %mul3A_6 = arith.constant 80 : i32
    %mul3A_7 = arith.muli %add3A, %mul3A_6 : i32
    %dma_start3A_8 = arith.constant 0 : i32
    %dma_start3A_9 = tpu.memref_slice %arg4[%mul3A_7, %dma_start3A_8] : memref<2560x128xi32, #tpu.memory_space<hbm>> -> memref<80x128xi32, #tpu.memory_space<hbm>>
    %dma_start3A_10 = arith.constant 0 : i32
    %dma_start3A_11 = tpu.memref_slice %arg4[%mul3A_7, %dma_start3A_10] : memref<2560x128xi32, #tpu.memory_space<hbm>> -> memref<80x128xi32, #tpu.memory_space<hbm>>
    tpu.enqueue_dma source(%dma_start3A_11 : memref<80x128xi32, #tpu.memory_space<hbm>>) target(%arg8 : memref<80x128xi32, #tpu.memory_space<vmem>>) target_semaphore(%arg13 : memref<!tpu.dma_semaphore, #tpu.memory_space<semaphore_mem>>)
    %mul3A_12 = arith.constant 632 : i32
    %mul3A_13 = arith.muli %arg1, %mul3A_12 : i32
    %mul3A_14 = arith.constant 632 : i32
    %mul3A_15 = arith.muli %arg1, %mul3A_14 : i32
    %dma_start3A_16 = arith.constant 0 : i32
    %dma_start3A_17 = tpu.memref_slice %arg10[%mul3A_15, %dma_start3A_16] : memref<10112x64xf32, #tpu.memory_space<vmem_shared>> -> memref<632x64xf32, #tpu.memory_space<vmem_shared>>
    %dma_start3A_18 = arith.constant 0 : i32
    %dma_start3A_19 = tpu.memref_slice %arg5[%mul3A_13, %dma_start3A_18] : memref<10112x64xf32, #tpu.memory_space<hbm>> -> memref<632x64xf32, #tpu.memory_space<hbm>>
    tpu.enqueue_dma source(%dma_start3A_19 : memref<632x64xf32, #tpu.memory_space<hbm>>) target(%dma_start3A_17 : memref<632x64xf32, #tpu.memory_space<vmem_shared>>) target_semaphore(%arg14 : memref<!tpu.dma_semaphore, #tpu.memory_space<semaphore_mem>>)
    %mul3A_20 = arith.constant 632 : i32
    %mul3A_21 = arith.muli %arg1, %mul3A_20 : i32
    %mul3A_22 = arith.constant 632 : i32
    %mul3A_23 = arith.muli %arg1, %mul3A_22 : i32
    %dma_start3A_24 = arith.constant 0 : i32
    %dma_start3A_25 = tpu.memref_slice %arg11[%mul3A_23, %dma_start3A_24] : memref<10112x64xf32, #tpu.memory_space<vmem_shared>> -> memref<632x64xf32, #tpu.memory_space<vmem_shared>>
    %dma_start3A_26 = arith.constant 0 : i32
    %dma_start3A_27 = tpu.memref_slice %arg2[%mul3A_21, %dma_start3A_26] : memref<10112x64xf32, #tpu.memory_space<hbm>> -> memref<632x64xf32, #tpu.memory_space<hbm>>
    tpu.enqueue_dma source(%dma_start3A_27 : memref<632x64xf32, #tpu.memory_space<hbm>>) target(%dma_start3A_25 : memref<632x64xf32, #tpu.memory_space<vmem_shared>>) target_semaphore(%arg15 : memref<!tpu.dma_semaphore, #tpu.memory_space<semaphore_mem>>)
    %dma_wait3A = arith.constant 0 : i32
    %dma_wait3A_28 = tpu.memref_slice %arg3[%mul3A_2, %dma_wait3A] : memref<2560x128xi32, #tpu.memory_space<hbm>> -> memref<80x128xi32, #tpu.memory_space<hbm>>
    %dma_wait3A_29 = arith.constant 0 : i32
    %dma_wait3A_30 = tpu.memref_slice %arg3[%mul3A_2, %dma_wait3A_29] : memref<2560x128xi32, #tpu.memory_space<hbm>> -> memref<80x128xi32, #tpu.memory_space<hbm>>
    tpu.wait_dma2 semaphore(%arg12 : memref<!tpu.dma_semaphore, #tpu.memory_space<semaphore_mem>>) src(%dma_wait3A_30 : memref<80x128xi32, #tpu.memory_space<hbm>>) dst(%arg7 : memref<80x128xi32, #tpu.memory_space<vmem>>)
    %dma_wait3A_31 = arith.constant 0 : i32
    %dma_wait3A_32 = tpu.memref_slice %arg4[%mul3A_7, %dma_wait3A_31] : memref<2560x128xi32, #tpu.memory_space<hbm>> -> memref<80x128xi32, #tpu.memory_space<hbm>>
    %dma_wait3A_33 = arith.constant 0 : i32
    %dma_wait3A_34 = tpu.memref_slice %arg4[%mul3A_7, %dma_wait3A_33] : memref<2560x128xi32, #tpu.memory_space<hbm>> -> memref<80x128xi32, #tpu.memory_space<hbm>>
    tpu.wait_dma2 semaphore(%arg13 : memref<!tpu.dma_semaphore, #tpu.memory_space<semaphore_mem>>) src(%dma_wait3A_34 : memref<80x128xi32, #tpu.memory_space<hbm>>) dst(%arg8 : memref<80x128xi32, #tpu.memory_space<vmem>>)
    %dma_wait3A_35 = arith.constant 0 : i32
    %dma_wait3A_36 = tpu.memref_slice %arg10[%mul3A_15, %dma_wait3A_35] : memref<10112x64xf32, #tpu.memory_space<vmem_shared>> -> memref<632x64xf32, #tpu.memory_space<vmem_shared>>
    %dma_wait3A_37 = arith.constant 0 : i32
    %dma_wait3A_38 = tpu.memref_slice %arg5[%mul3A_13, %dma_wait3A_37] : memref<10112x64xf32, #tpu.memory_space<hbm>> -> memref<632x64xf32, #tpu.memory_space<hbm>>
    tpu.wait_dma2 semaphore(%arg14 : memref<!tpu.dma_semaphore, #tpu.memory_space<semaphore_mem>>) src(%dma_wait3A_38 : memref<632x64xf32, #tpu.memory_space<hbm>>) dst(%dma_wait3A_36 : memref<632x64xf32, #tpu.memory_space<vmem_shared>>)
    %dma_wait3A_39 = arith.constant 0 : i32
    %dma_wait3A_40 = tpu.memref_slice %arg11[%mul3A_23, %dma_wait3A_39] : memref<10112x64xf32, #tpu.memory_space<vmem_shared>> -> memref<632x64xf32, #tpu.memory_space<vmem_shared>>
    %dma_wait3A_41 = arith.constant 0 : i32
    %dma_wait3A_42 = tpu.memref_slice %arg2[%mul3A_21, %dma_wait3A_41] : memref<10112x64xf32, #tpu.memory_space<hbm>> -> memref<632x64xf32, #tpu.memory_space<hbm>>
    tpu.wait_dma2 semaphore(%arg15 : memref<!tpu.dma_semaphore, #tpu.memory_space<semaphore_mem>>) src(%dma_wait3A_42 : memref<632x64xf32, #tpu.memory_space<hbm>>) dst(%dma_wait3A_40 : memref<632x64xf32, #tpu.memory_space<vmem_shared>>)
    %barrier3A = arith.constant 0 : index
    tpu.barrier barrier_id(%barrier3A)
    %dma_start3A_43 = arith.constant 0 : i32
    %dma_start3A_44 = arith.constant 0 : i32
    %dma_start3A_45 = arith.constant 0 : i32
    %dma_start3A_46 = tpu.memref_slice %arg9[%dma_start3A_44, %dma_start3A_45] : memref<256x64xf32, #tpu.memory_space<vmem>> -> memref<128x64xf32, #tpu.memory_space<vmem>>
    %dma_start3A_47 = arith.constant 0 : i32
    %dma_start3A_48 = tpu.memref_slice %arg7[%dma_start3A_43, %dma_start3A_47] : memref<80x128xi32, #tpu.memory_space<vmem>> -> memref<1x128xi32, #tpu.memory_space<vmem>>
    %dma_start3A_49 = tpu.memref_squeeze %dma_start3A_48 : memref<1x128xi32, #tpu.memory_space<vmem>> -> memref<128xi32, #tpu.memory_space<vmem>>
    %dma_start3A_50 = arith.constant 0 : i32
    %dma_start3A_51 = arith.constant 0 : i32
    %dma_start3A_52 = tpu.memref_slice %arg11[%dma_start3A_50, %dma_start3A_51] : memref<10112x64xf32, #tpu.memory_space<vmem_shared>> -> memref<10112x64xf32, #tpu.memory_space<vmem_shared>>
    tpu.enqueue_indirect_dma source(%dma_start3A_52 : memref<10112x64xf32, #tpu.memory_space<vmem_shared>>) target(%dma_start3A_46 : memref<128x64xf32, #tpu.memory_space<vmem>>) offsets(%dma_start3A_49 : memref<128xi32, #tpu.memory_space<vmem>>) semaphore(%arg12 : memref<!tpu.dma_semaphore, #tpu.memory_space<semaphore_mem>>)
    %dma_start3A_53 = arith.constant 1 : i32
    %dma_start3A_54 = arith.constant 128 : i32
    %dma_start3A_55 = arith.constant 0 : i32
    %dma_start3A_56 = tpu.memref_slice %arg9[%dma_start3A_54, %dma_start3A_55] : memref<256x64xf32, #tpu.memory_space<vmem>> -> memref<128x64xf32, #tpu.memory_space<vmem>>
    %dma_start3A_57 = arith.constant 0 : i32
    %dma_start3A_58 = tpu.memref_slice %arg7[%dma_start3A_53, %dma_start3A_57] : memref<80x128xi32, #tpu.memory_space<vmem>> -> memref<1x128xi32, #tpu.memory_space<vmem>>
    %dma_start3A_59 = tpu.memref_squeeze %dma_start3A_58 : memref<1x128xi32, #tpu.memory_space<vmem>> -> memref<128xi32, #tpu.memory_space<vmem>>
    %dma_start3A_60 = arith.constant 0 : i32
    %dma_start3A_61 = arith.constant 0 : i32
    %dma_start3A_62 = tpu.memref_slice %arg11[%dma_start3A_60, %dma_start3A_61] : memref<10112x64xf32, #tpu.memory_space<vmem_shared>> -> memref<10112x64xf32, #tpu.memory_space<vmem_shared>>
    tpu.enqueue_indirect_dma source(%dma_start3A_62 : memref<10112x64xf32, #tpu.memory_space<vmem_shared>>) target(%dma_start3A_56 : memref<128x64xf32, #tpu.memory_space<vmem>>) offsets(%dma_start3A_59 : memref<128xi32, #tpu.memory_space<vmem>>) semaphore(%arg13 : memref<!tpu.dma_semaphore, #tpu.memory_space<semaphore_mem>>)
    %scan3A = arith.constant 0 : i32
    %scan3A_63 = arith.constant 0 : i32
    %scan3A_64 = arith.constant 40 : i32
    %scan3A_65 = arith.addi %scan3A_63, %scan3A_64 : i32
    %scan3A_66 = arith.constant 1 : i32
    scf.for %scan3A_96 = %scan3A_63 to %scan3A_65 step %scan3A_66  : i32 {
      %mul3A_97 = arith.constant 2 : i32
      %mul3A_98 = arith.muli %scan3A_96, %mul3A_97 : i32
      %add3A_99 = arith.constant 0 : i32
      %add3A_100 = arith.addi %mul3A_98, %add3A_99 : i32
      %dma_wait3A_101 = arith.constant 0 : i32
      %dma_wait3A_102 = arith.constant 0 : i32
      %dma_wait3A_103 = tpu.memref_slice %arg9[%dma_wait3A_101, %dma_wait3A_102] : memref<256x64xf32, #tpu.memory_space<vmem>> -> memref<128x64xf32, #tpu.memory_space<vmem>>
      %dma_wait3A_104 = arith.constant 0 : i32
      %dma_wait3A_105 = tpu.memref_slice %arg7[%add3A_100, %dma_wait3A_104] : memref<80x128xi32, #tpu.memory_space<vmem>> -> memref<1x128xi32, #tpu.memory_space<vmem>>
      %dma_wait3A_106 = tpu.memref_squeeze %dma_wait3A_105 : memref<1x128xi32, #tpu.memory_space<vmem>> -> memref<128xi32, #tpu.memory_space<vmem>>
      %dma_wait3A_107 = arith.constant 0 : i32
      %dma_wait3A_108 = arith.constant 0 : i32
      %dma_wait3A_109 = tpu.memref_slice %arg11[%dma_wait3A_107, %dma_wait3A_108] : memref<10112x64xf32, #tpu.memory_space<vmem_shared>> -> memref<10112x64xf32, #tpu.memory_space<vmem_shared>>
      tpu.wait_indirect_dma semaphore(%arg12 : memref<!tpu.dma_semaphore, #tpu.memory_space<semaphore_mem>>) src(%dma_wait3A_109 : memref<10112x64xf32, #tpu.memory_space<vmem_shared>>) dst(%dma_wait3A_103 : memref<128x64xf32, #tpu.memory_space<vmem>>)
      %dma_start3A_110 = arith.constant 0 : i32
      %dma_start3A_111 = arith.constant 0 : i32
      %dma_start3A_112 = tpu.memref_slice %arg9[%dma_start3A_110, %dma_start3A_111] : memref<256x64xf32, #tpu.memory_space<vmem>> -> memref<128x64xf32, #tpu.memory_space<vmem>>
      %dma_start3A_113 = arith.constant 0 : i32
      %dma_start3A_114 = tpu.memref_slice %arg8[%add3A_100, %dma_start3A_113] : memref<80x128xi32, #tpu.memory_space<vmem>> -> memref<1x128xi32, #tpu.memory_space<vmem>>
      %dma_start3A_115 = tpu.memref_squeeze %dma_start3A_114 : memref<1x128xi32, #tpu.memory_space<vmem>> -> memref<128xi32, #tpu.memory_space<vmem>>
      %dma_start3A_116 = arith.constant 0 : i32
      %dma_start3A_117 = arith.constant 0 : i32
      %dma_start3A_118 = tpu.memref_slice %arg10[%dma_start3A_116, %dma_start3A_117] : memref<10112x64xf32, #tpu.memory_space<vmem_shared>> -> memref<10112x64xf32, #tpu.memory_space<vmem_shared>>
      tpu.enqueue_indirect_dma source(%dma_start3A_112 : memref<128x64xf32, #tpu.memory_space<vmem>>) target(%dma_start3A_118 : memref<10112x64xf32, #tpu.memory_space<vmem_shared>>) offsets(%dma_start3A_115 : memref<128xi32, #tpu.memory_space<vmem>>) semaphore(%arg14 : memref<!tpu.dma_semaphore, #tpu.memory_space<semaphore_mem>>) {add = true}
      %add3A_119 = arith.constant 1 : i32
      %add3A_120 = arith.addi %mul3A_98, %add3A_119 : i32
      %dma_wait3A_121 = arith.constant 128 : i32
      %dma_wait3A_122 = arith.constant 0 : i32
      %dma_wait3A_123 = tpu.memref_slice %arg9[%dma_wait3A_121, %dma_wait3A_122] : memref<256x64xf32, #tpu.memory_space<vmem>> -> memref<128x64xf32, #tpu.memory_space<vmem>>
      %dma_wait3A_124 = arith.constant 0 : i32
      %dma_wait3A_125 = tpu.memref_slice %arg7[%add3A_120, %dma_wait3A_124] : memref<80x128xi32, #tpu.memory_space<vmem>> -> memref<1x128xi32, #tpu.memory_space<vmem>>
      %dma_wait3A_126 = tpu.memref_squeeze %dma_wait3A_125 : memref<1x128xi32, #tpu.memory_space<vmem>> -> memref<128xi32, #tpu.memory_space<vmem>>
      %dma_wait3A_127 = arith.constant 0 : i32
      %dma_wait3A_128 = arith.constant 0 : i32
      %dma_wait3A_129 = tpu.memref_slice %arg11[%dma_wait3A_127, %dma_wait3A_128] : memref<10112x64xf32, #tpu.memory_space<vmem_shared>> -> memref<10112x64xf32, #tpu.memory_space<vmem_shared>>
      tpu.wait_indirect_dma semaphore(%arg13 : memref<!tpu.dma_semaphore, #tpu.memory_space<semaphore_mem>>) src(%dma_wait3A_129 : memref<10112x64xf32, #tpu.memory_space<vmem_shared>>) dst(%dma_wait3A_123 : memref<128x64xf32, #tpu.memory_space<vmem>>)
      %dma_start3A_130 = arith.constant 128 : i32
      %dma_start3A_131 = arith.constant 0 : i32
      %dma_start3A_132 = tpu.memref_slice %arg9[%dma_start3A_130, %dma_start3A_131] : memref<256x64xf32, #tpu.memory_space<vmem>> -> memref<128x64xf32, #tpu.memory_space<vmem>>
      %dma_start3A_133 = arith.constant 0 : i32
      %dma_start3A_134 = tpu.memref_slice %arg8[%add3A_120, %dma_start3A_133] : memref<80x128xi32, #tpu.memory_space<vmem>> -> memref<1x128xi32, #tpu.memory_space<vmem>>
      %dma_start3A_135 = tpu.memref_squeeze %dma_start3A_134 : memref<1x128xi32, #tpu.memory_space<vmem>> -> memref<128xi32, #tpu.memory_space<vmem>>
      %dma_start3A_136 = arith.constant 0 : i32
      %dma_start3A_137 = arith.constant 0 : i32
      %dma_start3A_138 = tpu.memref_slice %arg10[%dma_start3A_136, %dma_start3A_137] : memref<10112x64xf32, #tpu.memory_space<vmem_shared>> -> memref<10112x64xf32, #tpu.memory_space<vmem_shared>>
      tpu.enqueue_indirect_dma source(%dma_start3A_132 : memref<128x64xf32, #tpu.memory_space<vmem>>) target(%dma_start3A_138 : memref<10112x64xf32, #tpu.memory_space<vmem_shared>>) offsets(%dma_start3A_135 : memref<128xi32, #tpu.memory_space<vmem>>) semaphore(%arg15 : memref<!tpu.dma_semaphore, #tpu.memory_space<semaphore_mem>>) {add = true}
      %add3A_139 = arith.constant 0 : i32
      %add3A_140 = arith.addi %mul3A_98, %add3A_139 : i32
      %add3A_141 = arith.constant 2 : i32
      %add3A_142 = arith.addi %add3A_140, %add3A_141 : i32
      %lt3A = arith.constant 80 : i32
      %lt3A_143 = arith.cmpi slt, %add3A_142, %lt3A : i32
      %convert_element_type3A = arith.extui %lt3A_143 : i1 to i32
      %cond3A = arith.constant 0 : i32
      %cond3A_144 = arith.cmpi ne, %convert_element_type3A, %cond3A : i32
      scf.if %cond3A_144 {
        %dma_wait3A_154 = arith.constant 0 : i32
        %dma_wait3A_155 = arith.constant 0 : i32
        %dma_wait3A_156 = tpu.memref_slice %arg9[%dma_wait3A_154, %dma_wait3A_155] : memref<256x64xf32, #tpu.memory_space<vmem>> -> memref<128x64xf32, #tpu.memory_space<vmem>>
        %dma_wait3A_157 = arith.constant 0 : i32
        %dma_wait3A_158 = tpu.memref_slice %arg8[%add3A_140, %dma_wait3A_157] : memref<80x128xi32, #tpu.memory_space<vmem>> -> memref<1x128xi32, #tpu.memory_space<vmem>>
        %dma_wait3A_159 = tpu.memref_squeeze %dma_wait3A_158 : memref<1x128xi32, #tpu.memory_space<vmem>> -> memref<128xi32, #tpu.memory_space<vmem>>
        %dma_wait3A_160 = arith.constant 0 : i32
        %dma_wait3A_161 = arith.constant 0 : i32
        %dma_wait3A_162 = tpu.memref_slice %arg10[%dma_wait3A_160, %dma_wait3A_161] : memref<10112x64xf32, #tpu.memory_space<vmem_shared>> -> memref<10112x64xf32, #tpu.memory_space<vmem_shared>>
        tpu.wait_indirect_dma semaphore(%arg14 : memref<!tpu.dma_semaphore, #tpu.memory_space<semaphore_mem>>) src(%dma_wait3A_156 : memref<128x64xf32, #tpu.memory_space<vmem>>) dst(%dma_wait3A_162 : memref<10112x64xf32, #tpu.memory_space<vmem_shared>>)
        %add3A_163 = arith.constant 2 : i32
        %add3A_164 = arith.addi %add3A_140, %add3A_163 : i32
        %dma_start3A_165 = arith.constant 0 : i32
        %dma_start3A_166 = arith.constant 0 : i32
        %dma_start3A_167 = tpu.memref_slice %arg9[%dma_start3A_165, %dma_start3A_166] : memref<256x64xf32, #tpu.memory_space<vmem>> -> memref<128x64xf32, #tpu.memory_space<vmem>>
        %dma_start3A_168 = arith.constant 0 : i32
        %dma_start3A_169 = tpu.memref_slice %arg7[%add3A_164, %dma_start3A_168] : memref<80x128xi32, #tpu.memory_space<vmem>> -> memref<1x128xi32, #tpu.memory_space<vmem>>
        %dma_start3A_170 = tpu.memref_squeeze %dma_start3A_169 : memref<1x128xi32, #tpu.memory_space<vmem>> -> memref<128xi32, #tpu.memory_space<vmem>>
        %dma_start3A_171 = arith.constant 0 : i32
        %dma_start3A_172 = arith.constant 0 : i32
        %dma_start3A_173 = tpu.memref_slice %arg11[%dma_start3A_171, %dma_start3A_172] : memref<10112x64xf32, #tpu.memory_space<vmem_shared>> -> memref<10112x64xf32, #tpu.memory_space<vmem_shared>>
        tpu.enqueue_indirect_dma source(%dma_start3A_173 : memref<10112x64xf32, #tpu.memory_space<vmem_shared>>) target(%dma_start3A_167 : memref<128x64xf32, #tpu.memory_space<vmem>>) offsets(%dma_start3A_170 : memref<128xi32, #tpu.memory_space<vmem>>) semaphore(%arg12 : memref<!tpu.dma_semaphore, #tpu.memory_space<semaphore_mem>>)
      } else {
      }
      %add3A_145 = arith.constant 1 : i32
      %add3A_146 = arith.addi %mul3A_98, %add3A_145 : i32
      %add3A_147 = arith.constant 2 : i32
      %add3A_148 = arith.addi %add3A_146, %add3A_147 : i32
      %lt3A_149 = arith.constant 80 : i32
      %lt3A_150 = arith.cmpi slt, %add3A_148, %lt3A_149 : i32
      %convert_element_type3A_151 = arith.extui %lt3A_150 : i1 to i32
      %cond3A_152 = arith.constant 0 : i32
      %cond3A_153 = arith.cmpi ne, %convert_element_type3A_151, %cond3A_152 : i32
      scf.if %cond3A_153 {
        %dma_wait3A_154 = arith.constant 128 : i32
        %dma_wait3A_155 = arith.constant 0 : i32
        %dma_wait3A_156 = tpu.memref_slice %arg9[%dma_wait3A_154, %dma_wait3A_155] : memref<256x64xf32, #tpu.memory_space<vmem>> -> memref<128x64xf32, #tpu.memory_space<vmem>>
        %dma_wait3A_157 = arith.constant 0 : i32
        %dma_wait3A_158 = tpu.memref_slice %arg8[%add3A_146, %dma_wait3A_157] : memref<80x128xi32, #tpu.memory_space<vmem>> -> memref<1x128xi32, #tpu.memory_space<vmem>>
        %dma_wait3A_159 = tpu.memref_squeeze %dma_wait3A_158 : memref<1x128xi32, #tpu.memory_space<vmem>> -> memref<128xi32, #tpu.memory_space<vmem>>
        %dma_wait3A_160 = arith.constant 0 : i32
        %dma_wait3A_161 = arith.constant 0 : i32
        %dma_wait3A_162 = tpu.memref_slice %arg10[%dma_wait3A_160, %dma_wait3A_161] : memref<10112x64xf32, #tpu.memory_space<vmem_shared>> -> memref<10112x64xf32, #tpu.memory_space<vmem_shared>>
        tpu.wait_indirect_dma semaphore(%arg15 : memref<!tpu.dma_semaphore, #tpu.memory_space<semaphore_mem>>) src(%dma_wait3A_156 : memref<128x64xf32, #tpu.memory_space<vmem>>) dst(%dma_wait3A_162 : memref<10112x64xf32, #tpu.memory_space<vmem_shared>>)
        %add3A_163 = arith.constant 2 : i32
        %add3A_164 = arith.addi %add3A_146, %add3A_163 : i32
        %dma_start3A_165 = arith.constant 128 : i32
        %dma_start3A_166 = arith.constant 0 : i32
        %dma_start3A_167 = tpu.memref_slice %arg9[%dma_start3A_165, %dma_start3A_166] : memref<256x64xf32, #tpu.memory_space<vmem>> -> memref<128x64xf32, #tpu.memory_space<vmem>>
        %dma_start3A_168 = arith.constant 0 : i32
        %dma_start3A_169 = tpu.memref_slice %arg7[%add3A_164, %dma_start3A_168] : memref<80x128xi32, #tpu.memory_space<vmem>> -> memref<1x128xi32, #tpu.memory_space<vmem>>
        %dma_start3A_170 = tpu.memref_squeeze %dma_start3A_169 : memref<1x128xi32, #tpu.memory_space<vmem>> -> memref<128xi32, #tpu.memory_space<vmem>>
        %dma_start3A_171 = arith.constant 0 : i32
        %dma_start3A_172 = arith.constant 0 : i32
        %dma_start3A_173 = tpu.memref_slice %arg11[%dma_start3A_171, %dma_start3A_172] : memref<10112x64xf32, #tpu.memory_space<vmem_shared>> -> memref<10112x64xf32, #tpu.memory_space<vmem_shared>>
        tpu.enqueue_indirect_dma source(%dma_start3A_173 : memref<10112x64xf32, #tpu.memory_space<vmem_shared>>) target(%dma_start3A_167 : memref<128x64xf32, #tpu.memory_space<vmem>>) offsets(%dma_start3A_170 : memref<128xi32, #tpu.memory_space<vmem>>) semaphore(%arg13 : memref<!tpu.dma_semaphore, #tpu.memory_space<semaphore_mem>>)
      } else {
      }
    }
    %scan3A_67 = arith.constant 40 : i32
    %dma_wait3A_68 = arith.constant 78 : i32
    %dma_wait3A_69 = arith.constant 0 : i32
    %dma_wait3A_70 = arith.constant 0 : i32
    %dma_wait3A_71 = tpu.memref_slice %arg9[%dma_wait3A_69, %dma_wait3A_70] : memref<256x64xf32, #tpu.memory_space<vmem>> -> memref<128x64xf32, #tpu.memory_space<vmem>>
    %dma_wait3A_72 = arith.constant 0 : i32
    %dma_wait3A_73 = tpu.memref_slice %arg8[%dma_wait3A_68, %dma_wait3A_72] : memref<80x128xi32, #tpu.memory_space<vmem>> -> memref<1x128xi32, #tpu.memory_space<vmem>>
    %dma_wait3A_74 = tpu.memref_squeeze %dma_wait3A_73 : memref<1x128xi32, #tpu.memory_space<vmem>> -> memref<128xi32, #tpu.memory_space<vmem>>
    %dma_wait3A_75 = arith.constant 0 : i32
    %dma_wait3A_76 = arith.constant 0 : i32
    %dma_wait3A_77 = tpu.memref_slice %arg10[%dma_wait3A_75, %dma_wait3A_76] : memref<10112x64xf32, #tpu.memory_space<vmem_shared>> -> memref<10112x64xf32, #tpu.memory_space<vmem_shared>>
    tpu.wait_indirect_dma semaphore(%arg14 : memref<!tpu.dma_semaphore, #tpu.memory_space<semaphore_mem>>) src(%dma_wait3A_71 : memref<128x64xf32, #tpu.memory_space<vmem>>) dst(%dma_wait3A_77 : memref<10112x64xf32, #tpu.memory_space<vmem_shared>>)
    %dma_wait3A_78 = arith.constant 79 : i32
    %dma_wait3A_79 = arith.constant 128 : i32
    %dma_wait3A_80 = arith.constant 0 : i32
    %dma_wait3A_81 = tpu.memref_slice %arg9[%dma_wait3A_79, %dma_wait3A_80] : memref<256x64xf32, #tpu.memory_space<vmem>> -> memref<128x64xf32, #tpu.memory_space<vmem>>
    %dma_wait3A_82 = arith.constant 0 : i32
    %dma_wait3A_83 = tpu.memref_slice %arg8[%dma_wait3A_78, %dma_wait3A_82] : memref<80x128xi32, #tpu.memory_space<vmem>> -> memref<1x128xi32, #tpu.memory_space<vmem>>
    %dma_wait3A_84 = tpu.memref_squeeze %dma_wait3A_83 : memref<1x128xi32, #tpu.memory_space<vmem>> -> memref<128xi32, #tpu.memory_space<vmem>>
    %dma_wait3A_85 = arith.constant 0 : i32
    %dma_wait3A_86 = arith.constant 0 : i32
    %dma_wait3A_87 = tpu.memref_slice %arg10[%dma_wait3A_85, %dma_wait3A_86] : memref<10112x64xf32, #tpu.memory_space<vmem_shared>> -> memref<10112x64xf32, #tpu.memory_space<vmem_shared>>
    tpu.wait_indirect_dma semaphore(%arg15 : memref<!tpu.dma_semaphore, #tpu.memory_space<semaphore_mem>>) src(%dma_wait3A_81 : memref<128x64xf32, #tpu.memory_space<vmem>>) dst(%dma_wait3A_87 : memref<10112x64xf32, #tpu.memory_space<vmem_shared>>)
    %barrier3A_88 = arith.constant 0 : index
    tpu.barrier barrier_id(%barrier3A_88)
    %mul3A_89 = arith.constant 632 : i32
    %mul3A_90 = arith.muli %arg1, %mul3A_89 : i32
    %mul3A_91 = arith.constant 10112 : i32
    %mul3A_92 = arith.muli %arg0, %mul3A_91 : i32
    %mul3A_93 = arith.constant 632 : i32
    %mul3A_94 = arith.muli %arg1, %mul3A_93 : i32
    %add3A_95 = arith.addi %mul3A_92, %mul3A_94 : i32
    "tpu.region"() ({
      %run_scoped3A = tpu.sem_alloc : memref<!tpu.dma_semaphore, #tpu.memory_space<semaphore_mem>>
      %dma_start3A_96 = arith.constant 0 : i32
      %dma_start3A_97 = tpu.memref_slice %arg6[%add3A_95, %dma_start3A_96] : memref<20224x64xf32, #tpu.memory_space<hbm>> -> memref<632x64xf32, #tpu.memory_space<hbm>>
      %dma_start3A_98 = arith.constant 0 : i32
      %dma_start3A_99 = tpu.memref_slice %arg10[%mul3A_90, %dma_start3A_98] : memref<10112x64xf32, #tpu.memory_space<vmem_shared>> -> memref<632x64xf32, #tpu.memory_space<vmem_shared>>
      tpu.enqueue_dma source(%dma_start3A_99 : memref<632x64xf32, #tpu.memory_space<vmem_shared>>) target(%dma_start3A_97 : memref<632x64xf32, #tpu.memory_space<hbm>>) target_semaphore(%run_scoped3A : memref<!tpu.dma_semaphore, #tpu.memory_space<semaphore_mem>>)
      %dma_wait3A_100 = arith.constant 0 : i32
      %dma_wait3A_101 = tpu.memref_slice %arg6[%add3A_95, %dma_wait3A_100] : memref<20224x64xf32, #tpu.memory_space<hbm>> -> memref<632x64xf32, #tpu.memory_space<hbm>>
      %dma_wait3A_102 = arith.constant 0 : i32
      %dma_wait3A_103 = tpu.memref_slice %arg10[%mul3A_90, %dma_wait3A_102] : memref<10112x64xf32, #tpu.memory_space<vmem_shared>> -> memref<632x64xf32, #tpu.memory_space<vmem_shared>>
      tpu.wait_dma2 semaphore(%run_scoped3A : memref<!tpu.dma_semaphore, #tpu.memory_space<semaphore_mem>>) src(%dma_wait3A_103 : memref<632x64xf32, #tpu.memory_space<vmem_shared>>) dst(%dma_wait3A_101 : memref<632x64xf32, #tpu.memory_space<hbm>>)
      tpu.yield
    }) : () -> ()
    return
  }
}

#map = affine_map<(d0, d1) -> (0, 0)>
module attributes {stable_mosaic.version = 14 : i64} {
  func.func @_agg_body(%arg0: i32, %arg1: i32, %arg2: memref<10112x64xf32, #tpu.memory_space<hbm>>, %arg3: memref<2560x128xi32, #tpu.memory_space<hbm>>, %arg4: memref<2560x128xi32, #tpu.memory_space<hbm>>, %arg5: memref<10112x64xf32, #tpu.memory_space<hbm>>, %arg6: memref<20224x64xf32, #tpu.memory_space<hbm>>, %arg7: memref<80x128xi32, #tpu.memory_space<vmem>>, %arg8: memref<80x128xi32, #tpu.memory_space<vmem>>, %arg9: memref<256x64xf32, #tpu.memory_space<vmem>>, %arg10: memref<10112x64xf32, #tpu.memory_space<vmem_shared>>, %arg11: memref<10112x64xf32, #tpu.memory_space<vmem_shared>>, %arg12: memref<!tpu.dma_semaphore, #tpu.memory_space<semaphore_mem>>, %arg13: memref<!tpu.dma_semaphore, #tpu.memory_space<semaphore_mem>>, %arg14: memref<!tpu.dma_semaphore, #tpu.memory_space<semaphore_mem>>, %arg15: memref<!tpu.dma_semaphore, #tpu.memory_space<semaphore_mem>>) attributes {dimension_semantics = [#tpu.dimension_semantics<core_parallel>, #tpu.dimension_semantics<subcore_parallel>], iteration_bounds = array<i64: 2, 16>, scalar_prefetch = 0 : i64, scratch_operands = 9 : i64, tpu.core_type = #tpu.core_type<sc_vector_subcore>, window_params = [{transform_indices = #map}, {transform_indices = #map}, {transform_indices = #map}, {transform_indices = #map}, {transform_indices = #map}]} {
    %mul3A = arith.constant 16 : i32
    %mul3A_0 = arith.muli %arg0, %mul3A : i32
    %add3A = arith.addi %mul3A_0, %arg1 : i32
    %mul3A_1 = arith.constant 80 : i32
    %mul3A_2 = arith.muli %add3A, %mul3A_1 : i32
    %dma_start3A = arith.constant 0 : i32
    %dma_start3A_3 = tpu.memref_slice %arg3[%mul3A_2, %dma_start3A] : memref<2560x128xi32, #tpu.memory_space<hbm>> -> memref<80x128xi32, #tpu.memory_space<hbm>>
    %dma_start3A_4 = arith.constant 0 : i32
    %dma_start3A_5 = tpu.memref_slice %arg3[%mul3A_2, %dma_start3A_4] : memref<2560x128xi32, #tpu.memory_space<hbm>> -> memref<80x128xi32, #tpu.memory_space<hbm>>
    tpu.enqueue_dma source(%dma_start3A_5 : memref<80x128xi32, #tpu.memory_space<hbm>>) target(%arg7 : memref<80x128xi32, #tpu.memory_space<vmem>>) target_semaphore(%arg12 : memref<!tpu.dma_semaphore, #tpu.memory_space<semaphore_mem>>)
    %mul3A_6 = arith.constant 80 : i32
    %mul3A_7 = arith.muli %add3A, %mul3A_6 : i32
    %dma_start3A_8 = arith.constant 0 : i32
    %dma_start3A_9 = tpu.memref_slice %arg4[%mul3A_7, %dma_start3A_8] : memref<2560x128xi32, #tpu.memory_space<hbm>> -> memref<80x128xi32, #tpu.memory_space<hbm>>
    %dma_start3A_10 = arith.constant 0 : i32
    %dma_start3A_11 = tpu.memref_slice %arg4[%mul3A_7, %dma_start3A_10] : memref<2560x128xi32, #tpu.memory_space<hbm>> -> memref<80x128xi32, #tpu.memory_space<hbm>>
    tpu.enqueue_dma source(%dma_start3A_11 : memref<80x128xi32, #tpu.memory_space<hbm>>) target(%arg8 : memref<80x128xi32, #tpu.memory_space<vmem>>) target_semaphore(%arg13 : memref<!tpu.dma_semaphore, #tpu.memory_space<semaphore_mem>>)
    %mul3A_12 = arith.constant 632 : i32
    %mul3A_13 = arith.muli %arg1, %mul3A_12 : i32
    %mul3A_14 = arith.constant 632 : i32
    %mul3A_15 = arith.muli %arg1, %mul3A_14 : i32
    %dma_start3A_16 = arith.constant 0 : i32
    %dma_start3A_17 = tpu.memref_slice %arg10[%mul3A_15, %dma_start3A_16] : memref<10112x64xf32, #tpu.memory_space<vmem_shared>> -> memref<632x64xf32, #tpu.memory_space<vmem_shared>>
    %dma_start3A_18 = arith.constant 0 : i32
    %dma_start3A_19 = tpu.memref_slice %arg5[%mul3A_13, %dma_start3A_18] : memref<10112x64xf32, #tpu.memory_space<hbm>> -> memref<632x64xf32, #tpu.memory_space<hbm>>
    tpu.enqueue_dma source(%dma_start3A_19 : memref<632x64xf32, #tpu.memory_space<hbm>>) target(%dma_start3A_17 : memref<632x64xf32, #tpu.memory_space<vmem_shared>>) target_semaphore(%arg14 : memref<!tpu.dma_semaphore, #tpu.memory_space<semaphore_mem>>)
    %mul3A_20 = arith.constant 632 : i32
    %mul3A_21 = arith.muli %arg1, %mul3A_20 : i32
    %mul3A_22 = arith.constant 632 : i32
    %mul3A_23 = arith.muli %arg1, %mul3A_22 : i32
    %dma_start3A_24 = arith.constant 0 : i32
    %dma_start3A_25 = tpu.memref_slice %arg11[%mul3A_23, %dma_start3A_24] : memref<10112x64xf32, #tpu.memory_space<vmem_shared>> -> memref<632x64xf32, #tpu.memory_space<vmem_shared>>
    %dma_start3A_26 = arith.constant 0 : i32
    %dma_start3A_27 = tpu.memref_slice %arg2[%mul3A_21, %dma_start3A_26] : memref<10112x64xf32, #tpu.memory_space<hbm>> -> memref<632x64xf32, #tpu.memory_space<hbm>>
    tpu.enqueue_dma source(%dma_start3A_27 : memref<632x64xf32, #tpu.memory_space<hbm>>) target(%dma_start3A_25 : memref<632x64xf32, #tpu.memory_space<vmem_shared>>) target_semaphore(%arg15 : memref<!tpu.dma_semaphore, #tpu.memory_space<semaphore_mem>>)
    %dma_wait3A = arith.constant 0 : i32
    %dma_wait3A_28 = tpu.memref_slice %arg3[%mul3A_2, %dma_wait3A] : memref<2560x128xi32, #tpu.memory_space<hbm>> -> memref<80x128xi32, #tpu.memory_space<hbm>>
    %dma_wait3A_29 = arith.constant 0 : i32
    %dma_wait3A_30 = tpu.memref_slice %arg3[%mul3A_2, %dma_wait3A_29] : memref<2560x128xi32, #tpu.memory_space<hbm>> -> memref<80x128xi32, #tpu.memory_space<hbm>>
    tpu.wait_dma2 semaphore(%arg12 : memref<!tpu.dma_semaphore, #tpu.memory_space<semaphore_mem>>) src(%dma_wait3A_30 : memref<80x128xi32, #tpu.memory_space<hbm>>) dst(%arg7 : memref<80x128xi32, #tpu.memory_space<vmem>>)
    %dma_wait3A_31 = arith.constant 0 : i32
    %dma_wait3A_32 = tpu.memref_slice %arg4[%mul3A_7, %dma_wait3A_31] : memref<2560x128xi32, #tpu.memory_space<hbm>> -> memref<80x128xi32, #tpu.memory_space<hbm>>
    %dma_wait3A_33 = arith.constant 0 : i32
    %dma_wait3A_34 = tpu.memref_slice %arg4[%mul3A_7, %dma_wait3A_33] : memref<2560x128xi32, #tpu.memory_space<hbm>> -> memref<80x128xi32, #tpu.memory_space<hbm>>
    tpu.wait_dma2 semaphore(%arg13 : memref<!tpu.dma_semaphore, #tpu.memory_space<semaphore_mem>>) src(%dma_wait3A_34 : memref<80x128xi32, #tpu.memory_space<hbm>>) dst(%arg8 : memref<80x128xi32, #tpu.memory_space<vmem>>)
    %dma_wait3A_35 = arith.constant 0 : i32
    %dma_wait3A_36 = tpu.memref_slice %arg10[%mul3A_15, %dma_wait3A_35] : memref<10112x64xf32, #tpu.memory_space<vmem_shared>> -> memref<632x64xf32, #tpu.memory_space<vmem_shared>>
    %dma_wait3A_37 = arith.constant 0 : i32
    %dma_wait3A_38 = tpu.memref_slice %arg5[%mul3A_13, %dma_wait3A_37] : memref<10112x64xf32, #tpu.memory_space<hbm>> -> memref<632x64xf32, #tpu.memory_space<hbm>>
    tpu.wait_dma2 semaphore(%arg14 : memref<!tpu.dma_semaphore, #tpu.memory_space<semaphore_mem>>) src(%dma_wait3A_38 : memref<632x64xf32, #tpu.memory_space<hbm>>) dst(%dma_wait3A_36 : memref<632x64xf32, #tpu.memory_space<vmem_shared>>)
    %dma_wait3A_39 = arith.constant 0 : i32
    %dma_wait3A_40 = tpu.memref_slice %arg11[%mul3A_23, %dma_wait3A_39] : memref<10112x64xf32, #tpu.memory_space<vmem_shared>> -> memref<632x64xf32, #tpu.memory_space<vmem_shared>>
    %dma_wait3A_41 = arith.constant 0 : i32
    %dma_wait3A_42 = tpu.memref_slice %arg2[%mul3A_21, %dma_wait3A_41] : memref<10112x64xf32, #tpu.memory_space<hbm>> -> memref<632x64xf32, #tpu.memory_space<hbm>>
    tpu.wait_dma2 semaphore(%arg15 : memref<!tpu.dma_semaphore, #tpu.memory_space<semaphore_mem>>) src(%dma_wait3A_42 : memref<632x64xf32, #tpu.memory_space<hbm>>) dst(%dma_wait3A_40 : memref<632x64xf32, #tpu.memory_space<vmem_shared>>)
    %barrier3A = arith.constant 0 : index
    tpu.barrier barrier_id(%barrier3A)
    %dma_start3A_43 = arith.constant 0 : i32
    %dma_start3A_44 = arith.constant 0 : i32
    %dma_start3A_45 = arith.constant 0 : i32
    %dma_start3A_46 = tpu.memref_slice %arg9[%dma_start3A_44, %dma_start3A_45] : memref<256x64xf32, #tpu.memory_space<vmem>> -> memref<128x64xf32, #tpu.memory_space<vmem>>
    %dma_start3A_47 = arith.constant 0 : i32
    %dma_start3A_48 = tpu.memref_slice %arg7[%dma_start3A_43, %dma_start3A_47] : memref<80x128xi32, #tpu.memory_space<vmem>> -> memref<1x128xi32, #tpu.memory_space<vmem>>
    %dma_start3A_49 = tpu.memref_squeeze %dma_start3A_48 : memref<1x128xi32, #tpu.memory_space<vmem>> -> memref<128xi32, #tpu.memory_space<vmem>>
    %dma_start3A_50 = arith.constant 0 : i32
    %dma_start3A_51 = arith.constant 0 : i32
    %dma_start3A_52 = tpu.memref_slice %arg11[%dma_start3A_50, %dma_start3A_51] : memref<10112x64xf32, #tpu.memory_space<vmem_shared>> -> memref<10112x64xf32, #tpu.memory_space<vmem_shared>>
    tpu.enqueue_indirect_dma source(%dma_start3A_52 : memref<10112x64xf32, #tpu.memory_space<vmem_shared>>) target(%dma_start3A_46 : memref<128x64xf32, #tpu.memory_space<vmem>>) offsets(%dma_start3A_49 : memref<128xi32, #tpu.memory_space<vmem>>) semaphore(%arg12 : memref<!tpu.dma_semaphore, #tpu.memory_space<semaphore_mem>>)
    %dma_start3A_53 = arith.constant 1 : i32
    %dma_start3A_54 = arith.constant 128 : i32
    %dma_start3A_55 = arith.constant 0 : i32
    %dma_start3A_56 = tpu.memref_slice %arg9[%dma_start3A_54, %dma_start3A_55] : memref<256x64xf32, #tpu.memory_space<vmem>> -> memref<128x64xf32, #tpu.memory_space<vmem>>
    %dma_start3A_57 = arith.constant 0 : i32
    %dma_start3A_58 = tpu.memref_slice %arg7[%dma_start3A_53, %dma_start3A_57] : memref<80x128xi32, #tpu.memory_space<vmem>> -> memref<1x128xi32, #tpu.memory_space<vmem>>
    %dma_start3A_59 = tpu.memref_squeeze %dma_start3A_58 : memref<1x128xi32, #tpu.memory_space<vmem>> -> memref<128xi32, #tpu.memory_space<vmem>>
    %dma_start3A_60 = arith.constant 0 : i32
    %dma_start3A_61 = arith.constant 0 : i32
    %dma_start3A_62 = tpu.memref_slice %arg11[%dma_start3A_60, %dma_start3A_61] : memref<10112x64xf32, #tpu.memory_space<vmem_shared>> -> memref<10112x64xf32, #tpu.memory_space<vmem_shared>>
    tpu.enqueue_indirect_dma source(%dma_start3A_62 : memref<10112x64xf32, #tpu.memory_space<vmem_shared>>) target(%dma_start3A_56 : memref<128x64xf32, #tpu.memory_space<vmem>>) offsets(%dma_start3A_59 : memref<128xi32, #tpu.memory_space<vmem>>) semaphore(%arg13 : memref<!tpu.dma_semaphore, #tpu.memory_space<semaphore_mem>>)
    %scan3A = arith.constant 0 : i32
    %scan3A_63 = arith.constant 0 : i32
    %scan3A_64 = arith.constant 40 : i32
    %scan3A_65 = arith.addi %scan3A_63, %scan3A_64 : i32
    %scan3A_66 = arith.constant 1 : i32
    scf.for %scan3A_96 = %scan3A_63 to %scan3A_65 step %scan3A_66  : i32 {
      %mul3A_97 = arith.constant 2 : i32
      %mul3A_98 = arith.muli %scan3A_96, %mul3A_97 : i32
      %add3A_99 = arith.constant 0 : i32
      %add3A_100 = arith.addi %mul3A_98, %add3A_99 : i32
      %dma_wait3A_101 = arith.constant 0 : i32
      %dma_wait3A_102 = arith.constant 0 : i32
      %dma_wait3A_103 = tpu.memref_slice %arg9[%dma_wait3A_101, %dma_wait3A_102] : memref<256x64xf32, #tpu.memory_space<vmem>> -> memref<128x64xf32, #tpu.memory_space<vmem>>
      %dma_wait3A_104 = arith.constant 0 : i32
      %dma_wait3A_105 = tpu.memref_slice %arg7[%add3A_100, %dma_wait3A_104] : memref<80x128xi32, #tpu.memory_space<vmem>> -> memref<1x128xi32, #tpu.memory_space<vmem>>
      %dma_wait3A_106 = tpu.memref_squeeze %dma_wait3A_105 : memref<1x128xi32, #tpu.memory_space<vmem>> -> memref<128xi32, #tpu.memory_space<vmem>>
      %dma_wait3A_107 = arith.constant 0 : i32
      %dma_wait3A_108 = arith.constant 0 : i32
      %dma_wait3A_109 = tpu.memref_slice %arg11[%dma_wait3A_107, %dma_wait3A_108] : memref<10112x64xf32, #tpu.memory_space<vmem_shared>> -> memref<10112x64xf32, #tpu.memory_space<vmem_shared>>
      tpu.wait_indirect_dma semaphore(%arg12 : memref<!tpu.dma_semaphore, #tpu.memory_space<semaphore_mem>>) src(%dma_wait3A_109 : memref<10112x64xf32, #tpu.memory_space<vmem_shared>>) dst(%dma_wait3A_103 : memref<128x64xf32, #tpu.memory_space<vmem>>)
      %dma_start3A_110 = arith.constant 0 : i32
      %dma_start3A_111 = arith.constant 0 : i32
      %dma_start3A_112 = tpu.memref_slice %arg9[%dma_start3A_110, %dma_start3A_111] : memref<256x64xf32, #tpu.memory_space<vmem>> -> memref<128x64xf32, #tpu.memory_space<vmem>>
      %dma_start3A_113 = arith.constant 0 : i32
      %dma_start3A_114 = tpu.memref_slice %arg8[%add3A_100, %dma_start3A_113] : memref<80x128xi32, #tpu.memory_space<vmem>> -> memref<1x128xi32, #tpu.memory_space<vmem>>
      %dma_start3A_115 = tpu.memref_squeeze %dma_start3A_114 : memref<1x128xi32, #tpu.memory_space<vmem>> -> memref<128xi32, #tpu.memory_space<vmem>>
      %dma_start3A_116 = arith.constant 0 : i32
      %dma_start3A_117 = arith.constant 0 : i32
      %dma_start3A_118 = tpu.memref_slice %arg10[%dma_start3A_116, %dma_start3A_117] : memref<10112x64xf32, #tpu.memory_space<vmem_shared>> -> memref<10112x64xf32, #tpu.memory_space<vmem_shared>>
      tpu.enqueue_indirect_dma source(%dma_start3A_112 : memref<128x64xf32, #tpu.memory_space<vmem>>) target(%dma_start3A_118 : memref<10112x64xf32, #tpu.memory_space<vmem_shared>>) offsets(%dma_start3A_115 : memref<128xi32, #tpu.memory_space<vmem>>) semaphore(%arg14 : memref<!tpu.dma_semaphore, #tpu.memory_space<semaphore_mem>>) {add = true}
      %add3A_119 = arith.constant 1 : i32
      %add3A_120 = arith.addi %mul3A_98, %add3A_119 : i32
      %dma_wait3A_121 = arith.constant 128 : i32
      %dma_wait3A_122 = arith.constant 0 : i32
      %dma_wait3A_123 = tpu.memref_slice %arg9[%dma_wait3A_121, %dma_wait3A_122] : memref<256x64xf32, #tpu.memory_space<vmem>> -> memref<128x64xf32, #tpu.memory_space<vmem>>
      %dma_wait3A_124 = arith.constant 0 : i32
      %dma_wait3A_125 = tpu.memref_slice %arg7[%add3A_120, %dma_wait3A_124] : memref<80x128xi32, #tpu.memory_space<vmem>> -> memref<1x128xi32, #tpu.memory_space<vmem>>
      %dma_wait3A_126 = tpu.memref_squeeze %dma_wait3A_125 : memref<1x128xi32, #tpu.memory_space<vmem>> -> memref<128xi32, #tpu.memory_space<vmem>>
      %dma_wait3A_127 = arith.constant 0 : i32
      %dma_wait3A_128 = arith.constant 0 : i32
      %dma_wait3A_129 = tpu.memref_slice %arg11[%dma_wait3A_127, %dma_wait3A_128] : memref<10112x64xf32, #tpu.memory_space<vmem_shared>> -> memref<10112x64xf32, #tpu.memory_space<vmem_shared>>
      tpu.wait_indirect_dma semaphore(%arg13 : memref<!tpu.dma_semaphore, #tpu.memory_space<semaphore_mem>>) src(%dma_wait3A_129 : memref<10112x64xf32, #tpu.memory_space<vmem_shared>>) dst(%dma_wait3A_123 : memref<128x64xf32, #tpu.memory_space<vmem>>)
      %dma_start3A_130 = arith.constant 128 : i32
      %dma_start3A_131 = arith.constant 0 : i32
      %dma_start3A_132 = tpu.memref_slice %arg9[%dma_start3A_130, %dma_start3A_131] : memref<256x64xf32, #tpu.memory_space<vmem>> -> memref<128x64xf32, #tpu.memory_space<vmem>>
      %dma_start3A_133 = arith.constant 0 : i32
      %dma_start3A_134 = tpu.memref_slice %arg8[%add3A_120, %dma_start3A_133] : memref<80x128xi32, #tpu.memory_space<vmem>> -> memref<1x128xi32, #tpu.memory_space<vmem>>
      %dma_start3A_135 = tpu.memref_squeeze %dma_start3A_134 : memref<1x128xi32, #tpu.memory_space<vmem>> -> memref<128xi32, #tpu.memory_space<vmem>>
      %dma_start3A_136 = arith.constant 0 : i32
      %dma_start3A_137 = arith.constant 0 : i32
      %dma_start3A_138 = tpu.memref_slice %arg10[%dma_start3A_136, %dma_start3A_137] : memref<10112x64xf32, #tpu.memory_space<vmem_shared>> -> memref<10112x64xf32, #tpu.memory_space<vmem_shared>>
      tpu.enqueue_indirect_dma source(%dma_start3A_132 : memref<128x64xf32, #tpu.memory_space<vmem>>) target(%dma_start3A_138 : memref<10112x64xf32, #tpu.memory_space<vmem_shared>>) offsets(%dma_start3A_135 : memref<128xi32, #tpu.memory_space<vmem>>) semaphore(%arg15 : memref<!tpu.dma_semaphore, #tpu.memory_space<semaphore_mem>>) {add = true}
      %add3A_139 = arith.constant 0 : i32
      %add3A_140 = arith.addi %mul3A_98, %add3A_139 : i32
      %add3A_141 = arith.constant 2 : i32
      %add3A_142 = arith.addi %add3A_140, %add3A_141 : i32
      %lt3A = arith.constant 80 : i32
      %lt3A_143 = arith.cmpi slt, %add3A_142, %lt3A : i32
      %convert_element_type3A = arith.extui %lt3A_143 : i1 to i32
      %cond3A = arith.constant 0 : i32
      %cond3A_144 = arith.cmpi ne, %convert_element_type3A, %cond3A : i32
      scf.if %cond3A_144 {
        %dma_wait3A_154 = arith.constant 0 : i32
        %dma_wait3A_155 = arith.constant 0 : i32
        %dma_wait3A_156 = tpu.memref_slice %arg9[%dma_wait3A_154, %dma_wait3A_155] : memref<256x64xf32, #tpu.memory_space<vmem>> -> memref<128x64xf32, #tpu.memory_space<vmem>>
        %dma_wait3A_157 = arith.constant 0 : i32
        %dma_wait3A_158 = tpu.memref_slice %arg8[%add3A_140, %dma_wait3A_157] : memref<80x128xi32, #tpu.memory_space<vmem>> -> memref<1x128xi32, #tpu.memory_space<vmem>>
        %dma_wait3A_159 = tpu.memref_squeeze %dma_wait3A_158 : memref<1x128xi32, #tpu.memory_space<vmem>> -> memref<128xi32, #tpu.memory_space<vmem>>
        %dma_wait3A_160 = arith.constant 0 : i32
        %dma_wait3A_161 = arith.constant 0 : i32
        %dma_wait3A_162 = tpu.memref_slice %arg10[%dma_wait3A_160, %dma_wait3A_161] : memref<10112x64xf32, #tpu.memory_space<vmem_shared>> -> memref<10112x64xf32, #tpu.memory_space<vmem_shared>>
        tpu.wait_indirect_dma semaphore(%arg14 : memref<!tpu.dma_semaphore, #tpu.memory_space<semaphore_mem>>) src(%dma_wait3A_156 : memref<128x64xf32, #tpu.memory_space<vmem>>) dst(%dma_wait3A_162 : memref<10112x64xf32, #tpu.memory_space<vmem_shared>>)
        %add3A_163 = arith.constant 2 : i32
        %add3A_164 = arith.addi %add3A_140, %add3A_163 : i32
        %dma_start3A_165 = arith.constant 0 : i32
        %dma_start3A_166 = arith.constant 0 : i32
        %dma_start3A_167 = tpu.memref_slice %arg9[%dma_start3A_165, %dma_start3A_166] : memref<256x64xf32, #tpu.memory_space<vmem>> -> memref<128x64xf32, #tpu.memory_space<vmem>>
        %dma_start3A_168 = arith.constant 0 : i32
        %dma_start3A_169 = tpu.memref_slice %arg7[%add3A_164, %dma_start3A_168] : memref<80x128xi32, #tpu.memory_space<vmem>> -> memref<1x128xi32, #tpu.memory_space<vmem>>
        %dma_start3A_170 = tpu.memref_squeeze %dma_start3A_169 : memref<1x128xi32, #tpu.memory_space<vmem>> -> memref<128xi32, #tpu.memory_space<vmem>>
        %dma_start3A_171 = arith.constant 0 : i32
        %dma_start3A_172 = arith.constant 0 : i32
        %dma_start3A_173 = tpu.memref_slice %arg11[%dma_start3A_171, %dma_start3A_172] : memref<10112x64xf32, #tpu.memory_space<vmem_shared>> -> memref<10112x64xf32, #tpu.memory_space<vmem_shared>>
        tpu.enqueue_indirect_dma source(%dma_start3A_173 : memref<10112x64xf32, #tpu.memory_space<vmem_shared>>) target(%dma_start3A_167 : memref<128x64xf32, #tpu.memory_space<vmem>>) offsets(%dma_start3A_170 : memref<128xi32, #tpu.memory_space<vmem>>) semaphore(%arg12 : memref<!tpu.dma_semaphore, #tpu.memory_space<semaphore_mem>>)
      } else {
      }
      %add3A_145 = arith.constant 1 : i32
      %add3A_146 = arith.addi %mul3A_98, %add3A_145 : i32
      %add3A_147 = arith.constant 2 : i32
      %add3A_148 = arith.addi %add3A_146, %add3A_147 : i32
      %lt3A_149 = arith.constant 80 : i32
      %lt3A_150 = arith.cmpi slt, %add3A_148, %lt3A_149 : i32
      %convert_element_type3A_151 = arith.extui %lt3A_150 : i1 to i32
      %cond3A_152 = arith.constant 0 : i32
      %cond3A_153 = arith.cmpi ne, %convert_element_type3A_151, %cond3A_152 : i32
      scf.if %cond3A_153 {
        %dma_wait3A_154 = arith.constant 128 : i32
        %dma_wait3A_155 = arith.constant 0 : i32
        %dma_wait3A_156 = tpu.memref_slice %arg9[%dma_wait3A_154, %dma_wait3A_155] : memref<256x64xf32, #tpu.memory_space<vmem>> -> memref<128x64xf32, #tpu.memory_space<vmem>>
        %dma_wait3A_157 = arith.constant 0 : i32
        %dma_wait3A_158 = tpu.memref_slice %arg8[%add3A_146, %dma_wait3A_157] : memref<80x128xi32, #tpu.memory_space<vmem>> -> memref<1x128xi32, #tpu.memory_space<vmem>>
        %dma_wait3A_159 = tpu.memref_squeeze %dma_wait3A_158 : memref<1x128xi32, #tpu.memory_space<vmem>> -> memref<128xi32, #tpu.memory_space<vmem>>
        %dma_wait3A_160 = arith.constant 0 : i32
        %dma_wait3A_161 = arith.constant 0 : i32
        %dma_wait3A_162 = tpu.memref_slice %arg10[%dma_wait3A_160, %dma_wait3A_161] : memref<10112x64xf32, #tpu.memory_space<vmem_shared>> -> memref<10112x64xf32, #tpu.memory_space<vmem_shared>>
        tpu.wait_indirect_dma semaphore(%arg15 : memref<!tpu.dma_semaphore, #tpu.memory_space<semaphore_mem>>) src(%dma_wait3A_156 : memref<128x64xf32, #tpu.memory_space<vmem>>) dst(%dma_wait3A_162 : memref<10112x64xf32, #tpu.memory_space<vmem_shared>>)
        %add3A_163 = arith.constant 2 : i32
        %add3A_164 = arith.addi %add3A_146, %add3A_163 : i32
        %dma_start3A_165 = arith.constant 128 : i32
        %dma_start3A_166 = arith.constant 0 : i32
        %dma_start3A_167 = tpu.memref_slice %arg9[%dma_start3A_165, %dma_start3A_166] : memref<256x64xf32, #tpu.memory_space<vmem>> -> memref<128x64xf32, #tpu.memory_space<vmem>>
        %dma_start3A_168 = arith.constant 0 : i32
        %dma_start3A_169 = tpu.memref_slice %arg7[%add3A_164, %dma_start3A_168] : memref<80x128xi32, #tpu.memory_space<vmem>> -> memref<1x128xi32, #tpu.memory_space<vmem>>
        %dma_start3A_170 = tpu.memref_squeeze %dma_start3A_169 : memref<1x128xi32, #tpu.memory_space<vmem>> -> memref<128xi32, #tpu.memory_space<vmem>>
        %dma_start3A_171 = arith.constant 0 : i32
        %dma_start3A_172 = arith.constant 0 : i32
        %dma_start3A_173 = tpu.memref_slice %arg11[%dma_start3A_171, %dma_start3A_172] : memref<10112x64xf32, #tpu.memory_space<vmem_shared>> -> memref<10112x64xf32, #tpu.memory_space<vmem_shared>>
        tpu.enqueue_indirect_dma source(%dma_start3A_173 : memref<10112x64xf32, #tpu.memory_space<vmem_shared>>) target(%dma_start3A_167 : memref<128x64xf32, #tpu.memory_space<vmem>>) offsets(%dma_start3A_170 : memref<128xi32, #tpu.memory_space<vmem>>) semaphore(%arg13 : memref<!tpu.dma_semaphore, #tpu.memory_space<semaphore_mem>>)
      } else {
      }
    }
    %scan3A_67 = arith.constant 40 : i32
    %dma_wait3A_68 = arith.constant 78 : i32
    %dma_wait3A_69 = arith.constant 0 : i32
    %dma_wait3A_70 = arith.constant 0 : i32
    %dma_wait3A_71 = tpu.memref_slice %arg9[%dma_wait3A_69, %dma_wait3A_70] : memref<256x64xf32, #tpu.memory_space<vmem>> -> memref<128x64xf32, #tpu.memory_space<vmem>>
    %dma_wait3A_72 = arith.constant 0 : i32
    %dma_wait3A_73 = tpu.memref_slice %arg8[%dma_wait3A_68, %dma_wait3A_72] : memref<80x128xi32, #tpu.memory_space<vmem>> -> memref<1x128xi32, #tpu.memory_space<vmem>>
    %dma_wait3A_74 = tpu.memref_squeeze %dma_wait3A_73 : memref<1x128xi32, #tpu.memory_space<vmem>> -> memref<128xi32, #tpu.memory_space<vmem>>
    %dma_wait3A_75 = arith.constant 0 : i32
    %dma_wait3A_76 = arith.constant 0 : i32
    %dma_wait3A_77 = tpu.memref_slice %arg10[%dma_wait3A_75, %dma_wait3A_76] : memref<10112x64xf32, #tpu.memory_space<vmem_shared>> -> memref<10112x64xf32, #tpu.memory_space<vmem_shared>>
    tpu.wait_indirect_dma semaphore(%arg14 : memref<!tpu.dma_semaphore, #tpu.memory_space<semaphore_mem>>) src(%dma_wait3A_71 : memref<128x64xf32, #tpu.memory_space<vmem>>) dst(%dma_wait3A_77 : memref<10112x64xf32, #tpu.memory_space<vmem_shared>>)
    %dma_wait3A_78 = arith.constant 79 : i32
    %dma_wait3A_79 = arith.constant 128 : i32
    %dma_wait3A_80 = arith.constant 0 : i32
    %dma_wait3A_81 = tpu.memref_slice %arg9[%dma_wait3A_79, %dma_wait3A_80] : memref<256x64xf32, #tpu.memory_space<vmem>> -> memref<128x64xf32, #tpu.memory_space<vmem>>
    %dma_wait3A_82 = arith.constant 0 : i32
    %dma_wait3A_83 = tpu.memref_slice %arg8[%dma_wait3A_78, %dma_wait3A_82] : memref<80x128xi32, #tpu.memory_space<vmem>> -> memref<1x128xi32, #tpu.memory_space<vmem>>
    %dma_wait3A_84 = tpu.memref_squeeze %dma_wait3A_83 : memref<1x128xi32, #tpu.memory_space<vmem>> -> memref<128xi32, #tpu.memory_space<vmem>>
    %dma_wait3A_85 = arith.constant 0 : i32
    %dma_wait3A_86 = arith.constant 0 : i32
    %dma_wait3A_87 = tpu.memref_slice %arg10[%dma_wait3A_85, %dma_wait3A_86] : memref<10112x64xf32, #tpu.memory_space<vmem_shared>> -> memref<10112x64xf32, #tpu.memory_space<vmem_shared>>
    tpu.wait_indirect_dma semaphore(%arg15 : memref<!tpu.dma_semaphore, #tpu.memory_space<semaphore_mem>>) src(%dma_wait3A_81 : memref<128x64xf32, #tpu.memory_space<vmem>>) dst(%dma_wait3A_87 : memref<10112x64xf32, #tpu.memory_space<vmem_shared>>)
    %barrier3A_88 = arith.constant 0 : index
    tpu.barrier barrier_id(%barrier3A_88)
    %mul3A_89 = arith.constant 632 : i32
    %mul3A_90 = arith.muli %arg1, %mul3A_89 : i32
    %mul3A_91 = arith.constant 10112 : i32
    %mul3A_92 = arith.muli %arg0, %mul3A_91 : i32
    %mul3A_93 = arith.constant 632 : i32
    %mul3A_94 = arith.muli %arg1, %mul3A_93 : i32
    %add3A_95 = arith.addi %mul3A_92, %mul3A_94 : i32
    "tpu.region"() ({
      %run_scoped3A = tpu.sem_alloc : memref<!tpu.dma_semaphore, #tpu.memory_space<semaphore_mem>>
      %dma_start3A_96 = arith.constant 0 : i32
      %dma_start3A_97 = tpu.memref_slice %arg6[%add3A_95, %dma_start3A_96] : memref<20224x64xf32, #tpu.memory_space<hbm>> -> memref<632x64xf32, #tpu.memory_space<hbm>>
      %dma_start3A_98 = arith.constant 0 : i32
      %dma_start3A_99 = tpu.memref_slice %arg10[%mul3A_90, %dma_start3A_98] : memref<10112x64xf32, #tpu.memory_space<vmem_shared>> -> memref<632x64xf32, #tpu.memory_space<vmem_shared>>
      tpu.enqueue_dma source(%dma_start3A_99 : memref<632x64xf32, #tpu.memory_space<vmem_shared>>) target(%dma_start3A_97 : memref<632x64xf32, #tpu.memory_space<hbm>>) target_semaphore(%run_scoped3A : memref<!tpu.dma_semaphore, #tpu.memory_space<semaphore_mem>>)
      %dma_wait3A_100 = arith.constant 0 : i32
      %dma_wait3A_101 = tpu.memref_slice %arg6[%add3A_95, %dma_wait3A_100] : memref<20224x64xf32, #tpu.memory_space<hbm>> -> memref<632x64xf32, #tpu.memory_space<hbm>>
      %dma_wait3A_102 = arith.constant 0 : i32
      %dma_wait3A_103 = tpu.memref_slice %arg10[%mul3A_90, %dma_wait3A_102] : memref<10112x64xf32, #tpu.memory_space<vmem_shared>> -> memref<632x64xf32, #tpu.memory_space<vmem_shared>>
      tpu.wait_dma2 semaphore(%run_scoped3A : memref<!tpu.dma_semaphore, #tpu.memory_space<semaphore_mem>>) src(%dma_wait3A_103 : memref<632x64xf32, #tpu.memory_space<vmem_shared>>) dst(%dma_wait3A_101 : memref<632x64xf32, #tpu.memory_space<hbm>>)
      tpu.yield
    }) : () -> ()
    return
  }
}

#map = affine_map<(d0, d1) -> (0, 0)>
module attributes {stable_mosaic.version = 14 : i64} {
  func.func @_agg_body(%arg0: i32, %arg1: i32, %arg2: memref<10112x64xf32, #tpu.memory_space<hbm>>, %arg3: memref<2560x128xi32, #tpu.memory_space<hbm>>, %arg4: memref<2560x128xi32, #tpu.memory_space<hbm>>, %arg5: memref<10112x64xf32, #tpu.memory_space<hbm>>, %arg6: memref<20224x64xf32, #tpu.memory_space<hbm>>, %arg7: memref<80x128xi32, #tpu.memory_space<vmem>>, %arg8: memref<80x128xi32, #tpu.memory_space<vmem>>, %arg9: memref<256x64xf32, #tpu.memory_space<vmem>>, %arg10: memref<10112x64xf32, #tpu.memory_space<vmem_shared>>, %arg11: memref<10112x64xf32, #tpu.memory_space<vmem_shared>>, %arg12: memref<!tpu.dma_semaphore, #tpu.memory_space<semaphore_mem>>, %arg13: memref<!tpu.dma_semaphore, #tpu.memory_space<semaphore_mem>>, %arg14: memref<!tpu.dma_semaphore, #tpu.memory_space<semaphore_mem>>, %arg15: memref<!tpu.dma_semaphore, #tpu.memory_space<semaphore_mem>>) attributes {dimension_semantics = [#tpu.dimension_semantics<core_parallel>, #tpu.dimension_semantics<subcore_parallel>], iteration_bounds = array<i64: 2, 16>, scalar_prefetch = 0 : i64, scratch_operands = 9 : i64, tpu.core_type = #tpu.core_type<sc_vector_subcore>, window_params = [{transform_indices = #map}, {transform_indices = #map}, {transform_indices = #map}, {transform_indices = #map}, {transform_indices = #map}]} {
    %mul3A = arith.constant 16 : i32
    %mul3A_0 = arith.muli %arg0, %mul3A : i32
    %add3A = arith.addi %mul3A_0, %arg1 : i32
    %mul3A_1 = arith.constant 80 : i32
    %mul3A_2 = arith.muli %add3A, %mul3A_1 : i32
    %dma_start3A = arith.constant 0 : i32
    %dma_start3A_3 = tpu.memref_slice %arg3[%mul3A_2, %dma_start3A] : memref<2560x128xi32, #tpu.memory_space<hbm>> -> memref<80x128xi32, #tpu.memory_space<hbm>>
    %dma_start3A_4 = arith.constant 0 : i32
    %dma_start3A_5 = tpu.memref_slice %arg3[%mul3A_2, %dma_start3A_4] : memref<2560x128xi32, #tpu.memory_space<hbm>> -> memref<80x128xi32, #tpu.memory_space<hbm>>
    tpu.enqueue_dma source(%dma_start3A_5 : memref<80x128xi32, #tpu.memory_space<hbm>>) target(%arg7 : memref<80x128xi32, #tpu.memory_space<vmem>>) target_semaphore(%arg12 : memref<!tpu.dma_semaphore, #tpu.memory_space<semaphore_mem>>)
    %mul3A_6 = arith.constant 80 : i32
    %mul3A_7 = arith.muli %add3A, %mul3A_6 : i32
    %dma_start3A_8 = arith.constant 0 : i32
    %dma_start3A_9 = tpu.memref_slice %arg4[%mul3A_7, %dma_start3A_8] : memref<2560x128xi32, #tpu.memory_space<hbm>> -> memref<80x128xi32, #tpu.memory_space<hbm>>
    %dma_start3A_10 = arith.constant 0 : i32
    %dma_start3A_11 = tpu.memref_slice %arg4[%mul3A_7, %dma_start3A_10] : memref<2560x128xi32, #tpu.memory_space<hbm>> -> memref<80x128xi32, #tpu.memory_space<hbm>>
    tpu.enqueue_dma source(%dma_start3A_11 : memref<80x128xi32, #tpu.memory_space<hbm>>) target(%arg8 : memref<80x128xi32, #tpu.memory_space<vmem>>) target_semaphore(%arg13 : memref<!tpu.dma_semaphore, #tpu.memory_space<semaphore_mem>>)
    %mul3A_12 = arith.constant 632 : i32
    %mul3A_13 = arith.muli %arg1, %mul3A_12 : i32
    %mul3A_14 = arith.constant 632 : i32
    %mul3A_15 = arith.muli %arg1, %mul3A_14 : i32
    %dma_start3A_16 = arith.constant 0 : i32
    %dma_start3A_17 = tpu.memref_slice %arg10[%mul3A_15, %dma_start3A_16] : memref<10112x64xf32, #tpu.memory_space<vmem_shared>> -> memref<632x64xf32, #tpu.memory_space<vmem_shared>>
    %dma_start3A_18 = arith.constant 0 : i32
    %dma_start3A_19 = tpu.memref_slice %arg5[%mul3A_13, %dma_start3A_18] : memref<10112x64xf32, #tpu.memory_space<hbm>> -> memref<632x64xf32, #tpu.memory_space<hbm>>
    tpu.enqueue_dma source(%dma_start3A_19 : memref<632x64xf32, #tpu.memory_space<hbm>>) target(%dma_start3A_17 : memref<632x64xf32, #tpu.memory_space<vmem_shared>>) target_semaphore(%arg14 : memref<!tpu.dma_semaphore, #tpu.memory_space<semaphore_mem>>)
    %mul3A_20 = arith.constant 632 : i32
    %mul3A_21 = arith.muli %arg1, %mul3A_20 : i32
    %mul3A_22 = arith.constant 632 : i32
    %mul3A_23 = arith.muli %arg1, %mul3A_22 : i32
    %dma_start3A_24 = arith.constant 0 : i32
    %dma_start3A_25 = tpu.memref_slice %arg11[%mul3A_23, %dma_start3A_24] : memref<10112x64xf32, #tpu.memory_space<vmem_shared>> -> memref<632x64xf32, #tpu.memory_space<vmem_shared>>
    %dma_start3A_26 = arith.constant 0 : i32
    %dma_start3A_27 = tpu.memref_slice %arg2[%mul3A_21, %dma_start3A_26] : memref<10112x64xf32, #tpu.memory_space<hbm>> -> memref<632x64xf32, #tpu.memory_space<hbm>>
    tpu.enqueue_dma source(%dma_start3A_27 : memref<632x64xf32, #tpu.memory_space<hbm>>) target(%dma_start3A_25 : memref<632x64xf32, #tpu.memory_space<vmem_shared>>) target_semaphore(%arg15 : memref<!tpu.dma_semaphore, #tpu.memory_space<semaphore_mem>>)
    %dma_wait3A = arith.constant 0 : i32
    %dma_wait3A_28 = tpu.memref_slice %arg3[%mul3A_2, %dma_wait3A] : memref<2560x128xi32, #tpu.memory_space<hbm>> -> memref<80x128xi32, #tpu.memory_space<hbm>>
    %dma_wait3A_29 = arith.constant 0 : i32
    %dma_wait3A_30 = tpu.memref_slice %arg3[%mul3A_2, %dma_wait3A_29] : memref<2560x128xi32, #tpu.memory_space<hbm>> -> memref<80x128xi32, #tpu.memory_space<hbm>>
    tpu.wait_dma2 semaphore(%arg12 : memref<!tpu.dma_semaphore, #tpu.memory_space<semaphore_mem>>) src(%dma_wait3A_30 : memref<80x128xi32, #tpu.memory_space<hbm>>) dst(%arg7 : memref<80x128xi32, #tpu.memory_space<vmem>>)
    %dma_wait3A_31 = arith.constant 0 : i32
    %dma_wait3A_32 = tpu.memref_slice %arg4[%mul3A_7, %dma_wait3A_31] : memref<2560x128xi32, #tpu.memory_space<hbm>> -> memref<80x128xi32, #tpu.memory_space<hbm>>
    %dma_wait3A_33 = arith.constant 0 : i32
    %dma_wait3A_34 = tpu.memref_slice %arg4[%mul3A_7, %dma_wait3A_33] : memref<2560x128xi32, #tpu.memory_space<hbm>> -> memref<80x128xi32, #tpu.memory_space<hbm>>
    tpu.wait_dma2 semaphore(%arg13 : memref<!tpu.dma_semaphore, #tpu.memory_space<semaphore_mem>>) src(%dma_wait3A_34 : memref<80x128xi32, #tpu.memory_space<hbm>>) dst(%arg8 : memref<80x128xi32, #tpu.memory_space<vmem>>)
    %dma_wait3A_35 = arith.constant 0 : i32
    %dma_wait3A_36 = tpu.memref_slice %arg10[%mul3A_15, %dma_wait3A_35] : memref<10112x64xf32, #tpu.memory_space<vmem_shared>> -> memref<632x64xf32, #tpu.memory_space<vmem_shared>>
    %dma_wait3A_37 = arith.constant 0 : i32
    %dma_wait3A_38 = tpu.memref_slice %arg5[%mul3A_13, %dma_wait3A_37] : memref<10112x64xf32, #tpu.memory_space<hbm>> -> memref<632x64xf32, #tpu.memory_space<hbm>>
    tpu.wait_dma2 semaphore(%arg14 : memref<!tpu.dma_semaphore, #tpu.memory_space<semaphore_mem>>) src(%dma_wait3A_38 : memref<632x64xf32, #tpu.memory_space<hbm>>) dst(%dma_wait3A_36 : memref<632x64xf32, #tpu.memory_space<vmem_shared>>)
    %dma_wait3A_39 = arith.constant 0 : i32
    %dma_wait3A_40 = tpu.memref_slice %arg11[%mul3A_23, %dma_wait3A_39] : memref<10112x64xf32, #tpu.memory_space<vmem_shared>> -> memref<632x64xf32, #tpu.memory_space<vmem_shared>>
    %dma_wait3A_41 = arith.constant 0 : i32
    %dma_wait3A_42 = tpu.memref_slice %arg2[%mul3A_21, %dma_wait3A_41] : memref<10112x64xf32, #tpu.memory_space<hbm>> -> memref<632x64xf32, #tpu.memory_space<hbm>>
    tpu.wait_dma2 semaphore(%arg15 : memref<!tpu.dma_semaphore, #tpu.memory_space<semaphore_mem>>) src(%dma_wait3A_42 : memref<632x64xf32, #tpu.memory_space<hbm>>) dst(%dma_wait3A_40 : memref<632x64xf32, #tpu.memory_space<vmem_shared>>)
    %barrier3A = arith.constant 0 : index
    tpu.barrier barrier_id(%barrier3A)
    %dma_start3A_43 = arith.constant 0 : i32
    %dma_start3A_44 = arith.constant 0 : i32
    %dma_start3A_45 = arith.constant 0 : i32
    %dma_start3A_46 = tpu.memref_slice %arg9[%dma_start3A_44, %dma_start3A_45] : memref<256x64xf32, #tpu.memory_space<vmem>> -> memref<128x64xf32, #tpu.memory_space<vmem>>
    %dma_start3A_47 = arith.constant 0 : i32
    %dma_start3A_48 = tpu.memref_slice %arg7[%dma_start3A_43, %dma_start3A_47] : memref<80x128xi32, #tpu.memory_space<vmem>> -> memref<1x128xi32, #tpu.memory_space<vmem>>
    %dma_start3A_49 = tpu.memref_squeeze %dma_start3A_48 : memref<1x128xi32, #tpu.memory_space<vmem>> -> memref<128xi32, #tpu.memory_space<vmem>>
    %dma_start3A_50 = arith.constant 0 : i32
    %dma_start3A_51 = arith.constant 0 : i32
    %dma_start3A_52 = tpu.memref_slice %arg11[%dma_start3A_50, %dma_start3A_51] : memref<10112x64xf32, #tpu.memory_space<vmem_shared>> -> memref<10112x64xf32, #tpu.memory_space<vmem_shared>>
    tpu.enqueue_indirect_dma source(%dma_start3A_52 : memref<10112x64xf32, #tpu.memory_space<vmem_shared>>) target(%dma_start3A_46 : memref<128x64xf32, #tpu.memory_space<vmem>>) offsets(%dma_start3A_49 : memref<128xi32, #tpu.memory_space<vmem>>) semaphore(%arg12 : memref<!tpu.dma_semaphore, #tpu.memory_space<semaphore_mem>>)
    %dma_start3A_53 = arith.constant 1 : i32
    %dma_start3A_54 = arith.constant 128 : i32
    %dma_start3A_55 = arith.constant 0 : i32
    %dma_start3A_56 = tpu.memref_slice %arg9[%dma_start3A_54, %dma_start3A_55] : memref<256x64xf32, #tpu.memory_space<vmem>> -> memref<128x64xf32, #tpu.memory_space<vmem>>
    %dma_start3A_57 = arith.constant 0 : i32
    %dma_start3A_58 = tpu.memref_slice %arg7[%dma_start3A_53, %dma_start3A_57] : memref<80x128xi32, #tpu.memory_space<vmem>> -> memref<1x128xi32, #tpu.memory_space<vmem>>
    %dma_start3A_59 = tpu.memref_squeeze %dma_start3A_58 : memref<1x128xi32, #tpu.memory_space<vmem>> -> memref<128xi32, #tpu.memory_space<vmem>>
    %dma_start3A_60 = arith.constant 0 : i32
    %dma_start3A_61 = arith.constant 0 : i32
    %dma_start3A_62 = tpu.memref_slice %arg11[%dma_start3A_60, %dma_start3A_61] : memref<10112x64xf32, #tpu.memory_space<vmem_shared>> -> memref<10112x64xf32, #tpu.memory_space<vmem_shared>>
    tpu.enqueue_indirect_dma source(%dma_start3A_62 : memref<10112x64xf32, #tpu.memory_space<vmem_shared>>) target(%dma_start3A_56 : memref<128x64xf32, #tpu.memory_space<vmem>>) offsets(%dma_start3A_59 : memref<128xi32, #tpu.memory_space<vmem>>) semaphore(%arg13 : memref<!tpu.dma_semaphore, #tpu.memory_space<semaphore_mem>>)
    %scan3A = arith.constant 0 : i32
    %scan3A_63 = arith.constant 0 : i32
    %scan3A_64 = arith.constant 40 : i32
    %scan3A_65 = arith.addi %scan3A_63, %scan3A_64 : i32
    %scan3A_66 = arith.constant 1 : i32
    scf.for %scan3A_96 = %scan3A_63 to %scan3A_65 step %scan3A_66  : i32 {
      %mul3A_97 = arith.constant 2 : i32
      %mul3A_98 = arith.muli %scan3A_96, %mul3A_97 : i32
      %add3A_99 = arith.constant 0 : i32
      %add3A_100 = arith.addi %mul3A_98, %add3A_99 : i32
      %dma_wait3A_101 = arith.constant 0 : i32
      %dma_wait3A_102 = arith.constant 0 : i32
      %dma_wait3A_103 = tpu.memref_slice %arg9[%dma_wait3A_101, %dma_wait3A_102] : memref<256x64xf32, #tpu.memory_space<vmem>> -> memref<128x64xf32, #tpu.memory_space<vmem>>
      %dma_wait3A_104 = arith.constant 0 : i32
      %dma_wait3A_105 = tpu.memref_slice %arg7[%add3A_100, %dma_wait3A_104] : memref<80x128xi32, #tpu.memory_space<vmem>> -> memref<1x128xi32, #tpu.memory_space<vmem>>
      %dma_wait3A_106 = tpu.memref_squeeze %dma_wait3A_105 : memref<1x128xi32, #tpu.memory_space<vmem>> -> memref<128xi32, #tpu.memory_space<vmem>>
      %dma_wait3A_107 = arith.constant 0 : i32
      %dma_wait3A_108 = arith.constant 0 : i32
      %dma_wait3A_109 = tpu.memref_slice %arg11[%dma_wait3A_107, %dma_wait3A_108] : memref<10112x64xf32, #tpu.memory_space<vmem_shared>> -> memref<10112x64xf32, #tpu.memory_space<vmem_shared>>
      tpu.wait_indirect_dma semaphore(%arg12 : memref<!tpu.dma_semaphore, #tpu.memory_space<semaphore_mem>>) src(%dma_wait3A_109 : memref<10112x64xf32, #tpu.memory_space<vmem_shared>>) dst(%dma_wait3A_103 : memref<128x64xf32, #tpu.memory_space<vmem>>)
      %dma_start3A_110 = arith.constant 0 : i32
      %dma_start3A_111 = arith.constant 0 : i32
      %dma_start3A_112 = tpu.memref_slice %arg9[%dma_start3A_110, %dma_start3A_111] : memref<256x64xf32, #tpu.memory_space<vmem>> -> memref<128x64xf32, #tpu.memory_space<vmem>>
      %dma_start3A_113 = arith.constant 0 : i32
      %dma_start3A_114 = tpu.memref_slice %arg8[%add3A_100, %dma_start3A_113] : memref<80x128xi32, #tpu.memory_space<vmem>> -> memref<1x128xi32, #tpu.memory_space<vmem>>
      %dma_start3A_115 = tpu.memref_squeeze %dma_start3A_114 : memref<1x128xi32, #tpu.memory_space<vmem>> -> memref<128xi32, #tpu.memory_space<vmem>>
      %dma_start3A_116 = arith.constant 0 : i32
      %dma_start3A_117 = arith.constant 0 : i32
      %dma_start3A_118 = tpu.memref_slice %arg10[%dma_start3A_116, %dma_start3A_117] : memref<10112x64xf32, #tpu.memory_space<vmem_shared>> -> memref<10112x64xf32, #tpu.memory_space<vmem_shared>>
      tpu.enqueue_indirect_dma source(%dma_start3A_112 : memref<128x64xf32, #tpu.memory_space<vmem>>) target(%dma_start3A_118 : memref<10112x64xf32, #tpu.memory_space<vmem_shared>>) offsets(%dma_start3A_115 : memref<128xi32, #tpu.memory_space<vmem>>) semaphore(%arg14 : memref<!tpu.dma_semaphore, #tpu.memory_space<semaphore_mem>>) {add = true}
      %add3A_119 = arith.constant 1 : i32
      %add3A_120 = arith.addi %mul3A_98, %add3A_119 : i32
      %dma_wait3A_121 = arith.constant 128 : i32
      %dma_wait3A_122 = arith.constant 0 : i32
      %dma_wait3A_123 = tpu.memref_slice %arg9[%dma_wait3A_121, %dma_wait3A_122] : memref<256x64xf32, #tpu.memory_space<vmem>> -> memref<128x64xf32, #tpu.memory_space<vmem>>
      %dma_wait3A_124 = arith.constant 0 : i32
      %dma_wait3A_125 = tpu.memref_slice %arg7[%add3A_120, %dma_wait3A_124] : memref<80x128xi32, #tpu.memory_space<vmem>> -> memref<1x128xi32, #tpu.memory_space<vmem>>
      %dma_wait3A_126 = tpu.memref_squeeze %dma_wait3A_125 : memref<1x128xi32, #tpu.memory_space<vmem>> -> memref<128xi32, #tpu.memory_space<vmem>>
      %dma_wait3A_127 = arith.constant 0 : i32
      %dma_wait3A_128 = arith.constant 0 : i32
      %dma_wait3A_129 = tpu.memref_slice %arg11[%dma_wait3A_127, %dma_wait3A_128] : memref<10112x64xf32, #tpu.memory_space<vmem_shared>> -> memref<10112x64xf32, #tpu.memory_space<vmem_shared>>
      tpu.wait_indirect_dma semaphore(%arg13 : memref<!tpu.dma_semaphore, #tpu.memory_space<semaphore_mem>>) src(%dma_wait3A_129 : memref<10112x64xf32, #tpu.memory_space<vmem_shared>>) dst(%dma_wait3A_123 : memref<128x64xf32, #tpu.memory_space<vmem>>)
      %dma_start3A_130 = arith.constant 128 : i32
      %dma_start3A_131 = arith.constant 0 : i32
      %dma_start3A_132 = tpu.memref_slice %arg9[%dma_start3A_130, %dma_start3A_131] : memref<256x64xf32, #tpu.memory_space<vmem>> -> memref<128x64xf32, #tpu.memory_space<vmem>>
      %dma_start3A_133 = arith.constant 0 : i32
      %dma_start3A_134 = tpu.memref_slice %arg8[%add3A_120, %dma_start3A_133] : memref<80x128xi32, #tpu.memory_space<vmem>> -> memref<1x128xi32, #tpu.memory_space<vmem>>
      %dma_start3A_135 = tpu.memref_squeeze %dma_start3A_134 : memref<1x128xi32, #tpu.memory_space<vmem>> -> memref<128xi32, #tpu.memory_space<vmem>>
      %dma_start3A_136 = arith.constant 0 : i32
      %dma_start3A_137 = arith.constant 0 : i32
      %dma_start3A_138 = tpu.memref_slice %arg10[%dma_start3A_136, %dma_start3A_137] : memref<10112x64xf32, #tpu.memory_space<vmem_shared>> -> memref<10112x64xf32, #tpu.memory_space<vmem_shared>>
      tpu.enqueue_indirect_dma source(%dma_start3A_132 : memref<128x64xf32, #tpu.memory_space<vmem>>) target(%dma_start3A_138 : memref<10112x64xf32, #tpu.memory_space<vmem_shared>>) offsets(%dma_start3A_135 : memref<128xi32, #tpu.memory_space<vmem>>) semaphore(%arg15 : memref<!tpu.dma_semaphore, #tpu.memory_space<semaphore_mem>>) {add = true}
      %add3A_139 = arith.constant 0 : i32
      %add3A_140 = arith.addi %mul3A_98, %add3A_139 : i32
      %add3A_141 = arith.constant 2 : i32
      %add3A_142 = arith.addi %add3A_140, %add3A_141 : i32
      %lt3A = arith.constant 80 : i32
      %lt3A_143 = arith.cmpi slt, %add3A_142, %lt3A : i32
      %convert_element_type3A = arith.extui %lt3A_143 : i1 to i32
      %cond3A = arith.constant 0 : i32
      %cond3A_144 = arith.cmpi ne, %convert_element_type3A, %cond3A : i32
      scf.if %cond3A_144 {
        %dma_wait3A_154 = arith.constant 0 : i32
        %dma_wait3A_155 = arith.constant 0 : i32
        %dma_wait3A_156 = tpu.memref_slice %arg9[%dma_wait3A_154, %dma_wait3A_155] : memref<256x64xf32, #tpu.memory_space<vmem>> -> memref<128x64xf32, #tpu.memory_space<vmem>>
        %dma_wait3A_157 = arith.constant 0 : i32
        %dma_wait3A_158 = tpu.memref_slice %arg8[%add3A_140, %dma_wait3A_157] : memref<80x128xi32, #tpu.memory_space<vmem>> -> memref<1x128xi32, #tpu.memory_space<vmem>>
        %dma_wait3A_159 = tpu.memref_squeeze %dma_wait3A_158 : memref<1x128xi32, #tpu.memory_space<vmem>> -> memref<128xi32, #tpu.memory_space<vmem>>
        %dma_wait3A_160 = arith.constant 0 : i32
        %dma_wait3A_161 = arith.constant 0 : i32
        %dma_wait3A_162 = tpu.memref_slice %arg10[%dma_wait3A_160, %dma_wait3A_161] : memref<10112x64xf32, #tpu.memory_space<vmem_shared>> -> memref<10112x64xf32, #tpu.memory_space<vmem_shared>>
        tpu.wait_indirect_dma semaphore(%arg14 : memref<!tpu.dma_semaphore, #tpu.memory_space<semaphore_mem>>) src(%dma_wait3A_156 : memref<128x64xf32, #tpu.memory_space<vmem>>) dst(%dma_wait3A_162 : memref<10112x64xf32, #tpu.memory_space<vmem_shared>>)
        %add3A_163 = arith.constant 2 : i32
        %add3A_164 = arith.addi %add3A_140, %add3A_163 : i32
        %dma_start3A_165 = arith.constant 0 : i32
        %dma_start3A_166 = arith.constant 0 : i32
        %dma_start3A_167 = tpu.memref_slice %arg9[%dma_start3A_165, %dma_start3A_166] : memref<256x64xf32, #tpu.memory_space<vmem>> -> memref<128x64xf32, #tpu.memory_space<vmem>>
        %dma_start3A_168 = arith.constant 0 : i32
        %dma_start3A_169 = tpu.memref_slice %arg7[%add3A_164, %dma_start3A_168] : memref<80x128xi32, #tpu.memory_space<vmem>> -> memref<1x128xi32, #tpu.memory_space<vmem>>
        %dma_start3A_170 = tpu.memref_squeeze %dma_start3A_169 : memref<1x128xi32, #tpu.memory_space<vmem>> -> memref<128xi32, #tpu.memory_space<vmem>>
        %dma_start3A_171 = arith.constant 0 : i32
        %dma_start3A_172 = arith.constant 0 : i32
        %dma_start3A_173 = tpu.memref_slice %arg11[%dma_start3A_171, %dma_start3A_172] : memref<10112x64xf32, #tpu.memory_space<vmem_shared>> -> memref<10112x64xf32, #tpu.memory_space<vmem_shared>>
        tpu.enqueue_indirect_dma source(%dma_start3A_173 : memref<10112x64xf32, #tpu.memory_space<vmem_shared>>) target(%dma_start3A_167 : memref<128x64xf32, #tpu.memory_space<vmem>>) offsets(%dma_start3A_170 : memref<128xi32, #tpu.memory_space<vmem>>) semaphore(%arg12 : memref<!tpu.dma_semaphore, #tpu.memory_space<semaphore_mem>>)
      } else {
      }
      %add3A_145 = arith.constant 1 : i32
      %add3A_146 = arith.addi %mul3A_98, %add3A_145 : i32
      %add3A_147 = arith.constant 2 : i32
      %add3A_148 = arith.addi %add3A_146, %add3A_147 : i32
      %lt3A_149 = arith.constant 80 : i32
      %lt3A_150 = arith.cmpi slt, %add3A_148, %lt3A_149 : i32
      %convert_element_type3A_151 = arith.extui %lt3A_150 : i1 to i32
      %cond3A_152 = arith.constant 0 : i32
      %cond3A_153 = arith.cmpi ne, %convert_element_type3A_151, %cond3A_152 : i32
      scf.if %cond3A_153 {
        %dma_wait3A_154 = arith.constant 128 : i32
        %dma_wait3A_155 = arith.constant 0 : i32
        %dma_wait3A_156 = tpu.memref_slice %arg9[%dma_wait3A_154, %dma_wait3A_155] : memref<256x64xf32, #tpu.memory_space<vmem>> -> memref<128x64xf32, #tpu.memory_space<vmem>>
        %dma_wait3A_157 = arith.constant 0 : i32
        %dma_wait3A_158 = tpu.memref_slice %arg8[%add3A_146, %dma_wait3A_157] : memref<80x128xi32, #tpu.memory_space<vmem>> -> memref<1x128xi32, #tpu.memory_space<vmem>>
        %dma_wait3A_159 = tpu.memref_squeeze %dma_wait3A_158 : memref<1x128xi32, #tpu.memory_space<vmem>> -> memref<128xi32, #tpu.memory_space<vmem>>
        %dma_wait3A_160 = arith.constant 0 : i32
        %dma_wait3A_161 = arith.constant 0 : i32
        %dma_wait3A_162 = tpu.memref_slice %arg10[%dma_wait3A_160, %dma_wait3A_161] : memref<10112x64xf32, #tpu.memory_space<vmem_shared>> -> memref<10112x64xf32, #tpu.memory_space<vmem_shared>>
        tpu.wait_indirect_dma semaphore(%arg15 : memref<!tpu.dma_semaphore, #tpu.memory_space<semaphore_mem>>) src(%dma_wait3A_156 : memref<128x64xf32, #tpu.memory_space<vmem>>) dst(%dma_wait3A_162 : memref<10112x64xf32, #tpu.memory_space<vmem_shared>>)
        %add3A_163 = arith.constant 2 : i32
        %add3A_164 = arith.addi %add3A_146, %add3A_163 : i32
        %dma_start3A_165 = arith.constant 128 : i32
        %dma_start3A_166 = arith.constant 0 : i32
        %dma_start3A_167 = tpu.memref_slice %arg9[%dma_start3A_165, %dma_start3A_166] : memref<256x64xf32, #tpu.memory_space<vmem>> -> memref<128x64xf32, #tpu.memory_space<vmem>>
        %dma_start3A_168 = arith.constant 0 : i32
        %dma_start3A_169 = tpu.memref_slice %arg7[%add3A_164, %dma_start3A_168] : memref<80x128xi32, #tpu.memory_space<vmem>> -> memref<1x128xi32, #tpu.memory_space<vmem>>
        %dma_start3A_170 = tpu.memref_squeeze %dma_start3A_169 : memref<1x128xi32, #tpu.memory_space<vmem>> -> memref<128xi32, #tpu.memory_space<vmem>>
        %dma_start3A_171 = arith.constant 0 : i32
        %dma_start3A_172 = arith.constant 0 : i32
        %dma_start3A_173 = tpu.memref_slice %arg11[%dma_start3A_171, %dma_start3A_172] : memref<10112x64xf32, #tpu.memory_space<vmem_shared>> -> memref<10112x64xf32, #tpu.memory_space<vmem_shared>>
        tpu.enqueue_indirect_dma source(%dma_start3A_173 : memref<10112x64xf32, #tpu.memory_space<vmem_shared>>) target(%dma_start3A_167 : memref<128x64xf32, #tpu.memory_space<vmem>>) offsets(%dma_start3A_170 : memref<128xi32, #tpu.memory_space<vmem>>) semaphore(%arg13 : memref<!tpu.dma_semaphore, #tpu.memory_space<semaphore_mem>>)
      } else {
      }
    }
    %scan3A_67 = arith.constant 40 : i32
    %dma_wait3A_68 = arith.constant 78 : i32
    %dma_wait3A_69 = arith.constant 0 : i32
    %dma_wait3A_70 = arith.constant 0 : i32
    %dma_wait3A_71 = tpu.memref_slice %arg9[%dma_wait3A_69, %dma_wait3A_70] : memref<256x64xf32, #tpu.memory_space<vmem>> -> memref<128x64xf32, #tpu.memory_space<vmem>>
    %dma_wait3A_72 = arith.constant 0 : i32
    %dma_wait3A_73 = tpu.memref_slice %arg8[%dma_wait3A_68, %dma_wait3A_72] : memref<80x128xi32, #tpu.memory_space<vmem>> -> memref<1x128xi32, #tpu.memory_space<vmem>>
    %dma_wait3A_74 = tpu.memref_squeeze %dma_wait3A_73 : memref<1x128xi32, #tpu.memory_space<vmem>> -> memref<128xi32, #tpu.memory_space<vmem>>
    %dma_wait3A_75 = arith.constant 0 : i32
    %dma_wait3A_76 = arith.constant 0 : i32
    %dma_wait3A_77 = tpu.memref_slice %arg10[%dma_wait3A_75, %dma_wait3A_76] : memref<10112x64xf32, #tpu.memory_space<vmem_shared>> -> memref<10112x64xf32, #tpu.memory_space<vmem_shared>>
    tpu.wait_indirect_dma semaphore(%arg14 : memref<!tpu.dma_semaphore, #tpu.memory_space<semaphore_mem>>) src(%dma_wait3A_71 : memref<128x64xf32, #tpu.memory_space<vmem>>) dst(%dma_wait3A_77 : memref<10112x64xf32, #tpu.memory_space<vmem_shared>>)
    %dma_wait3A_78 = arith.constant 79 : i32
    %dma_wait3A_79 = arith.constant 128 : i32
    %dma_wait3A_80 = arith.constant 0 : i32
    %dma_wait3A_81 = tpu.memref_slice %arg9[%dma_wait3A_79, %dma_wait3A_80] : memref<256x64xf32, #tpu.memory_space<vmem>> -> memref<128x64xf32, #tpu.memory_space<vmem>>
    %dma_wait3A_82 = arith.constant 0 : i32
    %dma_wait3A_83 = tpu.memref_slice %arg8[%dma_wait3A_78, %dma_wait3A_82] : memref<80x128xi32, #tpu.memory_space<vmem>> -> memref<1x128xi32, #tpu.memory_space<vmem>>
    %dma_wait3A_84 = tpu.memref_squeeze %dma_wait3A_83 : memref<1x128xi32, #tpu.memory_space<vmem>> -> memref<128xi32, #tpu.memory_space<vmem>>
    %dma_wait3A_85 = arith.constant 0 : i32
    %dma_wait3A_86 = arith.constant 0 : i32
    %dma_wait3A_87 = tpu.memref_slice %arg10[%dma_wait3A_85, %dma_wait3A_86] : memref<10112x64xf32, #tpu.memory_space<vmem_shared>> -> memref<10112x64xf32, #tpu.memory_space<vmem_shared>>
    tpu.wait_indirect_dma semaphore(%arg15 : memref<!tpu.dma_semaphore, #tpu.memory_space<semaphore_mem>>) src(%dma_wait3A_81 : memref<128x64xf32, #tpu.memory_space<vmem>>) dst(%dma_wait3A_87 : memref<10112x64xf32, #tpu.memory_space<vmem_shared>>)
    %barrier3A_88 = arith.constant 0 : index
    tpu.barrier barrier_id(%barrier3A_88)
    %mul3A_89 = arith.constant 632 : i32
    %mul3A_90 = arith.muli %arg1, %mul3A_89 : i32
    %mul3A_91 = arith.constant 10112 : i32
    %mul3A_92 = arith.muli %arg0, %mul3A_91 : i32
    %mul3A_93 = arith.constant 632 : i32
    %mul3A_94 = arith.muli %arg1, %mul3A_93 : i32
    %add3A_95 = arith.addi %mul3A_92, %mul3A_94 : i32
    "tpu.region"() ({
      %run_scoped3A = tpu.sem_alloc : memref<!tpu.dma_semaphore, #tpu.memory_space<semaphore_mem>>
      %dma_start3A_96 = arith.constant 0 : i32
      %dma_start3A_97 = tpu.memref_slice %arg6[%add3A_95, %dma_start3A_96] : memref<20224x64xf32, #tpu.memory_space<hbm>> -> memref<632x64xf32, #tpu.memory_space<hbm>>
      %dma_start3A_98 = arith.constant 0 : i32
      %dma_start3A_99 = tpu.memref_slice %arg10[%mul3A_90, %dma_start3A_98] : memref<10112x64xf32, #tpu.memory_space<vmem_shared>> -> memref<632x64xf32, #tpu.memory_space<vmem_shared>>
      tpu.enqueue_dma source(%dma_start3A_99 : memref<632x64xf32, #tpu.memory_space<vmem_shared>>) target(%dma_start3A_97 : memref<632x64xf32, #tpu.memory_space<hbm>>) target_semaphore(%run_scoped3A : memref<!tpu.dma_semaphore, #tpu.memory_space<semaphore_mem>>)
      %dma_wait3A_100 = arith.constant 0 : i32
      %dma_wait3A_101 = tpu.memref_slice %arg6[%add3A_95, %dma_wait3A_100] : memref<20224x64xf32, #tpu.memory_space<hbm>> -> memref<632x64xf32, #tpu.memory_space<hbm>>
      %dma_wait3A_102 = arith.constant 0 : i32
      %dma_wait3A_103 = tpu.memref_slice %arg10[%mul3A_90, %dma_wait3A_102] : memref<10112x64xf32, #tpu.memory_space<vmem_shared>> -> memref<632x64xf32, #tpu.memory_space<vmem_shared>>
      tpu.wait_dma2 semaphore(%run_scoped3A : memref<!tpu.dma_semaphore, #tpu.memory_space<semaphore_mem>>) src(%dma_wait3A_103 : memref<632x64xf32, #tpu.memory_space<vmem_shared>>) dst(%dma_wait3A_101 : memref<632x64xf32, #tpu.memory_space<hbm>>)
      tpu.yield
    }) : () -> ()
    return
  }
}

#map = affine_map<(d0, d1) -> (0, 0)>
module attributes {stable_mosaic.version = 14 : i64} {
  func.func @_agg_body(%arg0: i32, %arg1: i32, %arg2: memref<10112x64xf32, #tpu.memory_space<hbm>>, %arg3: memref<2560x128xi32, #tpu.memory_space<hbm>>, %arg4: memref<2560x128xi32, #tpu.memory_space<hbm>>, %arg5: memref<10112x64xf32, #tpu.memory_space<hbm>>, %arg6: memref<20224x64xf32, #tpu.memory_space<hbm>>, %arg7: memref<80x128xi32, #tpu.memory_space<vmem>>, %arg8: memref<80x128xi32, #tpu.memory_space<vmem>>, %arg9: memref<256x64xf32, #tpu.memory_space<vmem>>, %arg10: memref<10112x64xf32, #tpu.memory_space<vmem_shared>>, %arg11: memref<10112x64xf32, #tpu.memory_space<vmem_shared>>, %arg12: memref<!tpu.dma_semaphore, #tpu.memory_space<semaphore_mem>>, %arg13: memref<!tpu.dma_semaphore, #tpu.memory_space<semaphore_mem>>, %arg14: memref<!tpu.dma_semaphore, #tpu.memory_space<semaphore_mem>>, %arg15: memref<!tpu.dma_semaphore, #tpu.memory_space<semaphore_mem>>) attributes {dimension_semantics = [#tpu.dimension_semantics<core_parallel>, #tpu.dimension_semantics<subcore_parallel>], iteration_bounds = array<i64: 2, 16>, scalar_prefetch = 0 : i64, scratch_operands = 9 : i64, tpu.core_type = #tpu.core_type<sc_vector_subcore>, window_params = [{transform_indices = #map}, {transform_indices = #map}, {transform_indices = #map}, {transform_indices = #map}, {transform_indices = #map}]} {
    %mul3A = arith.constant 16 : i32
    %mul3A_0 = arith.muli %arg0, %mul3A : i32
    %add3A = arith.addi %mul3A_0, %arg1 : i32
    %mul3A_1 = arith.constant 80 : i32
    %mul3A_2 = arith.muli %add3A, %mul3A_1 : i32
    %dma_start3A = arith.constant 0 : i32
    %dma_start3A_3 = tpu.memref_slice %arg3[%mul3A_2, %dma_start3A] : memref<2560x128xi32, #tpu.memory_space<hbm>> -> memref<80x128xi32, #tpu.memory_space<hbm>>
    %dma_start3A_4 = arith.constant 0 : i32
    %dma_start3A_5 = tpu.memref_slice %arg3[%mul3A_2, %dma_start3A_4] : memref<2560x128xi32, #tpu.memory_space<hbm>> -> memref<80x128xi32, #tpu.memory_space<hbm>>
    tpu.enqueue_dma source(%dma_start3A_5 : memref<80x128xi32, #tpu.memory_space<hbm>>) target(%arg7 : memref<80x128xi32, #tpu.memory_space<vmem>>) target_semaphore(%arg12 : memref<!tpu.dma_semaphore, #tpu.memory_space<semaphore_mem>>)
    %mul3A_6 = arith.constant 80 : i32
    %mul3A_7 = arith.muli %add3A, %mul3A_6 : i32
    %dma_start3A_8 = arith.constant 0 : i32
    %dma_start3A_9 = tpu.memref_slice %arg4[%mul3A_7, %dma_start3A_8] : memref<2560x128xi32, #tpu.memory_space<hbm>> -> memref<80x128xi32, #tpu.memory_space<hbm>>
    %dma_start3A_10 = arith.constant 0 : i32
    %dma_start3A_11 = tpu.memref_slice %arg4[%mul3A_7, %dma_start3A_10] : memref<2560x128xi32, #tpu.memory_space<hbm>> -> memref<80x128xi32, #tpu.memory_space<hbm>>
    tpu.enqueue_dma source(%dma_start3A_11 : memref<80x128xi32, #tpu.memory_space<hbm>>) target(%arg8 : memref<80x128xi32, #tpu.memory_space<vmem>>) target_semaphore(%arg13 : memref<!tpu.dma_semaphore, #tpu.memory_space<semaphore_mem>>)
    %mul3A_12 = arith.constant 632 : i32
    %mul3A_13 = arith.muli %arg1, %mul3A_12 : i32
    %mul3A_14 = arith.constant 632 : i32
    %mul3A_15 = arith.muli %arg1, %mul3A_14 : i32
    %dma_start3A_16 = arith.constant 0 : i32
    %dma_start3A_17 = tpu.memref_slice %arg10[%mul3A_15, %dma_start3A_16] : memref<10112x64xf32, #tpu.memory_space<vmem_shared>> -> memref<632x64xf32, #tpu.memory_space<vmem_shared>>
    %dma_start3A_18 = arith.constant 0 : i32
    %dma_start3A_19 = tpu.memref_slice %arg5[%mul3A_13, %dma_start3A_18] : memref<10112x64xf32, #tpu.memory_space<hbm>> -> memref<632x64xf32, #tpu.memory_space<hbm>>
    tpu.enqueue_dma source(%dma_start3A_19 : memref<632x64xf32, #tpu.memory_space<hbm>>) target(%dma_start3A_17 : memref<632x64xf32, #tpu.memory_space<vmem_shared>>) target_semaphore(%arg14 : memref<!tpu.dma_semaphore, #tpu.memory_space<semaphore_mem>>)
    %mul3A_20 = arith.constant 632 : i32
    %mul3A_21 = arith.muli %arg1, %mul3A_20 : i32
    %mul3A_22 = arith.constant 632 : i32
    %mul3A_23 = arith.muli %arg1, %mul3A_22 : i32
    %dma_start3A_24 = arith.constant 0 : i32
    %dma_start3A_25 = tpu.memref_slice %arg11[%mul3A_23, %dma_start3A_24] : memref<10112x64xf32, #tpu.memory_space<vmem_shared>> -> memref<632x64xf32, #tpu.memory_space<vmem_shared>>
    %dma_start3A_26 = arith.constant 0 : i32
    %dma_start3A_27 = tpu.memref_slice %arg2[%mul3A_21, %dma_start3A_26] : memref<10112x64xf32, #tpu.memory_space<hbm>> -> memref<632x64xf32, #tpu.memory_space<hbm>>
    tpu.enqueue_dma source(%dma_start3A_27 : memref<632x64xf32, #tpu.memory_space<hbm>>) target(%dma_start3A_25 : memref<632x64xf32, #tpu.memory_space<vmem_shared>>) target_semaphore(%arg15 : memref<!tpu.dma_semaphore, #tpu.memory_space<semaphore_mem>>)
    %dma_wait3A = arith.constant 0 : i32
    %dma_wait3A_28 = tpu.memref_slice %arg3[%mul3A_2, %dma_wait3A] : memref<2560x128xi32, #tpu.memory_space<hbm>> -> memref<80x128xi32, #tpu.memory_space<hbm>>
    %dma_wait3A_29 = arith.constant 0 : i32
    %dma_wait3A_30 = tpu.memref_slice %arg3[%mul3A_2, %dma_wait3A_29] : memref<2560x128xi32, #tpu.memory_space<hbm>> -> memref<80x128xi32, #tpu.memory_space<hbm>>
    tpu.wait_dma2 semaphore(%arg12 : memref<!tpu.dma_semaphore, #tpu.memory_space<semaphore_mem>>) src(%dma_wait3A_30 : memref<80x128xi32, #tpu.memory_space<hbm>>) dst(%arg7 : memref<80x128xi32, #tpu.memory_space<vmem>>)
    %dma_wait3A_31 = arith.constant 0 : i32
    %dma_wait3A_32 = tpu.memref_slice %arg4[%mul3A_7, %dma_wait3A_31] : memref<2560x128xi32, #tpu.memory_space<hbm>> -> memref<80x128xi32, #tpu.memory_space<hbm>>
    %dma_wait3A_33 = arith.constant 0 : i32
    %dma_wait3A_34 = tpu.memref_slice %arg4[%mul3A_7, %dma_wait3A_33] : memref<2560x128xi32, #tpu.memory_space<hbm>> -> memref<80x128xi32, #tpu.memory_space<hbm>>
    tpu.wait_dma2 semaphore(%arg13 : memref<!tpu.dma_semaphore, #tpu.memory_space<semaphore_mem>>) src(%dma_wait3A_34 : memref<80x128xi32, #tpu.memory_space<hbm>>) dst(%arg8 : memref<80x128xi32, #tpu.memory_space<vmem>>)
    %dma_wait3A_35 = arith.constant 0 : i32
    %dma_wait3A_36 = tpu.memref_slice %arg10[%mul3A_15, %dma_wait3A_35] : memref<10112x64xf32, #tpu.memory_space<vmem_shared>> -> memref<632x64xf32, #tpu.memory_space<vmem_shared>>
    %dma_wait3A_37 = arith.constant 0 : i32
    %dma_wait3A_38 = tpu.memref_slice %arg5[%mul3A_13, %dma_wait3A_37] : memref<10112x64xf32, #tpu.memory_space<hbm>> -> memref<632x64xf32, #tpu.memory_space<hbm>>
    tpu.wait_dma2 semaphore(%arg14 : memref<!tpu.dma_semaphore, #tpu.memory_space<semaphore_mem>>) src(%dma_wait3A_38 : memref<632x64xf32, #tpu.memory_space<hbm>>) dst(%dma_wait3A_36 : memref<632x64xf32, #tpu.memory_space<vmem_shared>>)
    %dma_wait3A_39 = arith.constant 0 : i32
    %dma_wait3A_40 = tpu.memref_slice %arg11[%mul3A_23, %dma_wait3A_39] : memref<10112x64xf32, #tpu.memory_space<vmem_shared>> -> memref<632x64xf32, #tpu.memory_space<vmem_shared>>
    %dma_wait3A_41 = arith.constant 0 : i32
    %dma_wait3A_42 = tpu.memref_slice %arg2[%mul3A_21, %dma_wait3A_41] : memref<10112x64xf32, #tpu.memory_space<hbm>> -> memref<632x64xf32, #tpu.memory_space<hbm>>
    tpu.wait_dma2 semaphore(%arg15 : memref<!tpu.dma_semaphore, #tpu.memory_space<semaphore_mem>>) src(%dma_wait3A_42 : memref<632x64xf32, #tpu.memory_space<hbm>>) dst(%dma_wait3A_40 : memref<632x64xf32, #tpu.memory_space<vmem_shared>>)
    %barrier3A = arith.constant 0 : index
    tpu.barrier barrier_id(%barrier3A)
    %dma_start3A_43 = arith.constant 0 : i32
    %dma_start3A_44 = arith.constant 0 : i32
    %dma_start3A_45 = arith.constant 0 : i32
    %dma_start3A_46 = tpu.memref_slice %arg9[%dma_start3A_44, %dma_start3A_45] : memref<256x64xf32, #tpu.memory_space<vmem>> -> memref<128x64xf32, #tpu.memory_space<vmem>>
    %dma_start3A_47 = arith.constant 0 : i32
    %dma_start3A_48 = tpu.memref_slice %arg7[%dma_start3A_43, %dma_start3A_47] : memref<80x128xi32, #tpu.memory_space<vmem>> -> memref<1x128xi32, #tpu.memory_space<vmem>>
    %dma_start3A_49 = tpu.memref_squeeze %dma_start3A_48 : memref<1x128xi32, #tpu.memory_space<vmem>> -> memref<128xi32, #tpu.memory_space<vmem>>
    %dma_start3A_50 = arith.constant 0 : i32
    %dma_start3A_51 = arith.constant 0 : i32
    %dma_start3A_52 = tpu.memref_slice %arg11[%dma_start3A_50, %dma_start3A_51] : memref<10112x64xf32, #tpu.memory_space<vmem_shared>> -> memref<10112x64xf32, #tpu.memory_space<vmem_shared>>
    tpu.enqueue_indirect_dma source(%dma_start3A_52 : memref<10112x64xf32, #tpu.memory_space<vmem_shared>>) target(%dma_start3A_46 : memref<128x64xf32, #tpu.memory_space<vmem>>) offsets(%dma_start3A_49 : memref<128xi32, #tpu.memory_space<vmem>>) semaphore(%arg12 : memref<!tpu.dma_semaphore, #tpu.memory_space<semaphore_mem>>)
    %dma_start3A_53 = arith.constant 1 : i32
    %dma_start3A_54 = arith.constant 128 : i32
    %dma_start3A_55 = arith.constant 0 : i32
    %dma_start3A_56 = tpu.memref_slice %arg9[%dma_start3A_54, %dma_start3A_55] : memref<256x64xf32, #tpu.memory_space<vmem>> -> memref<128x64xf32, #tpu.memory_space<vmem>>
    %dma_start3A_57 = arith.constant 0 : i32
    %dma_start3A_58 = tpu.memref_slice %arg7[%dma_start3A_53, %dma_start3A_57] : memref<80x128xi32, #tpu.memory_space<vmem>> -> memref<1x128xi32, #tpu.memory_space<vmem>>
    %dma_start3A_59 = tpu.memref_squeeze %dma_start3A_58 : memref<1x128xi32, #tpu.memory_space<vmem>> -> memref<128xi32, #tpu.memory_space<vmem>>
    %dma_start3A_60 = arith.constant 0 : i32
    %dma_start3A_61 = arith.constant 0 : i32
    %dma_start3A_62 = tpu.memref_slice %arg11[%dma_start3A_60, %dma_start3A_61] : memref<10112x64xf32, #tpu.memory_space<vmem_shared>> -> memref<10112x64xf32, #tpu.memory_space<vmem_shared>>
    tpu.enqueue_indirect_dma source(%dma_start3A_62 : memref<10112x64xf32, #tpu.memory_space<vmem_shared>>) target(%dma_start3A_56 : memref<128x64xf32, #tpu.memory_space<vmem>>) offsets(%dma_start3A_59 : memref<128xi32, #tpu.memory_space<vmem>>) semaphore(%arg13 : memref<!tpu.dma_semaphore, #tpu.memory_space<semaphore_mem>>)
    %scan3A = arith.constant 0 : i32
    %scan3A_63 = arith.constant 0 : i32
    %scan3A_64 = arith.constant 40 : i32
    %scan3A_65 = arith.addi %scan3A_63, %scan3A_64 : i32
    %scan3A_66 = arith.constant 1 : i32
    scf.for %scan3A_96 = %scan3A_63 to %scan3A_65 step %scan3A_66  : i32 {
      %mul3A_97 = arith.constant 2 : i32
      %mul3A_98 = arith.muli %scan3A_96, %mul3A_97 : i32
      %add3A_99 = arith.constant 0 : i32
      %add3A_100 = arith.addi %mul3A_98, %add3A_99 : i32
      %dma_wait3A_101 = arith.constant 0 : i32
      %dma_wait3A_102 = arith.constant 0 : i32
      %dma_wait3A_103 = tpu.memref_slice %arg9[%dma_wait3A_101, %dma_wait3A_102] : memref<256x64xf32, #tpu.memory_space<vmem>> -> memref<128x64xf32, #tpu.memory_space<vmem>>
      %dma_wait3A_104 = arith.constant 0 : i32
      %dma_wait3A_105 = tpu.memref_slice %arg7[%add3A_100, %dma_wait3A_104] : memref<80x128xi32, #tpu.memory_space<vmem>> -> memref<1x128xi32, #tpu.memory_space<vmem>>
      %dma_wait3A_106 = tpu.memref_squeeze %dma_wait3A_105 : memref<1x128xi32, #tpu.memory_space<vmem>> -> memref<128xi32, #tpu.memory_space<vmem>>
      %dma_wait3A_107 = arith.constant 0 : i32
      %dma_wait3A_108 = arith.constant 0 : i32
      %dma_wait3A_109 = tpu.memref_slice %arg11[%dma_wait3A_107, %dma_wait3A_108] : memref<10112x64xf32, #tpu.memory_space<vmem_shared>> -> memref<10112x64xf32, #tpu.memory_space<vmem_shared>>
      tpu.wait_indirect_dma semaphore(%arg12 : memref<!tpu.dma_semaphore, #tpu.memory_space<semaphore_mem>>) src(%dma_wait3A_109 : memref<10112x64xf32, #tpu.memory_space<vmem_shared>>) dst(%dma_wait3A_103 : memref<128x64xf32, #tpu.memory_space<vmem>>)
      %dma_start3A_110 = arith.constant 0 : i32
      %dma_start3A_111 = arith.constant 0 : i32
      %dma_start3A_112 = tpu.memref_slice %arg9[%dma_start3A_110, %dma_start3A_111] : memref<256x64xf32, #tpu.memory_space<vmem>> -> memref<128x64xf32, #tpu.memory_space<vmem>>
      %dma_start3A_113 = arith.constant 0 : i32
      %dma_start3A_114 = tpu.memref_slice %arg8[%add3A_100, %dma_start3A_113] : memref<80x128xi32, #tpu.memory_space<vmem>> -> memref<1x128xi32, #tpu.memory_space<vmem>>
      %dma_start3A_115 = tpu.memref_squeeze %dma_start3A_114 : memref<1x128xi32, #tpu.memory_space<vmem>> -> memref<128xi32, #tpu.memory_space<vmem>>
      %dma_start3A_116 = arith.constant 0 : i32
      %dma_start3A_117 = arith.constant 0 : i32
      %dma_start3A_118 = tpu.memref_slice %arg10[%dma_start3A_116, %dma_start3A_117] : memref<10112x64xf32, #tpu.memory_space<vmem_shared>> -> memref<10112x64xf32, #tpu.memory_space<vmem_shared>>
      tpu.enqueue_indirect_dma source(%dma_start3A_112 : memref<128x64xf32, #tpu.memory_space<vmem>>) target(%dma_start3A_118 : memref<10112x64xf32, #tpu.memory_space<vmem_shared>>) offsets(%dma_start3A_115 : memref<128xi32, #tpu.memory_space<vmem>>) semaphore(%arg14 : memref<!tpu.dma_semaphore, #tpu.memory_space<semaphore_mem>>) {add = true}
      %add3A_119 = arith.constant 1 : i32
      %add3A_120 = arith.addi %mul3A_98, %add3A_119 : i32
      %dma_wait3A_121 = arith.constant 128 : i32
      %dma_wait3A_122 = arith.constant 0 : i32
      %dma_wait3A_123 = tpu.memref_slice %arg9[%dma_wait3A_121, %dma_wait3A_122] : memref<256x64xf32, #tpu.memory_space<vmem>> -> memref<128x64xf32, #tpu.memory_space<vmem>>
      %dma_wait3A_124 = arith.constant 0 : i32
      %dma_wait3A_125 = tpu.memref_slice %arg7[%add3A_120, %dma_wait3A_124] : memref<80x128xi32, #tpu.memory_space<vmem>> -> memref<1x128xi32, #tpu.memory_space<vmem>>
      %dma_wait3A_126 = tpu.memref_squeeze %dma_wait3A_125 : memref<1x128xi32, #tpu.memory_space<vmem>> -> memref<128xi32, #tpu.memory_space<vmem>>
      %dma_wait3A_127 = arith.constant 0 : i32
      %dma_wait3A_128 = arith.constant 0 : i32
      %dma_wait3A_129 = tpu.memref_slice %arg11[%dma_wait3A_127, %dma_wait3A_128] : memref<10112x64xf32, #tpu.memory_space<vmem_shared>> -> memref<10112x64xf32, #tpu.memory_space<vmem_shared>>
      tpu.wait_indirect_dma semaphore(%arg13 : memref<!tpu.dma_semaphore, #tpu.memory_space<semaphore_mem>>) src(%dma_wait3A_129 : memref<10112x64xf32, #tpu.memory_space<vmem_shared>>) dst(%dma_wait3A_123 : memref<128x64xf32, #tpu.memory_space<vmem>>)
      %dma_start3A_130 = arith.constant 128 : i32
      %dma_start3A_131 = arith.constant 0 : i32
      %dma_start3A_132 = tpu.memref_slice %arg9[%dma_start3A_130, %dma_start3A_131] : memref<256x64xf32, #tpu.memory_space<vmem>> -> memref<128x64xf32, #tpu.memory_space<vmem>>
      %dma_start3A_133 = arith.constant 0 : i32
      %dma_start3A_134 = tpu.memref_slice %arg8[%add3A_120, %dma_start3A_133] : memref<80x128xi32, #tpu.memory_space<vmem>> -> memref<1x128xi32, #tpu.memory_space<vmem>>
      %dma_start3A_135 = tpu.memref_squeeze %dma_start3A_134 : memref<1x128xi32, #tpu.memory_space<vmem>> -> memref<128xi32, #tpu.memory_space<vmem>>
      %dma_start3A_136 = arith.constant 0 : i32
      %dma_start3A_137 = arith.constant 0 : i32
      %dma_start3A_138 = tpu.memref_slice %arg10[%dma_start3A_136, %dma_start3A_137] : memref<10112x64xf32, #tpu.memory_space<vmem_shared>> -> memref<10112x64xf32, #tpu.memory_space<vmem_shared>>
      tpu.enqueue_indirect_dma source(%dma_start3A_132 : memref<128x64xf32, #tpu.memory_space<vmem>>) target(%dma_start3A_138 : memref<10112x64xf32, #tpu.memory_space<vmem_shared>>) offsets(%dma_start3A_135 : memref<128xi32, #tpu.memory_space<vmem>>) semaphore(%arg15 : memref<!tpu.dma_semaphore, #tpu.memory_space<semaphore_mem>>) {add = true}
      %add3A_139 = arith.constant 0 : i32
      %add3A_140 = arith.addi %mul3A_98, %add3A_139 : i32
      %add3A_141 = arith.constant 2 : i32
      %add3A_142 = arith.addi %add3A_140, %add3A_141 : i32
      %lt3A = arith.constant 80 : i32
      %lt3A_143 = arith.cmpi slt, %add3A_142, %lt3A : i32
      %convert_element_type3A = arith.extui %lt3A_143 : i1 to i32
      %cond3A = arith.constant 0 : i32
      %cond3A_144 = arith.cmpi ne, %convert_element_type3A, %cond3A : i32
      scf.if %cond3A_144 {
        %dma_wait3A_154 = arith.constant 0 : i32
        %dma_wait3A_155 = arith.constant 0 : i32
        %dma_wait3A_156 = tpu.memref_slice %arg9[%dma_wait3A_154, %dma_wait3A_155] : memref<256x64xf32, #tpu.memory_space<vmem>> -> memref<128x64xf32, #tpu.memory_space<vmem>>
        %dma_wait3A_157 = arith.constant 0 : i32
        %dma_wait3A_158 = tpu.memref_slice %arg8[%add3A_140, %dma_wait3A_157] : memref<80x128xi32, #tpu.memory_space<vmem>> -> memref<1x128xi32, #tpu.memory_space<vmem>>
        %dma_wait3A_159 = tpu.memref_squeeze %dma_wait3A_158 : memref<1x128xi32, #tpu.memory_space<vmem>> -> memref<128xi32, #tpu.memory_space<vmem>>
        %dma_wait3A_160 = arith.constant 0 : i32
        %dma_wait3A_161 = arith.constant 0 : i32
        %dma_wait3A_162 = tpu.memref_slice %arg10[%dma_wait3A_160, %dma_wait3A_161] : memref<10112x64xf32, #tpu.memory_space<vmem_shared>> -> memref<10112x64xf32, #tpu.memory_space<vmem_shared>>
        tpu.wait_indirect_dma semaphore(%arg14 : memref<!tpu.dma_semaphore, #tpu.memory_space<semaphore_mem>>) src(%dma_wait3A_156 : memref<128x64xf32, #tpu.memory_space<vmem>>) dst(%dma_wait3A_162 : memref<10112x64xf32, #tpu.memory_space<vmem_shared>>)
        %add3A_163 = arith.constant 2 : i32
        %add3A_164 = arith.addi %add3A_140, %add3A_163 : i32
        %dma_start3A_165 = arith.constant 0 : i32
        %dma_start3A_166 = arith.constant 0 : i32
        %dma_start3A_167 = tpu.memref_slice %arg9[%dma_start3A_165, %dma_start3A_166] : memref<256x64xf32, #tpu.memory_space<vmem>> -> memref<128x64xf32, #tpu.memory_space<vmem>>
        %dma_start3A_168 = arith.constant 0 : i32
        %dma_start3A_169 = tpu.memref_slice %arg7[%add3A_164, %dma_start3A_168] : memref<80x128xi32, #tpu.memory_space<vmem>> -> memref<1x128xi32, #tpu.memory_space<vmem>>
        %dma_start3A_170 = tpu.memref_squeeze %dma_start3A_169 : memref<1x128xi32, #tpu.memory_space<vmem>> -> memref<128xi32, #tpu.memory_space<vmem>>
        %dma_start3A_171 = arith.constant 0 : i32
        %dma_start3A_172 = arith.constant 0 : i32
        %dma_start3A_173 = tpu.memref_slice %arg11[%dma_start3A_171, %dma_start3A_172] : memref<10112x64xf32, #tpu.memory_space<vmem_shared>> -> memref<10112x64xf32, #tpu.memory_space<vmem_shared>>
        tpu.enqueue_indirect_dma source(%dma_start3A_173 : memref<10112x64xf32, #tpu.memory_space<vmem_shared>>) target(%dma_start3A_167 : memref<128x64xf32, #tpu.memory_space<vmem>>) offsets(%dma_start3A_170 : memref<128xi32, #tpu.memory_space<vmem>>) semaphore(%arg12 : memref<!tpu.dma_semaphore, #tpu.memory_space<semaphore_mem>>)
      } else {
      }
      %add3A_145 = arith.constant 1 : i32
      %add3A_146 = arith.addi %mul3A_98, %add3A_145 : i32
      %add3A_147 = arith.constant 2 : i32
      %add3A_148 = arith.addi %add3A_146, %add3A_147 : i32
      %lt3A_149 = arith.constant 80 : i32
      %lt3A_150 = arith.cmpi slt, %add3A_148, %lt3A_149 : i32
      %convert_element_type3A_151 = arith.extui %lt3A_150 : i1 to i32
      %cond3A_152 = arith.constant 0 : i32
      %cond3A_153 = arith.cmpi ne, %convert_element_type3A_151, %cond3A_152 : i32
      scf.if %cond3A_153 {
        %dma_wait3A_154 = arith.constant 128 : i32
        %dma_wait3A_155 = arith.constant 0 : i32
        %dma_wait3A_156 = tpu.memref_slice %arg9[%dma_wait3A_154, %dma_wait3A_155] : memref<256x64xf32, #tpu.memory_space<vmem>> -> memref<128x64xf32, #tpu.memory_space<vmem>>
        %dma_wait3A_157 = arith.constant 0 : i32
        %dma_wait3A_158 = tpu.memref_slice %arg8[%add3A_146, %dma_wait3A_157] : memref<80x128xi32, #tpu.memory_space<vmem>> -> memref<1x128xi32, #tpu.memory_space<vmem>>
        %dma_wait3A_159 = tpu.memref_squeeze %dma_wait3A_158 : memref<1x128xi32, #tpu.memory_space<vmem>> -> memref<128xi32, #tpu.memory_space<vmem>>
        %dma_wait3A_160 = arith.constant 0 : i32
        %dma_wait3A_161 = arith.constant 0 : i32
        %dma_wait3A_162 = tpu.memref_slice %arg10[%dma_wait3A_160, %dma_wait3A_161] : memref<10112x64xf32, #tpu.memory_space<vmem_shared>> -> memref<10112x64xf32, #tpu.memory_space<vmem_shared>>
        tpu.wait_indirect_dma semaphore(%arg15 : memref<!tpu.dma_semaphore, #tpu.memory_space<semaphore_mem>>) src(%dma_wait3A_156 : memref<128x64xf32, #tpu.memory_space<vmem>>) dst(%dma_wait3A_162 : memref<10112x64xf32, #tpu.memory_space<vmem_shared>>)
        %add3A_163 = arith.constant 2 : i32
        %add3A_164 = arith.addi %add3A_146, %add3A_163 : i32
        %dma_start3A_165 = arith.constant 128 : i32
        %dma_start3A_166 = arith.constant 0 : i32
        %dma_start3A_167 = tpu.memref_slice %arg9[%dma_start3A_165, %dma_start3A_166] : memref<256x64xf32, #tpu.memory_space<vmem>> -> memref<128x64xf32, #tpu.memory_space<vmem>>
        %dma_start3A_168 = arith.constant 0 : i32
        %dma_start3A_169 = tpu.memref_slice %arg7[%add3A_164, %dma_start3A_168] : memref<80x128xi32, #tpu.memory_space<vmem>> -> memref<1x128xi32, #tpu.memory_space<vmem>>
        %dma_start3A_170 = tpu.memref_squeeze %dma_start3A_169 : memref<1x128xi32, #tpu.memory_space<vmem>> -> memref<128xi32, #tpu.memory_space<vmem>>
        %dma_start3A_171 = arith.constant 0 : i32
        %dma_start3A_172 = arith.constant 0 : i32
        %dma_start3A_173 = tpu.memref_slice %arg11[%dma_start3A_171, %dma_start3A_172] : memref<10112x64xf32, #tpu.memory_space<vmem_shared>> -> memref<10112x64xf32, #tpu.memory_space<vmem_shared>>
        tpu.enqueue_indirect_dma source(%dma_start3A_173 : memref<10112x64xf32, #tpu.memory_space<vmem_shared>>) target(%dma_start3A_167 : memref<128x64xf32, #tpu.memory_space<vmem>>) offsets(%dma_start3A_170 : memref<128xi32, #tpu.memory_space<vmem>>) semaphore(%arg13 : memref<!tpu.dma_semaphore, #tpu.memory_space<semaphore_mem>>)
      } else {
      }
    }
    %scan3A_67 = arith.constant 40 : i32
    %dma_wait3A_68 = arith.constant 78 : i32
    %dma_wait3A_69 = arith.constant 0 : i32
    %dma_wait3A_70 = arith.constant 0 : i32
    %dma_wait3A_71 = tpu.memref_slice %arg9[%dma_wait3A_69, %dma_wait3A_70] : memref<256x64xf32, #tpu.memory_space<vmem>> -> memref<128x64xf32, #tpu.memory_space<vmem>>
    %dma_wait3A_72 = arith.constant 0 : i32
    %dma_wait3A_73 = tpu.memref_slice %arg8[%dma_wait3A_68, %dma_wait3A_72] : memref<80x128xi32, #tpu.memory_space<vmem>> -> memref<1x128xi32, #tpu.memory_space<vmem>>
    %dma_wait3A_74 = tpu.memref_squeeze %dma_wait3A_73 : memref<1x128xi32, #tpu.memory_space<vmem>> -> memref<128xi32, #tpu.memory_space<vmem>>
    %dma_wait3A_75 = arith.constant 0 : i32
    %dma_wait3A_76 = arith.constant 0 : i32
    %dma_wait3A_77 = tpu.memref_slice %arg10[%dma_wait3A_75, %dma_wait3A_76] : memref<10112x64xf32, #tpu.memory_space<vmem_shared>> -> memref<10112x64xf32, #tpu.memory_space<vmem_shared>>
    tpu.wait_indirect_dma semaphore(%arg14 : memref<!tpu.dma_semaphore, #tpu.memory_space<semaphore_mem>>) src(%dma_wait3A_71 : memref<128x64xf32, #tpu.memory_space<vmem>>) dst(%dma_wait3A_77 : memref<10112x64xf32, #tpu.memory_space<vmem_shared>>)
    %dma_wait3A_78 = arith.constant 79 : i32
    %dma_wait3A_79 = arith.constant 128 : i32
    %dma_wait3A_80 = arith.constant 0 : i32
    %dma_wait3A_81 = tpu.memref_slice %arg9[%dma_wait3A_79, %dma_wait3A_80] : memref<256x64xf32, #tpu.memory_space<vmem>> -> memref<128x64xf32, #tpu.memory_space<vmem>>
    %dma_wait3A_82 = arith.constant 0 : i32
    %dma_wait3A_83 = tpu.memref_slice %arg8[%dma_wait3A_78, %dma_wait3A_82] : memref<80x128xi32, #tpu.memory_space<vmem>> -> memref<1x128xi32, #tpu.memory_space<vmem>>
    %dma_wait3A_84 = tpu.memref_squeeze %dma_wait3A_83 : memref<1x128xi32, #tpu.memory_space<vmem>> -> memref<128xi32, #tpu.memory_space<vmem>>
    %dma_wait3A_85 = arith.constant 0 : i32
    %dma_wait3A_86 = arith.constant 0 : i32
    %dma_wait3A_87 = tpu.memref_slice %arg10[%dma_wait3A_85, %dma_wait3A_86] : memref<10112x64xf32, #tpu.memory_space<vmem_shared>> -> memref<10112x64xf32, #tpu.memory_space<vmem_shared>>
    tpu.wait_indirect_dma semaphore(%arg15 : memref<!tpu.dma_semaphore, #tpu.memory_space<semaphore_mem>>) src(%dma_wait3A_81 : memref<128x64xf32, #tpu.memory_space<vmem>>) dst(%dma_wait3A_87 : memref<10112x64xf32, #tpu.memory_space<vmem_shared>>)
    %barrier3A_88 = arith.constant 0 : index
    tpu.barrier barrier_id(%barrier3A_88)
    %mul3A_89 = arith.constant 632 : i32
    %mul3A_90 = arith.muli %arg1, %mul3A_89 : i32
    %mul3A_91 = arith.constant 10112 : i32
    %mul3A_92 = arith.muli %arg0, %mul3A_91 : i32
    %mul3A_93 = arith.constant 632 : i32
    %mul3A_94 = arith.muli %arg1, %mul3A_93 : i32
    %add3A_95 = arith.addi %mul3A_92, %mul3A_94 : i32
    "tpu.region"() ({
      %run_scoped3A = tpu.sem_alloc : memref<!tpu.dma_semaphore, #tpu.memory_space<semaphore_mem>>
      %dma_start3A_96 = arith.constant 0 : i32
      %dma_start3A_97 = tpu.memref_slice %arg6[%add3A_95, %dma_start3A_96] : memref<20224x64xf32, #tpu.memory_space<hbm>> -> memref<632x64xf32, #tpu.memory_space<hbm>>
      %dma_start3A_98 = arith.constant 0 : i32
      %dma_start3A_99 = tpu.memref_slice %arg10[%mul3A_90, %dma_start3A_98] : memref<10112x64xf32, #tpu.memory_space<vmem_shared>> -> memref<632x64xf32, #tpu.memory_space<vmem_shared>>
      tpu.enqueue_dma source(%dma_start3A_99 : memref<632x64xf32, #tpu.memory_space<vmem_shared>>) target(%dma_start3A_97 : memref<632x64xf32, #tpu.memory_space<hbm>>) target_semaphore(%run_scoped3A : memref<!tpu.dma_semaphore, #tpu.memory_space<semaphore_mem>>)
      %dma_wait3A_100 = arith.constant 0 : i32
      %dma_wait3A_101 = tpu.memref_slice %arg6[%add3A_95, %dma_wait3A_100] : memref<20224x64xf32, #tpu.memory_space<hbm>> -> memref<632x64xf32, #tpu.memory_space<hbm>>
      %dma_wait3A_102 = arith.constant 0 : i32
      %dma_wait3A_103 = tpu.memref_slice %arg10[%mul3A_90, %dma_wait3A_102] : memref<10112x64xf32, #tpu.memory_space<vmem_shared>> -> memref<632x64xf32, #tpu.memory_space<vmem_shared>>
      tpu.wait_dma2 semaphore(%run_scoped3A : memref<!tpu.dma_semaphore, #tpu.memory_space<semaphore_mem>>) src(%dma_wait3A_103 : memref<632x64xf32, #tpu.memory_space<vmem_shared>>) dst(%dma_wait3A_101 : memref<632x64xf32, #tpu.memory_space<hbm>>)
      tpu.yield
    }) : () -> ()
    return
  }
}

#map = affine_map<(d0, d1) -> (0, 0)>
module attributes {stable_mosaic.version = 14 : i64} {
  func.func @_agg_body(%arg0: i32, %arg1: i32, %arg2: memref<10112x64xf32, #tpu.memory_space<hbm>>, %arg3: memref<2560x128xi32, #tpu.memory_space<hbm>>, %arg4: memref<2560x128xi32, #tpu.memory_space<hbm>>, %arg5: memref<10112x64xf32, #tpu.memory_space<hbm>>, %arg6: memref<20224x64xf32, #tpu.memory_space<hbm>>, %arg7: memref<80x128xi32, #tpu.memory_space<vmem>>, %arg8: memref<80x128xi32, #tpu.memory_space<vmem>>, %arg9: memref<256x64xf32, #tpu.memory_space<vmem>>, %arg10: memref<10112x64xf32, #tpu.memory_space<vmem_shared>>, %arg11: memref<10112x64xf32, #tpu.memory_space<vmem_shared>>, %arg12: memref<!tpu.dma_semaphore, #tpu.memory_space<semaphore_mem>>, %arg13: memref<!tpu.dma_semaphore, #tpu.memory_space<semaphore_mem>>, %arg14: memref<!tpu.dma_semaphore, #tpu.memory_space<semaphore_mem>>, %arg15: memref<!tpu.dma_semaphore, #tpu.memory_space<semaphore_mem>>) attributes {dimension_semantics = [#tpu.dimension_semantics<core_parallel>, #tpu.dimension_semantics<subcore_parallel>], iteration_bounds = array<i64: 2, 16>, scalar_prefetch = 0 : i64, scratch_operands = 9 : i64, tpu.core_type = #tpu.core_type<sc_vector_subcore>, window_params = [{transform_indices = #map}, {transform_indices = #map}, {transform_indices = #map}, {transform_indices = #map}, {transform_indices = #map}]} {
    %mul3A = arith.constant 16 : i32
    %mul3A_0 = arith.muli %arg0, %mul3A : i32
    %add3A = arith.addi %mul3A_0, %arg1 : i32
    %mul3A_1 = arith.constant 80 : i32
    %mul3A_2 = arith.muli %add3A, %mul3A_1 : i32
    %dma_start3A = arith.constant 0 : i32
    %dma_start3A_3 = tpu.memref_slice %arg3[%mul3A_2, %dma_start3A] : memref<2560x128xi32, #tpu.memory_space<hbm>> -> memref<80x128xi32, #tpu.memory_space<hbm>>
    %dma_start3A_4 = arith.constant 0 : i32
    %dma_start3A_5 = tpu.memref_slice %arg3[%mul3A_2, %dma_start3A_4] : memref<2560x128xi32, #tpu.memory_space<hbm>> -> memref<80x128xi32, #tpu.memory_space<hbm>>
    tpu.enqueue_dma source(%dma_start3A_5 : memref<80x128xi32, #tpu.memory_space<hbm>>) target(%arg7 : memref<80x128xi32, #tpu.memory_space<vmem>>) target_semaphore(%arg12 : memref<!tpu.dma_semaphore, #tpu.memory_space<semaphore_mem>>)
    %mul3A_6 = arith.constant 80 : i32
    %mul3A_7 = arith.muli %add3A, %mul3A_6 : i32
    %dma_start3A_8 = arith.constant 0 : i32
    %dma_start3A_9 = tpu.memref_slice %arg4[%mul3A_7, %dma_start3A_8] : memref<2560x128xi32, #tpu.memory_space<hbm>> -> memref<80x128xi32, #tpu.memory_space<hbm>>
    %dma_start3A_10 = arith.constant 0 : i32
    %dma_start3A_11 = tpu.memref_slice %arg4[%mul3A_7, %dma_start3A_10] : memref<2560x128xi32, #tpu.memory_space<hbm>> -> memref<80x128xi32, #tpu.memory_space<hbm>>
    tpu.enqueue_dma source(%dma_start3A_11 : memref<80x128xi32, #tpu.memory_space<hbm>>) target(%arg8 : memref<80x128xi32, #tpu.memory_space<vmem>>) target_semaphore(%arg13 : memref<!tpu.dma_semaphore, #tpu.memory_space<semaphore_mem>>)
    %mul3A_12 = arith.constant 632 : i32
    %mul3A_13 = arith.muli %arg1, %mul3A_12 : i32
    %mul3A_14 = arith.constant 632 : i32
    %mul3A_15 = arith.muli %arg1, %mul3A_14 : i32
    %dma_start3A_16 = arith.constant 0 : i32
    %dma_start3A_17 = tpu.memref_slice %arg10[%mul3A_15, %dma_start3A_16] : memref<10112x64xf32, #tpu.memory_space<vmem_shared>> -> memref<632x64xf32, #tpu.memory_space<vmem_shared>>
    %dma_start3A_18 = arith.constant 0 : i32
    %dma_start3A_19 = tpu.memref_slice %arg5[%mul3A_13, %dma_start3A_18] : memref<10112x64xf32, #tpu.memory_space<hbm>> -> memref<632x64xf32, #tpu.memory_space<hbm>>
    tpu.enqueue_dma source(%dma_start3A_19 : memref<632x64xf32, #tpu.memory_space<hbm>>) target(%dma_start3A_17 : memref<632x64xf32, #tpu.memory_space<vmem_shared>>) target_semaphore(%arg14 : memref<!tpu.dma_semaphore, #tpu.memory_space<semaphore_mem>>)
    %mul3A_20 = arith.constant 632 : i32
    %mul3A_21 = arith.muli %arg1, %mul3A_20 : i32
    %mul3A_22 = arith.constant 632 : i32
    %mul3A_23 = arith.muli %arg1, %mul3A_22 : i32
    %dma_start3A_24 = arith.constant 0 : i32
    %dma_start3A_25 = tpu.memref_slice %arg11[%mul3A_23, %dma_start3A_24] : memref<10112x64xf32, #tpu.memory_space<vmem_shared>> -> memref<632x64xf32, #tpu.memory_space<vmem_shared>>
    %dma_start3A_26 = arith.constant 0 : i32
    %dma_start3A_27 = tpu.memref_slice %arg2[%mul3A_21, %dma_start3A_26] : memref<10112x64xf32, #tpu.memory_space<hbm>> -> memref<632x64xf32, #tpu.memory_space<hbm>>
    tpu.enqueue_dma source(%dma_start3A_27 : memref<632x64xf32, #tpu.memory_space<hbm>>) target(%dma_start3A_25 : memref<632x64xf32, #tpu.memory_space<vmem_shared>>) target_semaphore(%arg15 : memref<!tpu.dma_semaphore, #tpu.memory_space<semaphore_mem>>)
    %dma_wait3A = arith.constant 0 : i32
    %dma_wait3A_28 = tpu.memref_slice %arg3[%mul3A_2, %dma_wait3A] : memref<2560x128xi32, #tpu.memory_space<hbm>> -> memref<80x128xi32, #tpu.memory_space<hbm>>
    %dma_wait3A_29 = arith.constant 0 : i32
    %dma_wait3A_30 = tpu.memref_slice %arg3[%mul3A_2, %dma_wait3A_29] : memref<2560x128xi32, #tpu.memory_space<hbm>> -> memref<80x128xi32, #tpu.memory_space<hbm>>
    tpu.wait_dma2 semaphore(%arg12 : memref<!tpu.dma_semaphore, #tpu.memory_space<semaphore_mem>>) src(%dma_wait3A_30 : memref<80x128xi32, #tpu.memory_space<hbm>>) dst(%arg7 : memref<80x128xi32, #tpu.memory_space<vmem>>)
    %dma_wait3A_31 = arith.constant 0 : i32
    %dma_wait3A_32 = tpu.memref_slice %arg4[%mul3A_7, %dma_wait3A_31] : memref<2560x128xi32, #tpu.memory_space<hbm>> -> memref<80x128xi32, #tpu.memory_space<hbm>>
    %dma_wait3A_33 = arith.constant 0 : i32
    %dma_wait3A_34 = tpu.memref_slice %arg4[%mul3A_7, %dma_wait3A_33] : memref<2560x128xi32, #tpu.memory_space<hbm>> -> memref<80x128xi32, #tpu.memory_space<hbm>>
    tpu.wait_dma2 semaphore(%arg13 : memref<!tpu.dma_semaphore, #tpu.memory_space<semaphore_mem>>) src(%dma_wait3A_34 : memref<80x128xi32, #tpu.memory_space<hbm>>) dst(%arg8 : memref<80x128xi32, #tpu.memory_space<vmem>>)
    %dma_wait3A_35 = arith.constant 0 : i32
    %dma_wait3A_36 = tpu.memref_slice %arg10[%mul3A_15, %dma_wait3A_35] : memref<10112x64xf32, #tpu.memory_space<vmem_shared>> -> memref<632x64xf32, #tpu.memory_space<vmem_shared>>
    %dma_wait3A_37 = arith.constant 0 : i32
    %dma_wait3A_38 = tpu.memref_slice %arg5[%mul3A_13, %dma_wait3A_37] : memref<10112x64xf32, #tpu.memory_space<hbm>> -> memref<632x64xf32, #tpu.memory_space<hbm>>
    tpu.wait_dma2 semaphore(%arg14 : memref<!tpu.dma_semaphore, #tpu.memory_space<semaphore_mem>>) src(%dma_wait3A_38 : memref<632x64xf32, #tpu.memory_space<hbm>>) dst(%dma_wait3A_36 : memref<632x64xf32, #tpu.memory_space<vmem_shared>>)
    %dma_wait3A_39 = arith.constant 0 : i32
    %dma_wait3A_40 = tpu.memref_slice %arg11[%mul3A_23, %dma_wait3A_39] : memref<10112x64xf32, #tpu.memory_space<vmem_shared>> -> memref<632x64xf32, #tpu.memory_space<vmem_shared>>
    %dma_wait3A_41 = arith.constant 0 : i32
    %dma_wait3A_42 = tpu.memref_slice %arg2[%mul3A_21, %dma_wait3A_41] : memref<10112x64xf32, #tpu.memory_space<hbm>> -> memref<632x64xf32, #tpu.memory_space<hbm>>
    tpu.wait_dma2 semaphore(%arg15 : memref<!tpu.dma_semaphore, #tpu.memory_space<semaphore_mem>>) src(%dma_wait3A_42 : memref<632x64xf32, #tpu.memory_space<hbm>>) dst(%dma_wait3A_40 : memref<632x64xf32, #tpu.memory_space<vmem_shared>>)
    %barrier3A = arith.constant 0 : index
    tpu.barrier barrier_id(%barrier3A)
    %dma_start3A_43 = arith.constant 0 : i32
    %dma_start3A_44 = arith.constant 0 : i32
    %dma_start3A_45 = arith.constant 0 : i32
    %dma_start3A_46 = tpu.memref_slice %arg9[%dma_start3A_44, %dma_start3A_45] : memref<256x64xf32, #tpu.memory_space<vmem>> -> memref<128x64xf32, #tpu.memory_space<vmem>>
    %dma_start3A_47 = arith.constant 0 : i32
    %dma_start3A_48 = tpu.memref_slice %arg7[%dma_start3A_43, %dma_start3A_47] : memref<80x128xi32, #tpu.memory_space<vmem>> -> memref<1x128xi32, #tpu.memory_space<vmem>>
    %dma_start3A_49 = tpu.memref_squeeze %dma_start3A_48 : memref<1x128xi32, #tpu.memory_space<vmem>> -> memref<128xi32, #tpu.memory_space<vmem>>
    %dma_start3A_50 = arith.constant 0 : i32
    %dma_start3A_51 = arith.constant 0 : i32
    %dma_start3A_52 = tpu.memref_slice %arg11[%dma_start3A_50, %dma_start3A_51] : memref<10112x64xf32, #tpu.memory_space<vmem_shared>> -> memref<10112x64xf32, #tpu.memory_space<vmem_shared>>
    tpu.enqueue_indirect_dma source(%dma_start3A_52 : memref<10112x64xf32, #tpu.memory_space<vmem_shared>>) target(%dma_start3A_46 : memref<128x64xf32, #tpu.memory_space<vmem>>) offsets(%dma_start3A_49 : memref<128xi32, #tpu.memory_space<vmem>>) semaphore(%arg12 : memref<!tpu.dma_semaphore, #tpu.memory_space<semaphore_mem>>)
    %dma_start3A_53 = arith.constant 1 : i32
    %dma_start3A_54 = arith.constant 128 : i32
    %dma_start3A_55 = arith.constant 0 : i32
    %dma_start3A_56 = tpu.memref_slice %arg9[%dma_start3A_54, %dma_start3A_55] : memref<256x64xf32, #tpu.memory_space<vmem>> -> memref<128x64xf32, #tpu.memory_space<vmem>>
    %dma_start3A_57 = arith.constant 0 : i32
    %dma_start3A_58 = tpu.memref_slice %arg7[%dma_start3A_53, %dma_start3A_57] : memref<80x128xi32, #tpu.memory_space<vmem>> -> memref<1x128xi32, #tpu.memory_space<vmem>>
    %dma_start3A_59 = tpu.memref_squeeze %dma_start3A_58 : memref<1x128xi32, #tpu.memory_space<vmem>> -> memref<128xi32, #tpu.memory_space<vmem>>
    %dma_start3A_60 = arith.constant 0 : i32
    %dma_start3A_61 = arith.constant 0 : i32
    %dma_start3A_62 = tpu.memref_slice %arg11[%dma_start3A_60, %dma_start3A_61] : memref<10112x64xf32, #tpu.memory_space<vmem_shared>> -> memref<10112x64xf32, #tpu.memory_space<vmem_shared>>
    tpu.enqueue_indirect_dma source(%dma_start3A_62 : memref<10112x64xf32, #tpu.memory_space<vmem_shared>>) target(%dma_start3A_56 : memref<128x64xf32, #tpu.memory_space<vmem>>) offsets(%dma_start3A_59 : memref<128xi32, #tpu.memory_space<vmem>>) semaphore(%arg13 : memref<!tpu.dma_semaphore, #tpu.memory_space<semaphore_mem>>)
    %scan3A = arith.constant 0 : i32
    %scan3A_63 = arith.constant 0 : i32
    %scan3A_64 = arith.constant 40 : i32
    %scan3A_65 = arith.addi %scan3A_63, %scan3A_64 : i32
    %scan3A_66 = arith.constant 1 : i32
    scf.for %scan3A_96 = %scan3A_63 to %scan3A_65 step %scan3A_66  : i32 {
      %mul3A_97 = arith.constant 2 : i32
      %mul3A_98 = arith.muli %scan3A_96, %mul3A_97 : i32
      %add3A_99 = arith.constant 0 : i32
      %add3A_100 = arith.addi %mul3A_98, %add3A_99 : i32
      %dma_wait3A_101 = arith.constant 0 : i32
      %dma_wait3A_102 = arith.constant 0 : i32
      %dma_wait3A_103 = tpu.memref_slice %arg9[%dma_wait3A_101, %dma_wait3A_102] : memref<256x64xf32, #tpu.memory_space<vmem>> -> memref<128x64xf32, #tpu.memory_space<vmem>>
      %dma_wait3A_104 = arith.constant 0 : i32
      %dma_wait3A_105 = tpu.memref_slice %arg7[%add3A_100, %dma_wait3A_104] : memref<80x128xi32, #tpu.memory_space<vmem>> -> memref<1x128xi32, #tpu.memory_space<vmem>>
      %dma_wait3A_106 = tpu.memref_squeeze %dma_wait3A_105 : memref<1x128xi32, #tpu.memory_space<vmem>> -> memref<128xi32, #tpu.memory_space<vmem>>
      %dma_wait3A_107 = arith.constant 0 : i32
      %dma_wait3A_108 = arith.constant 0 : i32
      %dma_wait3A_109 = tpu.memref_slice %arg11[%dma_wait3A_107, %dma_wait3A_108] : memref<10112x64xf32, #tpu.memory_space<vmem_shared>> -> memref<10112x64xf32, #tpu.memory_space<vmem_shared>>
      tpu.wait_indirect_dma semaphore(%arg12 : memref<!tpu.dma_semaphore, #tpu.memory_space<semaphore_mem>>) src(%dma_wait3A_109 : memref<10112x64xf32, #tpu.memory_space<vmem_shared>>) dst(%dma_wait3A_103 : memref<128x64xf32, #tpu.memory_space<vmem>>)
      %dma_start3A_110 = arith.constant 0 : i32
      %dma_start3A_111 = arith.constant 0 : i32
      %dma_start3A_112 = tpu.memref_slice %arg9[%dma_start3A_110, %dma_start3A_111] : memref<256x64xf32, #tpu.memory_space<vmem>> -> memref<128x64xf32, #tpu.memory_space<vmem>>
      %dma_start3A_113 = arith.constant 0 : i32
      %dma_start3A_114 = tpu.memref_slice %arg8[%add3A_100, %dma_start3A_113] : memref<80x128xi32, #tpu.memory_space<vmem>> -> memref<1x128xi32, #tpu.memory_space<vmem>>
      %dma_start3A_115 = tpu.memref_squeeze %dma_start3A_114 : memref<1x128xi32, #tpu.memory_space<vmem>> -> memref<128xi32, #tpu.memory_space<vmem>>
      %dma_start3A_116 = arith.constant 0 : i32
      %dma_start3A_117 = arith.constant 0 : i32
      %dma_start3A_118 = tpu.memref_slice %arg10[%dma_start3A_116, %dma_start3A_117] : memref<10112x64xf32, #tpu.memory_space<vmem_shared>> -> memref<10112x64xf32, #tpu.memory_space<vmem_shared>>
      tpu.enqueue_indirect_dma source(%dma_start3A_112 : memref<128x64xf32, #tpu.memory_space<vmem>>) target(%dma_start3A_118 : memref<10112x64xf32, #tpu.memory_space<vmem_shared>>) offsets(%dma_start3A_115 : memref<128xi32, #tpu.memory_space<vmem>>) semaphore(%arg14 : memref<!tpu.dma_semaphore, #tpu.memory_space<semaphore_mem>>) {add = true}
      %add3A_119 = arith.constant 1 : i32
      %add3A_120 = arith.addi %mul3A_98, %add3A_119 : i32
      %dma_wait3A_121 = arith.constant 128 : i32
      %dma_wait3A_122 = arith.constant 0 : i32
      %dma_wait3A_123 = tpu.memref_slice %arg9[%dma_wait3A_121, %dma_wait3A_122] : memref<256x64xf32, #tpu.memory_space<vmem>> -> memref<128x64xf32, #tpu.memory_space<vmem>>
      %dma_wait3A_124 = arith.constant 0 : i32
      %dma_wait3A_125 = tpu.memref_slice %arg7[%add3A_120, %dma_wait3A_124] : memref<80x128xi32, #tpu.memory_space<vmem>> -> memref<1x128xi32, #tpu.memory_space<vmem>>
      %dma_wait3A_126 = tpu.memref_squeeze %dma_wait3A_125 : memref<1x128xi32, #tpu.memory_space<vmem>> -> memref<128xi32, #tpu.memory_space<vmem>>
      %dma_wait3A_127 = arith.constant 0 : i32
      %dma_wait3A_128 = arith.constant 0 : i32
      %dma_wait3A_129 = tpu.memref_slice %arg11[%dma_wait3A_127, %dma_wait3A_128] : memref<10112x64xf32, #tpu.memory_space<vmem_shared>> -> memref<10112x64xf32, #tpu.memory_space<vmem_shared>>
      tpu.wait_indirect_dma semaphore(%arg13 : memref<!tpu.dma_semaphore, #tpu.memory_space<semaphore_mem>>) src(%dma_wait3A_129 : memref<10112x64xf32, #tpu.memory_space<vmem_shared>>) dst(%dma_wait3A_123 : memref<128x64xf32, #tpu.memory_space<vmem>>)
      %dma_start3A_130 = arith.constant 128 : i32
      %dma_start3A_131 = arith.constant 0 : i32
      %dma_start3A_132 = tpu.memref_slice %arg9[%dma_start3A_130, %dma_start3A_131] : memref<256x64xf32, #tpu.memory_space<vmem>> -> memref<128x64xf32, #tpu.memory_space<vmem>>
      %dma_start3A_133 = arith.constant 0 : i32
      %dma_start3A_134 = tpu.memref_slice %arg8[%add3A_120, %dma_start3A_133] : memref<80x128xi32, #tpu.memory_space<vmem>> -> memref<1x128xi32, #tpu.memory_space<vmem>>
      %dma_start3A_135 = tpu.memref_squeeze %dma_start3A_134 : memref<1x128xi32, #tpu.memory_space<vmem>> -> memref<128xi32, #tpu.memory_space<vmem>>
      %dma_start3A_136 = arith.constant 0 : i32
      %dma_start3A_137 = arith.constant 0 : i32
      %dma_start3A_138 = tpu.memref_slice %arg10[%dma_start3A_136, %dma_start3A_137] : memref<10112x64xf32, #tpu.memory_space<vmem_shared>> -> memref<10112x64xf32, #tpu.memory_space<vmem_shared>>
      tpu.enqueue_indirect_dma source(%dma_start3A_132 : memref<128x64xf32, #tpu.memory_space<vmem>>) target(%dma_start3A_138 : memref<10112x64xf32, #tpu.memory_space<vmem_shared>>) offsets(%dma_start3A_135 : memref<128xi32, #tpu.memory_space<vmem>>) semaphore(%arg15 : memref<!tpu.dma_semaphore, #tpu.memory_space<semaphore_mem>>) {add = true}
      %add3A_139 = arith.constant 0 : i32
      %add3A_140 = arith.addi %mul3A_98, %add3A_139 : i32
      %add3A_141 = arith.constant 2 : i32
      %add3A_142 = arith.addi %add3A_140, %add3A_141 : i32
      %lt3A = arith.constant 80 : i32
      %lt3A_143 = arith.cmpi slt, %add3A_142, %lt3A : i32
      %convert_element_type3A = arith.extui %lt3A_143 : i1 to i32
      %cond3A = arith.constant 0 : i32
      %cond3A_144 = arith.cmpi ne, %convert_element_type3A, %cond3A : i32
      scf.if %cond3A_144 {
        %dma_wait3A_154 = arith.constant 0 : i32
        %dma_wait3A_155 = arith.constant 0 : i32
        %dma_wait3A_156 = tpu.memref_slice %arg9[%dma_wait3A_154, %dma_wait3A_155] : memref<256x64xf32, #tpu.memory_space<vmem>> -> memref<128x64xf32, #tpu.memory_space<vmem>>
        %dma_wait3A_157 = arith.constant 0 : i32
        %dma_wait3A_158 = tpu.memref_slice %arg8[%add3A_140, %dma_wait3A_157] : memref<80x128xi32, #tpu.memory_space<vmem>> -> memref<1x128xi32, #tpu.memory_space<vmem>>
        %dma_wait3A_159 = tpu.memref_squeeze %dma_wait3A_158 : memref<1x128xi32, #tpu.memory_space<vmem>> -> memref<128xi32, #tpu.memory_space<vmem>>
        %dma_wait3A_160 = arith.constant 0 : i32
        %dma_wait3A_161 = arith.constant 0 : i32
        %dma_wait3A_162 = tpu.memref_slice %arg10[%dma_wait3A_160, %dma_wait3A_161] : memref<10112x64xf32, #tpu.memory_space<vmem_shared>> -> memref<10112x64xf32, #tpu.memory_space<vmem_shared>>
        tpu.wait_indirect_dma semaphore(%arg14 : memref<!tpu.dma_semaphore, #tpu.memory_space<semaphore_mem>>) src(%dma_wait3A_156 : memref<128x64xf32, #tpu.memory_space<vmem>>) dst(%dma_wait3A_162 : memref<10112x64xf32, #tpu.memory_space<vmem_shared>>)
        %add3A_163 = arith.constant 2 : i32
        %add3A_164 = arith.addi %add3A_140, %add3A_163 : i32
        %dma_start3A_165 = arith.constant 0 : i32
        %dma_start3A_166 = arith.constant 0 : i32
        %dma_start3A_167 = tpu.memref_slice %arg9[%dma_start3A_165, %dma_start3A_166] : memref<256x64xf32, #tpu.memory_space<vmem>> -> memref<128x64xf32, #tpu.memory_space<vmem>>
        %dma_start3A_168 = arith.constant 0 : i32
        %dma_start3A_169 = tpu.memref_slice %arg7[%add3A_164, %dma_start3A_168] : memref<80x128xi32, #tpu.memory_space<vmem>> -> memref<1x128xi32, #tpu.memory_space<vmem>>
        %dma_start3A_170 = tpu.memref_squeeze %dma_start3A_169 : memref<1x128xi32, #tpu.memory_space<vmem>> -> memref<128xi32, #tpu.memory_space<vmem>>
        %dma_start3A_171 = arith.constant 0 : i32
        %dma_start3A_172 = arith.constant 0 : i32
        %dma_start3A_173 = tpu.memref_slice %arg11[%dma_start3A_171, %dma_start3A_172] : memref<10112x64xf32, #tpu.memory_space<vmem_shared>> -> memref<10112x64xf32, #tpu.memory_space<vmem_shared>>
        tpu.enqueue_indirect_dma source(%dma_start3A_173 : memref<10112x64xf32, #tpu.memory_space<vmem_shared>>) target(%dma_start3A_167 : memref<128x64xf32, #tpu.memory_space<vmem>>) offsets(%dma_start3A_170 : memref<128xi32, #tpu.memory_space<vmem>>) semaphore(%arg12 : memref<!tpu.dma_semaphore, #tpu.memory_space<semaphore_mem>>)
      } else {
      }
      %add3A_145 = arith.constant 1 : i32
      %add3A_146 = arith.addi %mul3A_98, %add3A_145 : i32
      %add3A_147 = arith.constant 2 : i32
      %add3A_148 = arith.addi %add3A_146, %add3A_147 : i32
      %lt3A_149 = arith.constant 80 : i32
      %lt3A_150 = arith.cmpi slt, %add3A_148, %lt3A_149 : i32
      %convert_element_type3A_151 = arith.extui %lt3A_150 : i1 to i32
      %cond3A_152 = arith.constant 0 : i32
      %cond3A_153 = arith.cmpi ne, %convert_element_type3A_151, %cond3A_152 : i32
      scf.if %cond3A_153 {
        %dma_wait3A_154 = arith.constant 128 : i32
        %dma_wait3A_155 = arith.constant 0 : i32
        %dma_wait3A_156 = tpu.memref_slice %arg9[%dma_wait3A_154, %dma_wait3A_155] : memref<256x64xf32, #tpu.memory_space<vmem>> -> memref<128x64xf32, #tpu.memory_space<vmem>>
        %dma_wait3A_157 = arith.constant 0 : i32
        %dma_wait3A_158 = tpu.memref_slice %arg8[%add3A_146, %dma_wait3A_157] : memref<80x128xi32, #tpu.memory_space<vmem>> -> memref<1x128xi32, #tpu.memory_space<vmem>>
        %dma_wait3A_159 = tpu.memref_squeeze %dma_wait3A_158 : memref<1x128xi32, #tpu.memory_space<vmem>> -> memref<128xi32, #tpu.memory_space<vmem>>
        %dma_wait3A_160 = arith.constant 0 : i32
        %dma_wait3A_161 = arith.constant 0 : i32
        %dma_wait3A_162 = tpu.memref_slice %arg10[%dma_wait3A_160, %dma_wait3A_161] : memref<10112x64xf32, #tpu.memory_space<vmem_shared>> -> memref<10112x64xf32, #tpu.memory_space<vmem_shared>>
        tpu.wait_indirect_dma semaphore(%arg15 : memref<!tpu.dma_semaphore, #tpu.memory_space<semaphore_mem>>) src(%dma_wait3A_156 : memref<128x64xf32, #tpu.memory_space<vmem>>) dst(%dma_wait3A_162 : memref<10112x64xf32, #tpu.memory_space<vmem_shared>>)
        %add3A_163 = arith.constant 2 : i32
        %add3A_164 = arith.addi %add3A_146, %add3A_163 : i32
        %dma_start3A_165 = arith.constant 128 : i32
        %dma_start3A_166 = arith.constant 0 : i32
        %dma_start3A_167 = tpu.memref_slice %arg9[%dma_start3A_165, %dma_start3A_166] : memref<256x64xf32, #tpu.memory_space<vmem>> -> memref<128x64xf32, #tpu.memory_space<vmem>>
        %dma_start3A_168 = arith.constant 0 : i32
        %dma_start3A_169 = tpu.memref_slice %arg7[%add3A_164, %dma_start3A_168] : memref<80x128xi32, #tpu.memory_space<vmem>> -> memref<1x128xi32, #tpu.memory_space<vmem>>
        %dma_start3A_170 = tpu.memref_squeeze %dma_start3A_169 : memref<1x128xi32, #tpu.memory_space<vmem>> -> memref<128xi32, #tpu.memory_space<vmem>>
        %dma_start3A_171 = arith.constant 0 : i32
        %dma_start3A_172 = arith.constant 0 : i32
        %dma_start3A_173 = tpu.memref_slice %arg11[%dma_start3A_171, %dma_start3A_172] : memref<10112x64xf32, #tpu.memory_space<vmem_shared>> -> memref<10112x64xf32, #tpu.memory_space<vmem_shared>>
        tpu.enqueue_indirect_dma source(%dma_start3A_173 : memref<10112x64xf32, #tpu.memory_space<vmem_shared>>) target(%dma_start3A_167 : memref<128x64xf32, #tpu.memory_space<vmem>>) offsets(%dma_start3A_170 : memref<128xi32, #tpu.memory_space<vmem>>) semaphore(%arg13 : memref<!tpu.dma_semaphore, #tpu.memory_space<semaphore_mem>>)
      } else {
      }
    }
    %scan3A_67 = arith.constant 40 : i32
    %dma_wait3A_68 = arith.constant 78 : i32
    %dma_wait3A_69 = arith.constant 0 : i32
    %dma_wait3A_70 = arith.constant 0 : i32
    %dma_wait3A_71 = tpu.memref_slice %arg9[%dma_wait3A_69, %dma_wait3A_70] : memref<256x64xf32, #tpu.memory_space<vmem>> -> memref<128x64xf32, #tpu.memory_space<vmem>>
    %dma_wait3A_72 = arith.constant 0 : i32
    %dma_wait3A_73 = tpu.memref_slice %arg8[%dma_wait3A_68, %dma_wait3A_72] : memref<80x128xi32, #tpu.memory_space<vmem>> -> memref<1x128xi32, #tpu.memory_space<vmem>>
    %dma_wait3A_74 = tpu.memref_squeeze %dma_wait3A_73 : memref<1x128xi32, #tpu.memory_space<vmem>> -> memref<128xi32, #tpu.memory_space<vmem>>
    %dma_wait3A_75 = arith.constant 0 : i32
    %dma_wait3A_76 = arith.constant 0 : i32
    %dma_wait3A_77 = tpu.memref_slice %arg10[%dma_wait3A_75, %dma_wait3A_76] : memref<10112x64xf32, #tpu.memory_space<vmem_shared>> -> memref<10112x64xf32, #tpu.memory_space<vmem_shared>>
    tpu.wait_indirect_dma semaphore(%arg14 : memref<!tpu.dma_semaphore, #tpu.memory_space<semaphore_mem>>) src(%dma_wait3A_71 : memref<128x64xf32, #tpu.memory_space<vmem>>) dst(%dma_wait3A_77 : memref<10112x64xf32, #tpu.memory_space<vmem_shared>>)
    %dma_wait3A_78 = arith.constant 79 : i32
    %dma_wait3A_79 = arith.constant 128 : i32
    %dma_wait3A_80 = arith.constant 0 : i32
    %dma_wait3A_81 = tpu.memref_slice %arg9[%dma_wait3A_79, %dma_wait3A_80] : memref<256x64xf32, #tpu.memory_space<vmem>> -> memref<128x64xf32, #tpu.memory_space<vmem>>
    %dma_wait3A_82 = arith.constant 0 : i32
    %dma_wait3A_83 = tpu.memref_slice %arg8[%dma_wait3A_78, %dma_wait3A_82] : memref<80x128xi32, #tpu.memory_space<vmem>> -> memref<1x128xi32, #tpu.memory_space<vmem>>
    %dma_wait3A_84 = tpu.memref_squeeze %dma_wait3A_83 : memref<1x128xi32, #tpu.memory_space<vmem>> -> memref<128xi32, #tpu.memory_space<vmem>>
    %dma_wait3A_85 = arith.constant 0 : i32
    %dma_wait3A_86 = arith.constant 0 : i32
    %dma_wait3A_87 = tpu.memref_slice %arg10[%dma_wait3A_85, %dma_wait3A_86] : memref<10112x64xf32, #tpu.memory_space<vmem_shared>> -> memref<10112x64xf32, #tpu.memory_space<vmem_shared>>
    tpu.wait_indirect_dma semaphore(%arg15 : memref<!tpu.dma_semaphore, #tpu.memory_space<semaphore_mem>>) src(%dma_wait3A_81 : memref<128x64xf32, #tpu.memory_space<vmem>>) dst(%dma_wait3A_87 : memref<10112x64xf32, #tpu.memory_space<vmem_shared>>)
    %barrier3A_88 = arith.constant 0 : index
    tpu.barrier barrier_id(%barrier3A_88)
    %mul3A_89 = arith.constant 632 : i32
    %mul3A_90 = arith.muli %arg1, %mul3A_89 : i32
    %mul3A_91 = arith.constant 10112 : i32
    %mul3A_92 = arith.muli %arg0, %mul3A_91 : i32
    %mul3A_93 = arith.constant 632 : i32
    %mul3A_94 = arith.muli %arg1, %mul3A_93 : i32
    %add3A_95 = arith.addi %mul3A_92, %mul3A_94 : i32
    "tpu.region"() ({
      %run_scoped3A = tpu.sem_alloc : memref<!tpu.dma_semaphore, #tpu.memory_space<semaphore_mem>>
      %dma_start3A_96 = arith.constant 0 : i32
      %dma_start3A_97 = tpu.memref_slice %arg6[%add3A_95, %dma_start3A_96] : memref<20224x64xf32, #tpu.memory_space<hbm>> -> memref<632x64xf32, #tpu.memory_space<hbm>>
      %dma_start3A_98 = arith.constant 0 : i32
      %dma_start3A_99 = tpu.memref_slice %arg10[%mul3A_90, %dma_start3A_98] : memref<10112x64xf32, #tpu.memory_space<vmem_shared>> -> memref<632x64xf32, #tpu.memory_space<vmem_shared>>
      tpu.enqueue_dma source(%dma_start3A_99 : memref<632x64xf32, #tpu.memory_space<vmem_shared>>) target(%dma_start3A_97 : memref<632x64xf32, #tpu.memory_space<hbm>>) target_semaphore(%run_scoped3A : memref<!tpu.dma_semaphore, #tpu.memory_space<semaphore_mem>>)
      %dma_wait3A_100 = arith.constant 0 : i32
      %dma_wait3A_101 = tpu.memref_slice %arg6[%add3A_95, %dma_wait3A_100] : memref<20224x64xf32, #tpu.memory_space<hbm>> -> memref<632x64xf32, #tpu.memory_space<hbm>>
      %dma_wait3A_102 = arith.constant 0 : i32
      %dma_wait3A_103 = tpu.memref_slice %arg10[%mul3A_90, %dma_wait3A_102] : memref<10112x64xf32, #tpu.memory_space<vmem_shared>> -> memref<632x64xf32, #tpu.memory_space<vmem_shared>>
      tpu.wait_dma2 semaphore(%run_scoped3A : memref<!tpu.dma_semaphore, #tpu.memory_space<semaphore_mem>>) src(%dma_wait3A_103 : memref<632x64xf32, #tpu.memory_space<vmem_shared>>) dst(%dma_wait3A_101 : memref<632x64xf32, #tpu.memory_space<hbm>>)
      tpu.yield
    }) : () -> ()
    return
  }
}

module attributes {stable_mosaic.version = 14 : i64} {
  func.func @_tc0_body(%arg0: memref<10000x128xf32, #tpu.memory_space<vmem>>, %arg1: memref<128x64xf32, #tpu.memory_space<vmem>>, %arg2: memref<1x64xf32, #tpu.memory_space<vmem>>, %arg3: memref<20224x16xf32, #tpu.memory_space<vmem>>, %arg4: memref<10112x64xf32, #tpu.memory_space<vmem>>, %arg5: memref<10112x1xf32, #tpu.memory_space<vmem>>) attributes {dimension_semantics = [], scalar_prefetch = 0 : i64, scratch_operands = 0 : i64, tpu.core_type = #tpu.core_type<tc>} {
    %get3A = arith.constant 0 : index
    %get3A_0 = arith.constant 0 : index
    %get3A_1 = vector.load %arg3[%get3A, %get3A_0] : memref<20224x16xf32, #tpu.memory_space<vmem>>, vector<10112x1xf32>
    %get3A_2 = arith.constant 10112 : index
    %get3A_3 = arith.constant 0 : index
    %get3A_4 = vector.load %arg3[%get3A_2, %get3A_3] : memref<20224x16xf32, #tpu.memory_space<vmem>>, vector<10112x1xf32>
    %add3A = arith.addf %get3A_1, %get3A_4 : vector<10112x1xf32>
    %max3A = arith.constant 1.000000e+00 : f32
    %max3A_5 = vector.broadcast %max3A : f32 to vector<10112x1xf32>
    %max3A_6 = arith.maximumf %add3A, %max3A_5 : vector<10112x1xf32>
    %rsqrt3A = math.rsqrt %max3A_6 : vector<10112x1xf32>
    %get3A_7 = arith.constant 0 : index
    %get3A_8 = arith.constant 0 : index
    %get3A_9 = vector.load %arg0[%get3A_7, %get3A_8] : memref<10000x128xf32, #tpu.memory_space<vmem>>, vector<10000x128xf32>
    %get3A_10 = arith.constant 0 : index
    %get3A_11 = arith.constant 0 : index
    %get3A_12 = vector.load %arg1[%get3A_10, %get3A_11] : memref<128x64xf32, #tpu.memory_space<vmem>>, vector<128x64xf32>
    %dot_general3A = arith.constant dense<0.000000e+00> : vector<10000x64xf32>
    %dot_general3A_13 = tpu.matmul %get3A_9, %get3A_12, %dot_general3A {dimension_numbers = #tpu.dot_dimension_numbers<[1], [0], [0], [1], [0, 0, 1, 1], [], []>, transpose_lhs_hint = false} : vector<10000x128xf32>, vector<128x64xf32>, vector<10000x64xf32> -> vector<10000x64xf32>
    %broadcast_in_dim3A = arith.constant 0.000000e+00 : f32
    %broadcast_in_dim3A_14 = vector.broadcast %broadcast_in_dim3A : f32 to vector<112x64xf32>
    %concatenate3A = tpu.concatenate %dot_general3A_13, %broadcast_in_dim3A_14 in 0 : vector<10000x64xf32>, vector<112x64xf32> -> vector<10112x64xf32>
    %get3A_15 = arith.constant 0 : index
    %get3A_16 = arith.constant 0 : index
    %get3A_17 = vector.load %arg2[%get3A_15, %get3A_16] : memref<1x64xf32, #tpu.memory_space<vmem>>, vector<1x64xf32>
    %add3A_18 = vector.broadcast %get3A_17 : vector<1x64xf32> to vector<10112x64xf32>
    %add3A_19 = arith.addf %concatenate3A, %add3A_18 : vector<10112x64xf32>
    %mul3A = vector.broadcast %rsqrt3A : vector<10112x1xf32> to vector<10112x64xf32>
    %mul3A_20 = arith.mulf %add3A_19, %mul3A : vector<10112x64xf32>
    %swap3A = arith.constant 0 : index
    %swap3A_21 = arith.constant 0 : index
    %swap3A_22 = vector.load %arg4[%swap3A, %swap3A_21] : memref<10112x64xf32, #tpu.memory_space<vmem>>, vector<10112x64xf32>
    tpu.vector_store %arg4[%swap3A, %swap3A_21], %mul3A_20 {strides = array<i32>} : memref<10112x64xf32, #tpu.memory_space<vmem>>, vector<10112x64xf32>,
    %swap3A_23 = arith.constant 0 : index
    %swap3A_24 = arith.constant 0 : index
    %swap3A_25 = vector.load %arg5[%swap3A_23, %swap3A_24] : memref<10112x1xf32, #tpu.memory_space<vmem>>, vector<10112x1xf32>
    tpu.vector_store %arg5[%swap3A_23, %swap3A_24], %rsqrt3A {strides = array<i32>} : memref<10112x1xf32, #tpu.memory_space<vmem>>, vector<10112x1xf32>,
    return
  }
}

module attributes {stable_mosaic.version = 14 : i64} {
  func.func @_tc_layer_body(%arg0: i32, %arg1: memref<1264x64xf32, #tpu.memory_space<vmem>>, %arg2: memref<1264x64xf32, #tpu.memory_space<vmem>>, %arg3: memref<1264x1xf32, #tpu.memory_space<vmem>>, %arg4: memref<64x64xf32, #tpu.memory_space<vmem>>, %arg5: memref<1x64xf32, #tpu.memory_space<vmem>>, %arg6: memref<1264x64xf32, #tpu.memory_space<vmem>>) attributes {dimension_semantics = [#tpu.dimension_semantics<arbitrary>], iteration_bounds = array<i64: 8>, scalar_prefetch = 0 : i64, scratch_operands = 0 : i64, tpu.core_type = #tpu.core_type<tc>, window_params = [{transform_indices = @transform_0, window_bounds = array<i64: 1264, 64>}, {transform_indices = @transform_1, window_bounds = array<i64: 1264, 64>}, {transform_indices = @transform_2, window_bounds = array<i64: 1264, 1>}, {pipeline_mode = #tpu.pipeline_mode<synchronous>, transform_indices = @transform_3, window_bounds = array<i64: 64, 64>}, {pipeline_mode = #tpu.pipeline_mode<synchronous>, transform_indices = @transform_4, window_bounds = array<i64: 1, 64>}, {transform_indices = @transform_5, window_bounds = array<i64: 1264, 64>}]} {
    %get3A = arith.constant 0 : index
    %get3A_0 = arith.constant 0 : index
    %get3A_1 = vector.load %arg3[%get3A, %get3A_0] : memref<1264x1xf32, #tpu.memory_space<vmem>>, vector<1264x1xf32>
    %get3A_2 = arith.constant 0 : index
    %get3A_3 = arith.constant 0 : index
    %get3A_4 = vector.load %arg1[%get3A_2, %get3A_3] : memref<1264x64xf32, #tpu.memory_space<vmem>>, vector<1264x64xf32>
    %get3A_5 = arith.constant 0 : index
    %get3A_6 = arith.constant 0 : index
    %get3A_7 = vector.load %arg2[%get3A_5, %get3A_6] : memref<1264x64xf32, #tpu.memory_space<vmem>>, vector<1264x64xf32>
    %add3A = arith.addf %get3A_4, %get3A_7 : vector<1264x64xf32>
    %mul3A = vector.broadcast %get3A_1 : vector<1264x1xf32> to vector<1264x64xf32>
    %mul3A_8 = arith.mulf %add3A, %mul3A : vector<1264x64xf32>
    %max3A = arith.constant 0.000000e+00 : f32
    %max3A_9 = vector.broadcast %max3A : f32 to vector<1264x64xf32>
    %max3A_10 = arith.maximumf %mul3A_8, %max3A_9 : vector<1264x64xf32>
    %get3A_11 = arith.constant 0 : index
    %get3A_12 = arith.constant 0 : index
    %get3A_13 = vector.load %arg4[%get3A_11, %get3A_12] : memref<64x64xf32, #tpu.memory_space<vmem>>, vector<64x64xf32>
    %dot_general3A = arith.constant dense<0.000000e+00> : vector<1264x64xf32>
    %dot_general3A_14 = tpu.matmul %max3A_10, %get3A_13, %dot_general3A {dimension_numbers = #tpu.dot_dimension_numbers<[1], [0], [0], [1], [0, 0, 1, 1], [], []>, transpose_lhs_hint = false} : vector<1264x64xf32>, vector<64x64xf32>, vector<1264x64xf32> -> vector<1264x64xf32>
    %get3A_15 = arith.constant 0 : index
    %get3A_16 = arith.constant 0 : index
    %get3A_17 = vector.load %arg5[%get3A_15, %get3A_16] : memref<1x64xf32, #tpu.memory_space<vmem>>, vector<1x64xf32>
    %add3A_18 = vector.broadcast %get3A_17 : vector<1x64xf32> to vector<1264x64xf32>
    %add3A_19 = arith.addf %dot_general3A_14, %add3A_18 : vector<1264x64xf32>
    %mul3A_20 = vector.broadcast %get3A_1 : vector<1264x1xf32> to vector<1264x64xf32>
    %mul3A_21 = arith.mulf %add3A_19, %mul3A_20 : vector<1264x64xf32>
    %swap3A = arith.constant 0 : index
    %swap3A_22 = arith.constant 0 : index
    %swap3A_23 = vector.load %arg6[%swap3A, %swap3A_22] : memref<1264x64xf32, #tpu.memory_space<vmem>>, vector<1264x64xf32>
    tpu.vector_store %arg6[%swap3A, %swap3A_22], %mul3A_21 {strides = array<i32>} : memref<1264x64xf32, #tpu.memory_space<vmem>>, vector<1264x64xf32>,
    return
  }
  func.func @transform_0(%arg0: i32) -> (i32, i32) {
    %c0_i32 = arith.constant 0 : i32
    %c0_i32_0 = arith.constant 0 : i32
    return %arg0, %c0_i32 : i32, i32
  }
  func.func @transform_1(%arg0: i32) -> (i32, i32) {
    %add3A = arith.constant 8 : i32
    %add3A_0 = arith.addi %arg0, %add3A : i32
    %c0_i32 = arith.constant 0 : i32
    %c0_i32_1 = arith.constant 0 : i32
    return %add3A_0, %c0_i32 : i32, i32
  }
  func.func @transform_2(%arg0: i32) -> (i32, i32) {
    %c0_i32 = arith.constant 0 : i32
    %c0_i32_0 = arith.constant 0 : i32
    return %arg0, %c0_i32 : i32, i32
  }
  func.func @transform_3(%arg0: i32) -> (i32, i32) {
    %c0_i32 = arith.constant 0 : i32
    %c0_i32_0 = arith.constant 0 : i32
    %c0_i32_1 = arith.constant 0 : i32
    return %c0_i32, %c0_i32_0 : i32, i32
  }
  func.func @transform_4(%arg0: i32) -> (i32, i32) {
    %c0_i32 = arith.constant 0 : i32
    %c0_i32_0 = arith.constant 0 : i32
    %c0_i32_1 = arith.constant 0 : i32
    return %c0_i32, %c0_i32_0 : i32, i32
  }
  func.func @transform_5(%arg0: i32) -> (i32, i32) {
    %c0_i32 = arith.constant 0 : i32
    %c0_i32_0 = arith.constant 0 : i32
    return %arg0, %c0_i32 : i32, i32
  }
}

module attributes {stable_mosaic.version = 14 : i64} {
  func.func @_tc_final_body(%arg0: memref<20224x64xf32, #tpu.memory_space<vmem>>, %arg1: memref<10112x1xf32, #tpu.memory_space<vmem>>, %arg2: memref<10112x1xi32, #tpu.memory_space<vmem>>, %arg3: memref<64x64xf32, #tpu.memory_space<vmem>>, %arg4: memref<1x64xf32, #tpu.memory_space<vmem>>, %arg5: memref<64x32xf32, #tpu.memory_space<vmem>>, %arg6: memref<1x32xf32, #tpu.memory_space<vmem>>, %arg7: memref<64x32xf32, #tpu.memory_space<vmem>>) attributes {dimension_semantics = [], scalar_prefetch = 0 : i64, scratch_operands = 0 : i64, tpu.core_type = #tpu.core_type<tc>} {
    %get3A = arith.constant 0 : index
    %get3A_0 = arith.constant 0 : index
    %get3A_1 = vector.load %arg0[%get3A, %get3A_0] : memref<20224x64xf32, #tpu.memory_space<vmem>>, vector<10112x64xf32>
    %get3A_2 = arith.constant 10112 : index
    %get3A_3 = arith.constant 0 : index
    %get3A_4 = vector.load %arg0[%get3A_2, %get3A_3] : memref<20224x64xf32, #tpu.memory_space<vmem>>, vector<10112x64xf32>
    %add3A = arith.addf %get3A_1, %get3A_4 : vector<10112x64xf32>
    %get3A_5 = arith.constant 0 : index
    %get3A_6 = arith.constant 0 : index
    %get3A_7 = vector.load %arg1[%get3A_5, %get3A_6] : memref<10112x1xf32, #tpu.memory_space<vmem>>, vector<10112x1xf32>
    %mul3A = vector.broadcast %get3A_7 : vector<10112x1xf32> to vector<10112x64xf32>
    %mul3A_8 = arith.mulf %add3A, %mul3A : vector<10112x64xf32>
    %max3A = arith.constant 0.000000e+00 : f32
    %max3A_9 = vector.broadcast %max3A : f32 to vector<10112x64xf32>
    %max3A_10 = arith.maximumf %mul3A_8, %max3A_9 : vector<10112x64xf32>
    %iota3A = tpu.iota {dimensions = array<i32: 1>} : vector<10112x64xi32>
    %get3A_11 = arith.constant 0 : index
    %get3A_12 = arith.constant 0 : index
    %get3A_13 = vector.load %arg2[%get3A_11, %get3A_12] : memref<10112x1xi32, #tpu.memory_space<vmem>>, vector<10112x1xi32>
    %eq3A = vector.broadcast %get3A_13 : vector<10112x1xi32> to vector<10112x64xi32>
    %eq3A_14 = arith.cmpi eq, %eq3A, %iota3A : vector<10112x64xi32>
    %convert_element_type3A = arith.extui %eq3A_14 : vector<10112x64xi1> to vector<10112x64xi32>
    %convert_element_type3A_15 = arith.sitofp %convert_element_type3A : vector<10112x64xi32> to vector<10112x64xf32>
    %dot_general3A = arith.constant dense<0.000000e+00> : vector<64x64xf32>
    %dot_general3A_16 = tpu.matmul %convert_element_type3A_15, %max3A_10, %dot_general3A {dimension_numbers = #tpu.dot_dimension_numbers<[0], [0], [1], [1], [0, 1, 1, 1], [], []>, transpose_lhs_hint = false} : vector<10112x64xf32>, vector<10112x64xf32>, vector<64x64xf32> -> vector<64x64xf32>
    %broadcast_in_dim3A = arith.constant 1.000000e+00 : f32
    %broadcast_in_dim3A_17 = vector.broadcast %broadcast_in_dim3A : f32 to vector<10112x1xf32>
    %dot_general3A_18 = arith.constant dense<0.000000e+00> : vector<64x1xf32>
    %dot_general3A_19 = tpu.matmul %convert_element_type3A_15, %broadcast_in_dim3A_17, %dot_general3A_18 {dimension_numbers = #tpu.dot_dimension_numbers<[0], [0], [1], [1], [0, 1, 1, 1], [], []>, transpose_lhs_hint = false} : vector<10112x64xf32>, vector<10112x1xf32>, vector<64x1xf32> -> vector<64x1xf32>
    %max3A_20 = arith.constant 1.000000e+00 : f32
    %max3A_21 = vector.broadcast %max3A_20 : f32 to vector<64x1xf32>
    %max3A_22 = arith.maximumf %dot_general3A_19, %max3A_21 : vector<64x1xf32>
    %div3A = vector.broadcast %max3A_22 : vector<64x1xf32> to vector<64x64xf32>
    %div3A_23 = arith.divf %dot_general3A_16, %div3A : vector<64x64xf32>
    %get3A_24 = arith.constant 0 : index
    %get3A_25 = arith.constant 0 : index
    %get3A_26 = vector.load %arg3[%get3A_24, %get3A_25] : memref<64x64xf32, #tpu.memory_space<vmem>>, vector<64x64xf32>
    %dot_general3A_27 = arith.constant dense<0.000000e+00> : vector<64x64xf32>
    %dot_general3A_28 = tpu.matmul %div3A_23, %get3A_26, %dot_general3A_27 {dimension_numbers = #tpu.dot_dimension_numbers<[1], [0], [0], [1], [0, 0, 1, 1], [], []>, transpose_lhs_hint = false} : vector<64x64xf32>, vector<64x64xf32>, vector<64x64xf32> -> vector<64x64xf32>
    %get3A_29 = arith.constant 0 : index
    %get3A_30 = arith.constant 0 : index
    %get3A_31 = vector.load %arg4[%get3A_29, %get3A_30] : memref<1x64xf32, #tpu.memory_space<vmem>>, vector<1x64xf32>
    %add3A_32 = vector.broadcast %get3A_31 : vector<1x64xf32> to vector<64x64xf32>
    %add3A_33 = arith.addf %dot_general3A_28, %add3A_32 : vector<64x64xf32>
    %max3A_34 = arith.constant 0.000000e+00 : f32
    %max3A_35 = vector.broadcast %max3A_34 : f32 to vector<64x64xf32>
    %max3A_36 = arith.maximumf %add3A_33, %max3A_35 : vector<64x64xf32>
    %get3A_37 = arith.constant 0 : index
    %get3A_38 = arith.constant 0 : index
    %get3A_39 = vector.load %arg5[%get3A_37, %get3A_38] : memref<64x32xf32, #tpu.memory_space<vmem>>, vector<64x32xf32>
    %dot_general3A_40 = arith.constant dense<0.000000e+00> : vector<64x32xf32>
    %dot_general3A_41 = tpu.matmul %max3A_36, %get3A_39, %dot_general3A_40 {dimension_numbers = #tpu.dot_dimension_numbers<[1], [0], [0], [1], [0, 0, 1, 1], [], []>, transpose_lhs_hint = false} : vector<64x64xf32>, vector<64x32xf32>, vector<64x32xf32> -> vector<64x32xf32>
    %get3A_42 = arith.constant 0 : index
    %get3A_43 = arith.constant 0 : index
    %get3A_44 = vector.load %arg6[%get3A_42, %get3A_43] : memref<1x32xf32, #tpu.memory_space<vmem>>, vector<1x32xf32>
    %add3A_45 = vector.broadcast %get3A_44 : vector<1x32xf32> to vector<64x32xf32>
    %add3A_46 = arith.addf %dot_general3A_41, %add3A_45 : vector<64x32xf32>
    %swap3A = arith.constant 0 : index
    %swap3A_47 = arith.constant 0 : index
    %swap3A_48 = vector.load %arg7[%swap3A, %swap3A_47] : memref<64x32xf32, #tpu.memory_space<vmem>>, vector<64x32xf32>
    tpu.vector_store %arg7[%swap3A, %swap3A_47], %add3A_46 {strides = array<i32>} : memref<64x32xf32, #tpu.memory_space<vmem>>, vector<64x32xf32>,
    return
  }
}

</mosaic_0001>

<sc_bundles>
// kernel: kernel.14.cloned.1.call-start
scs
__scs_entry_jumppad:
0x0: {  	(pc) =	sbr.rel $0x88, $3  }
0x1: {  	(tag) =	ssettag $0x0;
	lr =	simm.s32 $0x1  }
0x2: {  	[smem:$0x3F90] =	sst lr;
	_ =	strace $0xD0000000  }
0x3: {  	_ = 	snop  }
0x4: {  	_ = 	snop  }
0x5: {  	_ = 	snop  }
0x6: {  	_ = 	snop  }
0x7: {  	_ = 	snop  }
__scs_overlays_trampoline_lowered:
0x8: {  	[smem:$0x3F9F] =	sst s0  }
0x9: {  	[smem:$0x3FA0] =	sst s1  }
0xa: {  	[smem:$0x3FA1] =	sst s2  }
0xb: {  	[smem:$0x3FA2] =	sst s3  }
0xc: {  	[smem:$0x3FA3] =	sst s4  }
0xd: {  	[smem:$0x3FA4] =	sst s5  }
0xe: {  	[smem:$0x3FA5] =	sst s6  }
0xf: {  	[smem:$0x3FA6] =	sst s7  }
0x10: {  	[smem:$0x3FA7] =	sst s8  }
0x11: {  	[smem:$0x3FA8] =	sst s9;
	s0 =	simm.s32 @!p0 $0x0  }
0x12: {  	s1 =	sld [smem:$0x3F8E];
	s0 =	simm.s32 @p0 $0x1  }
0x13: {  	[smem:$0x3FA9] =	sst s0;
	s0 =	simm.s32 @!p1 $0x0  }
0x14: {  	s2 =	sld [smem:$0x3F8D];
	s0 =	simm.s32 @p1 $0x1  }
0x15: {  	[smem:$0x3FAA] =	sst s0;
	s0 =	simm.s32 @!p2 $0x0  }
0x16: {  	s3 =	sld [smem:$0x3FDB];
	s0 =	simm.s32 @p2 $0x1  }
0x17: {  	s4 =	simm.s32 $0x1BF5;
	[smem:$0x3FAC] =	sst s0  }
0x18: {  	s0 =	sld [smem:$0x3F8F];
	_ =	swait.ge [sflag:s4], $0x0  }
0x19: {  	s7 =	sld [smem:$0x3F90]  }
0x1a: {  	s8 =	sadd.s32 $0xFFFFE003, lr  }
0x1b: {  	s9 =	sadd.s32 $0xFFFFFEF7, lr;
	s5 =	simm.s32 $0xFFFFFFFF;
	p2 =	slt.u32 s8, $0xFFFFF086  }
0x1c: {  	p1 =	slt.u32 s9, $0xF7A;
	s5 =	simm.s32 @!p2 $0x0  }
0x1d: {  	s5 =	simm.s32 @p1 $0x1;
	p0 =	seq.s32 s7, s2  }
0x1e: {  	s7 =	smul.u32 @!p0 $0xF7A, s2;
	p2 =	seq.s32 @!p0 s5, $0x0  }
0x1f: {  	s9 =	smul.u32 $0xF7A, s1;
	s8 =	simm.s32 @!p0 $0x1BF5;
	p2 =	por !p2, p0  }
0x20: {  	[sflag:s8] =	ssyncset.s32 @!p0 $0xFFFFF086;
	s6 =	sadd.s32 @!p0 s3, s7;
	s7 =	simm.s32 @!p0 $0x108  }
0x21: {  	s3 =	sadd.s32 s3, s9;
	s6 =	sadd.s32 @!p0 $0x88, s6;
	s7 =	simm.s32 @p2 $0x1082  }
0x22: {  	[simem:s7], [sflag:s8] =	dma.local @!p0 [hbm:s6], $0xF7A  }
0x23: {  	s9 =	sor.u32 $0xD0000000, s2;
	s6 =	simm.s32 $0x108;
	_ =	swait.ge @!p0 [sflag:s8], $0x0  }
0x24: {  	s3 =	sadd.s32 $0x88, s3;
	s6 =	simm.s32 @!p1 $0x1082;
	[sflag:s4] =	ssyncset.s32 $0xFFFFF086  }
0x25: {  	[simem:s6], [sflag:s4] =	dma.local [hbm:s3], $0xF7A  }
0x26: {  	[smem:$0x3F90] =	sst s1;
	(tag) =	ssettag s2;
	_ =	strace s9  }
0x27: {  	s1 =	sld [smem:$0x3FA0]  }
0x28: {  	s2 =	sld [smem:$0x3FA1]  }
0x29: {  	s4 =	sld [smem:$0x3FA3]  }
0x2a: {  	p0 =	seq.s32 s5, $0x0;
	s5 =	sld [smem:$0x3FA4]  }
0x2b: {  	s6 =	sld [smem:$0x3FA5]  }
0x2c: {  	s7 =	sld [smem:$0x3FA6]  }
0x2d: {  	s3 =	simm.s32 $0x108;
	s8 =	sld [smem:$0x3FA7]  }
0x2e: {  	s3 =	simm.s32 @!p0 $0x1082;
	s9 =	sld [smem:$0x3FA8]  }
0x2f: {  	lr =	sadd.s32 s0, s3;
	s0 =	sld [smem:$0x3F9F]  }
0x30: {  	s3 =	sld [smem:$0x3FA2]  }
0x31: {  	[smem:$0x3FAB] =	sst s10  }
0x32: {  	s10 =	sld [smem:$0x3FA9];
	_ =	sdelay $0x3  }
0x33: {  	p0 =	seq.s32 s10, $0x1;
	s10 =	sld [smem:$0x3FAB];
	_ =	sdelay $0x3  }
0x34: {  	[smem:$0x3FAB] =	sst s10  }
0x35: {  	s10 =	sld [smem:$0x3FAA];
	_ =	sdelay $0x3  }
0x36: {  	p1 =	seq.s32 s10, $0x1;
	s10 =	sld [smem:$0x3FAB];
	_ =	sdelay $0x3  }
0x37: {  	[smem:$0x3FAB] =	sst s10  }
0x38: {  	s10 =	sld [smem:$0x3FAC]  }
0x39: {  	_ = 	snop;
	(pc) =	sbr.ind lr, $3  }
0x3a: {  	_ = 	snop  }
0x3b: {  	_ = 	snop  }
0x3c: {  	p2 =	seq.s32 s10, $0x1;
	s10 =	sld [smem:$0x3FAB]  }
0x3d: {  	_ =	shalt  }
0x3e: {  	_ =	shalt  }
0x3f: {  	_ =	shalt  }
0x40: {  	_ =	shalt  }
0x41: {  	_ =	shalt  }
0x42: {  	_ =	shalt  }
0x43: {  	_ =	shalt  }
0x44: {  	_ =	shalt  }
0x45: {  	_ =	shalt  }
0x46: {  	_ =	shalt  }
0x47: {  	_ =	shalt  }
0x48: {  	_ =	shalt  }
0x49: {  	_ =	shalt  }
0x4a: {  	_ =	shalt  }
0x4b: {  	_ =	shalt  }
0x4c: {  	_ =	shalt  }
0x4d: {  	_ =	shalt  }
0x4e: {  	_ =	shalt  }
0x4f: {  	_ =	shalt  }
0x50: {  	_ =	shalt  }
0x51: {  	_ =	shalt  }
0x52: {  	_ =	shalt  }
0x53: {  	_ =	shalt  }
0x54: {  	_ =	shalt  }
0x55: {  	_ =	shalt  }
0x56: {  	_ =	shalt  }
0x57: {  	_ =	shalt  }
0x58: {  	_ =	shalt  }
0x59: {  	_ =	shalt  }
0x5a: {  	_ =	shalt  }
0x5b: {  	_ =	shalt  }
0x5c: {  	_ =	shalt  }
0x5d: {  	_ =	shalt  }
0x5e: {  	_ =	shalt  }
0x5f: {  	_ =	shalt  }
0x60: {  	_ =	shalt  }
0x61: {  	_ =	shalt  }
0x62: {  	_ =	shalt  }
0x63: {  	_ =	shalt  }
0x64: {  	_ =	shalt  }
0x65: {  	_ =	shalt  }
0x66: {  	_ =	shalt  }
0x67: {  	_ =	shalt  }
0x68: {  	_ =	shalt  }
0x69: {  	_ =	shalt  }
0x6a: {  	_ =	shalt  }
0x6b: {  	_ =	shalt  }
0x6c: {  	_ =	shalt  }
0x6d: {  	_ =	shalt  }
0x6e: {  	_ =	shalt  }
0x6f: {  	_ =	shalt  }
0x70: {  	_ =	shalt  }
0x71: {  	_ =	shalt  }
0x72: {  	_ =	shalt  }
0x73: {  	_ =	shalt  }
0x74: {  	_ =	shalt  }
0x75: {  	_ =	shalt  }
0x76: {  	_ =	shalt  }
0x77: {  	_ =	shalt  }
0x78: {  	_ =	shalt  }
0x79: {  	_ =	shalt  }
0x7a: {  	_ =	shalt  }
0x7b: {  	_ =	shalt  }
0x7c: {  	_ =	shalt  }
0x7d: {  	_ =	shalt  }
0x7e: {  	_ =	shalt  }
0x7f: {  	_ =	shalt  }
0x80: {  	_ =	shalt  }
0x81: {  	_ =	shalt  }
0x82: {  	_ =	shalt  }
0x83: {  	_ =	shalt  }
0x84: {  	_ =	shalt  }
0x85: {  	_ =	shalt  }
0x86: {  	_ =	shalt  }
0x87: {  	_ =	shalt  }
.Lfunc_end0:
.L_simem_size_0:
called_computation_lowered:
.L_overlay_start_0:
0x88: {  	s2 =	sld [smem:$0x3FD9]  }
0x89: {  	s3 =	sld [smem:$0x3FFE];
	_ =	sdelay $0x1  }
0x8a: {  	s1 =	srdreg.scid  }
0x8b: {  	s0 =	sand.u32 $0x1, s1  }
0x8c: {  	s17 =	sshll.u32 s0, $0xA;
	s2 =	sadd.s32 s3, s2  }
0x8d: {  	s2 =	sadd.s32 s2, s17  }
0x8e: {  	[smem:$0x3FB7] =	sst s2  }
0x8f: {  	_ = 	snop  }
0x90: {  	s2 =	sld [smem:$0x3FD0];
	(tm) =	ssettm $0x1  }
0x91: {  	s18 =	sld [smem:$0x3FFB];
	_ =	sdelay $0x3  }
0x92: {  	_ =	strace s18  }
0x93: {  	s3 =	sld [smem:$0x3FFC];
	_ =	sdelay $0x3  }
0x94: {  	_ =	strace s3  }
0x95: {  	s3 =	sld [smem:$0x3FFD];
	_ =	sdelay $0x3  }
0x96: {  	_ =	strace s3  }
0x97: {  	_ =	strace $0x8FFFFFFF  }
0x98: {  	s19 =	sld [smem:$0x3FDB];
	_ =	sdelay $0x1  }
0x99: {  	s4 =	simm.s32 $_scs_section_size  }
0x9a: {  	s5 =	simm.s32 $_size__tile_overlayer_lowered;
	s6 =	simm.s32 $_tile_overlayer_lowered  }
0x9b: {  	s22 =	simm.s32 $0x1BFF;
	s21 =	sshll.u32 s6, $0x1;
	s3 =	sadd.s32 s4, s19  }
0x9c: {  	s7 =	simm.s32 $0x0;
	s20 =	sshll.u32 s5, $0x1;
	s5 =	sadd.s32 s21, s3  }
0x9d: {  	[timem:s7], [sflag:s22] =	dma.local [hbm:s5], s20  }
0x9e: {  	_ =	swait.ge [sflag:s22], s20  }
0x9f: {  	s4 =	ssub.s32 $0x0, s20;
	[sflag:s22] =	ssyncset.done $0x0  }
0xa0: {  	[sflag:s22] =	ssyncadd.s32 s4;
	_ =	sdelay $0x1  }
0xa1: {  	s23 =	simm.s32 $0x1B8B  }
0xa2: {  	_ =	swait.ge [sflag:s23], $0x1  }
0xa3: {  	[sflag:s23] =	ssyncset.done $0x0  }
0xa4: {  	s25 =	simm.s32 $0x1B8E;
	s24 =	sld [smem:$0x3FFE];
	[sflag:s23] =	ssyncadd.s32 $0xFFFFFFFF  }
0xa5: {  	s26 =	simm.s32 $execute0_lowered;
	[smem:$0x3FD2] =	sst s25  }
0xa6: {  	s5 =	sshll.u32 s26, $0x1;
	_ =	strace $0x80000046;
	[dreg:$0x1] =	wrdreg $0xFFFFFFFF  }
0xa7: {  	s28 =	simm.s32 $_size_execute0_lowered;
	s3 =	sadd.s32 s3, s5;
	[dreg:$0x0] =	wrdreg $0x0  }
0xa8: {  	s5 =	sshll.u32 s28, $0x1;
	[dreg:$0x2] =	wrdreg s3  }
0xa9: {  	[dreg:$0x3] =	wrdreg s5  }
0xaa: {  	[dreg:$0x4] =	wrdreg $0xC0  }
0xab: {  	_ =	task [dreg:s7], $0x5FFFF  }
0xac: {  	[dreg:$0x1] =	wrdreg $0xFFFFFFFF  }
0xad: {  	[dreg:$0x0] =	wrdreg $0x60  }
0xae: {  	[dreg:$0x2] =	wrdreg s24  }
0xaf: {  	[dreg:$0x3] =	wrdreg s2  }
0xb0: {  	[dreg:$0x4] =	wrdreg $0x30000  }
0xb1: {  	[dreg:$0x5] =	wrdreg $0x9  }
0xb2: {  	_ =	task.clear_ibuf [dreg:s7], $0x6FFFF;
	_ =	strace $0x90000046  }
0xb3: {  	s29 =	simm.s32 $0x9;
	_ =	strace $0x80000048  }
0xb4: {  	_ =	swait.ge [sflag:s29], $0x1  }
0xb5: {  	[sflag:s29] =	ssyncadd.s32 $0xFFFFFFFF  }
0xb6: {  	_ =	strace $0x90000048  }
0xb7: {  	_ =	sfence  }
0xb8: {  	s30 =	sld [smem:$0x0];
	_ =	sdelay $0x2  }
0xb9: {  	s31 =	sshll.u32 s1, $0xD;
	s1 =	sshrl.u32 s1, $0x2  }
0xba: {  	s3 =	sand.u32 $0x4000, s31;
	s1 =	sadd.s32 s1, s30  }
0xbb: {  	s0 =	sor.u32 s3, s0;
	s1 =	sshll.u32 s1, $0x11  }
0xbc: {  	s0 =	sor.u32 s1, s0  }
0xbd: {  	s0 =	sadd.s32 $0x8F2B, s0  }
0xbe: {  	[sflag:s0] =	ssyncadd.remote.s32 $0x1  }
0xbf: {  	_ =	sfence.sel $0xFFFF  }
0xc0: {  	[dreg:$0x0] =	wrdreg $0xFFFFFFFF;
	(pc) =	sbr.abs _section_cstart, $3  }
0xc1: {  	[dreg:$0x1] =	wrdreg $0xFFFFFFFF  }
0xc2: {  	_ =	task.clear_ibuf [dreg:s7], $0x2FFFF;
	_ =	strace $0x9FFFFFFF  }
0xc3: {  	(tm) =	ssettm $0x7FFFFFFF  }
tec
execute0_lowered:
.L_overlay_start_1:
0x0: {  	(tag) =	ssettag $0x1  }
0x1: {  	s6 =	rddreg [dreg:$0x0]  }
0x2: {  	s2 =	rddreg [dreg:$0x1]  }
0x3: {  	s0 =	srdreg.scid;
	s3 =	rddreg [dreg:$0x2];
	s4 =	simm.s32 $0x0  }
0x4: {  	s13 =	simm.s32 $0x80;
	s5 =	sand.u32 $0x1, s0;
	s0 =	stileid.u32  }
0x5: {  	s14 =	simm.s32 $0x1;
	s15 =	simm.s32 $0x2;
	s8 =	smul.u32 $0x2780, s0  }
0x6: {  	s16 =	simm.s32 $0x0;
	[smem:$0x7FF] =	sst s4;
	s9 =	smul.u32 $0x4F0, s0  }
0x7: {  	s1 =	sshll.u32 s5, $0x4;
	s10 =	smul.u32 $0x4F00, s5;
	s5 =	ssub.s32 $0x2, s5  }
0x8: {  	s31 =	sshll.u32 s0, $0x6;
	s1 =	sor.u32 s0, s1;
	s29 =	sshrl.u32 s5, $0x1  }
0x9: {  	s7 =	smul.u32 $0x500, s1;
	s1 =	rddreg [dreg:$0x3];
	_ =	strace $0x80000047  }
0xa: {  	s11 =	sshrl.u32 s8, $0x3;
	s9 =	sadd.s32 s9, s10;
	s30 =	ssub.s32 s5, s29  }
0xb: {  	s12 =	sadd.s32 s8, s3;
	s10 =	simm.s32 $0x2800;
	s28 =	sadd.s32 s11, s6  }
0xc: {  	s9 =	sadd.s32 s9, s6;
	s8 =	smax.u32 s30, $0x1;
	s11 =	sor.u32 $0x1C03, s31  }
0xd: {  	s12 =	sshrl.u32 s12, $0x3;
	s7 =	sadd.s32 s7, s6;
	s6 =	sadd.s32 $0xD800, s28  }
0xe: {  	s5 =	sadd.s32 $0x3800, s7;
	s7 =	sadd.s32 $0x12800, s9;
	s9 =	simm.s32 $0x3  }
.LBB2_1:
0xf: {  	[tilespmem:s4], [sflag:$0x3] =	stream.linear.gather [hbm4b:s5+s4], $0x2800, $0x38;
	[tilespmem:$0x5780] =	vst v63  }
0x10: {  	_ =	swait.ge [sflag:s9], $0x2800  }
0x11: {  	[sflag:s9] =	ssyncset.done $0x0  }
0x12: {  	[sflag:s9] =	ssyncadd.s32 $0xFFFFD800  }
0x13: {  	[tilespmem:s10], [sflag:$0x3] =	stream.linear.gather [hbm4b:s2+s4], $0x800, $0x38;
	[tilespmem:$0x5780] =	vst v63  }
0x14: {  	_ =	swait.ge [sflag:s9], $0x800  }
0x15: {  	[sflag:s9] =	ssyncset.done $0x0  }
0x16: {  	[sflag:s9] =	ssyncadd.s32 $0xFFFFF800  }
0x17: {  	[spmem:s12], [sflag:s11] =	dma.local [hbm:s6], $0x4F0  }
0x18: {  	_ =	swait.ge [sflag:s9], $0x4F0  }
0x19: {  	[sflag:s9] =	ssyncset.done $0x0  }
0x1a: {  	[sflag:s9] =	ssyncadd.s32 $0xFFFFFB10  }
0x1b: {  	[bflag:$0x0] =	sbarrier.arrive $0xFFFF  }
0x1c: {  	[spmem:s3] =	stream.indirect.scatter.add.f32 [tilespmem:s10], [sflag:$0x1], $0x10, s4, s13, $0xb8;
	[tilespmem:$0x5780] =	vst v63  }
0x1d: {  	_ = 	snop  }
0x1e: {  	[spmem:s3] =	stream.indirect.scatter.add.f32 [tilespmem:s10], [sflag:$0x2], $0x10, s13, s13, $0xb8;
	[tilespmem:$0x5780] =	vst v63  }
0x1f: {  	_ =	swait.ge [sflag:s14], $0x800  }
0x20: {  	[sflag:s14] =	ssyncset.done $0x0  }
0x21: {  	s17 =	simm.s32 $0x100;
	[sflag:s14] =	ssyncadd.s32 $0xFFFFF800  }
0x22: {  	[spmem:s3] =	stream.indirect.scatter.add.f32 [tilespmem:s10], [sflag:$0x1], $0x10, s17, s13, $0xb8;
	[tilespmem:$0x5780] =	vst v63  }
0x23: {  	_ =	swait.ge [sflag:s15], $0x800  }
0x24: {  	[sflag:s15] =	ssyncset.done $0x0  }
0x25: {  	s18 =	simm.s32 $0x180;
	s17 =	simm.s32 $0xFFFF6800;
	[sflag:s15] =	ssyncadd.s32 $0xFFFFF800  }
.LBB2_2:
0x26: {  	[spmem:s3] =	stream.indirect.scatter.add.f32 [tilespmem:s10], [sflag:$0x2], $0x10, s18, s13, $0xb8;
	[tilespmem:$0x5780] =	vst v63  }
0x27: {  	s18 =	smov.u32 s17  }
0x28: {  	p0 =	sne.s32 s17, $0xFFFFFC00;
	s17 =	sadd.s32 $0x400, s17;
	_ =	swait.ge [sflag:s14], $0x800  }
0x29: {  	s18 =	sshra.s32 s18, $0x2;
	[sflag:s14] =	ssyncset.done $0x0  }
.Ltmp0:
0x2a: {  	s19 =	sadd.s32 $0x2800, s18;
	[sflag:s14] =	ssyncadd.s32 $0xFFFFF800;
	(pc) =	sbr.rel @p0 .LBB2_2-.Ltmp0, $4  }
0x2b: {  	[spmem:s3] =	stream.indirect.scatter.add.f32 [tilespmem:s10], [sflag:$0x1], $0x10, s19, s13, $0xb8;
	[tilespmem:$0x5780] =	vst v63  }
0x2c: {  	_ =	swait.ge [sflag:s15], $0x800  }
0x2d: {  	[sflag:s15] =	ssyncset.done $0x0  }
0x2e: {  	s18 =	sadd.s32 $0x2880, s18;
	[sflag:s15] =	ssyncadd.s32 $0xFFFFF800  }
0x2f: {  	[spmem:s3] =	stream.indirect.scatter.add.f32 [tilespmem:s10], [sflag:$0x2], $0x10, s18, s13, $0xb8;
	[tilespmem:$0x5780] =	vst v63  }
0x30: {  	_ =	swait.ge [sflag:s14], $0x800  }
0x31: {  	[sflag:s14] =	ssyncset.done $0x0  }
0x32: {  	[sflag:s14] =	ssyncadd.s32 $0xFFFFF800  }
0x33: {  	_ =	swait.ge [sflag:s15], $0x800  }
0x34: {  	s16 =	sadd.s32 $0x1, s16;
	[sflag:s15] =	ssyncset.done $0x0  }
0x35: {  	p0 =	sne.s32 s16, s8;
	[sflag:s15] =	ssyncadd.s32 $0xFFFFF800  }
.Ltmp1:
0x36: {  	[bflag:$0x0] =	sbarrier.arrive $0xFFFF;
	(pc) =	sbr.rel @p0 .LBB2_1-.Ltmp1, $4  }
0x37: {  	[hbm:s7], [sflag:s11] =	dma.local [spmem:s12], $0x4F0  }
0x38: {  	_ =	swait.ge [sflag:s9], $0x4F0  }
0x39: {  	[sflag:s9] =	ssyncset.done $0x0  }
0x3a: {  	[sflag:s9] =	ssyncadd.s32 $0xFFFFFB10  }
0x3b: {  	_ =	sfence.sel $0x180000  }
0x3c: {  	[bflag:$0x0] =	sbarrier.arrive $0xFFFF  }
0x3d: {  	p0 =	sne.s32 s0, $0x0;
	_ =	strace $0x90000047  }
0x3e: {  	s0 =	sadd.s32 @!p0 $0x100000, s1;
	[bflag:$0x2] =	sbarrier.arrive $0xFFFF  }
0x3f: {  	[sflag:s0] =	ssyncadd.tile.s32 @!p0 $0x1;
	_ =	shalt  }
.Lfunc_end2:
_tile_overlayer_lowered:
.L_overlay_start_2:
0x40: {  	(tag) =	ssettag $0x2  }
0x41: {  	s0 =	rddreg [dreg:$0x0];
	s2 =	stileid.u32  }
0x42: {  	s1 =	rddreg [dreg:$0x1];
	p0 =	sne.s32 s2, $0x0  }
0x43: {  	s3 =	rddreg [dreg:$0x2];
	[bflag:$0x3] =	sbarrier.arrive $0xFFFF;
	s2 =	simm.s32 @!p0 $0x1C03  }
0x44: {  	[timem:s3], [sflag:s2] =	dma.local @!p0 [hbm:s0], s1  }
0x45: {  	s0 =	simm.s32 @!p0 $0x3  }
0x46: {  	_ =	swait.ge @!p0 [sflag:s0], s1  }
0x47: {  	s1 =	ssub.s32 @!p0 $0x0, s1;
	[sflag:s0] =	ssyncset.done @!p0 $0x0  }
0x48: {  	[sflag:s0] =	ssyncadd.s32 @!p0 s1  }
0x49: {  	[bflag:$0x3] =	sbarrier.arrive $0xFFFF  }
0x4a: {  	_ =	shalt  }

// kernel: kernel.17.cloned.1.call-start
scs
__scs_entry_jumppad:
0x0: {  	(pc) =	sbr.rel $0x88, $3  }
0x1: {  	(tag) =	ssettag $0x0;
	lr =	simm.s32 $0x1  }
0x2: {  	[smem:$0x3F90] =	sst lr;
	_ =	strace $0xD0000000  }
0x3: {  	_ = 	snop  }
0x4: {  	_ = 	snop  }
0x5: {  	_ = 	snop  }
0x6: {  	_ = 	snop  }
0x7: {  	_ = 	snop  }
__scs_overlays_trampoline_lowered:
0x8: {  	[smem:$0x3F9F] =	sst s0  }
0x9: {  	[smem:$0x3FA0] =	sst s1  }
0xa: {  	[smem:$0x3FA1] =	sst s2  }
0xb: {  	[smem:$0x3FA2] =	sst s3  }
0xc: {  	[smem:$0x3FA3] =	sst s4  }
0xd: {  	[smem:$0x3FA4] =	sst s5  }
0xe: {  	[smem:$0x3FA5] =	sst s6  }
0xf: {  	[smem:$0x3FA6] =	sst s7  }
0x10: {  	[smem:$0x3FA7] =	sst s8  }
0x11: {  	[smem:$0x3FA8] =	sst s9;
	s0 =	simm.s32 @!p0 $0x0  }
0x12: {  	s1 =	sld [smem:$0x3F8E];
	s0 =	simm.s32 @p0 $0x1  }
0x13: {  	[smem:$0x3FA9] =	sst s0;
	s0 =	simm.s32 @!p1 $0x0  }
0x14: {  	s2 =	sld [smem:$0x3F8D];
	s0 =	simm.s32 @p1 $0x1  }
0x15: {  	[smem:$0x3FAA] =	sst s0;
	s0 =	simm.s32 @!p2 $0x0  }
0x16: {  	s3 =	sld [smem:$0x3FDB];
	s0 =	simm.s32 @p2 $0x1  }
0x17: {  	s4 =	simm.s32 $0x1BF5;
	[smem:$0x3FAC] =	sst s0  }
0x18: {  	s0 =	sld [smem:$0x3F8F];
	_ =	swait.ge [sflag:s4], $0x0  }
0x19: {  	s7 =	sld [smem:$0x3F90]  }
0x1a: {  	s8 =	sadd.s32 $0xFFFFE003, lr  }
0x1b: {  	s9 =	sadd.s32 $0xFFFFFEF7, lr;
	s5 =	simm.s32 $0xFFFFFFFF;
	p2 =	slt.u32 s8, $0xFFFFF086  }
0x1c: {  	p1 =	slt.u32 s9, $0xF7A;
	s5 =	simm.s32 @!p2 $0x0  }
0x1d: {  	s5 =	simm.s32 @p1 $0x1;
	p0 =	seq.s32 s7, s2  }
0x1e: {  	s7 =	smul.u32 @!p0 $0xF7A, s2;
	p2 =	seq.s32 @!p0 s5, $0x0  }
0x1f: {  	s9 =	smul.u32 $0xF7A, s1;
	s8 =	simm.s32 @!p0 $0x1BF5;
	p2 =	por !p2, p0  }
0x20: {  	[sflag:s8] =	ssyncset.s32 @!p0 $0xFFFFF086;
	s6 =	sadd.s32 @!p0 s3, s7;
	s7 =	simm.s32 @!p0 $0x108  }
0x21: {  	s3 =	sadd.s32 s3, s9;
	s6 =	sadd.s32 @!p0 $0x88, s6;
	s7 =	simm.s32 @p2 $0x1082  }
0x22: {  	[simem:s7], [sflag:s8] =	dma.local @!p0 [hbm:s6], $0xF7A  }
0x23: {  	s9 =	sor.u32 $0xD0000000, s2;
	s6 =	simm.s32 $0x108;
	_ =	swait.ge @!p0 [sflag:s8], $0x0  }
0x24: {  	s3 =	sadd.s32 $0x88, s3;
	s6 =	simm.s32 @!p1 $0x1082;
	[sflag:s4] =	ssyncset.s32 $0xFFFFF086  }
0x25: {  	[simem:s6], [sflag:s4] =	dma.local [hbm:s3], $0xF7A  }
0x26: {  	[smem:$0x3F90] =	sst s1;
	(tag) =	ssettag s2;
	_ =	strace s9  }
0x27: {  	s1 =	sld [smem:$0x3FA0]  }
0x28: {  	s2 =	sld [smem:$0x3FA1]  }
0x29: {  	s4 =	sld [smem:$0x3FA3]  }
0x2a: {  	p0 =	seq.s32 s5, $0x0;
	s5 =	sld [smem:$0x3FA4]  }
0x2b: {  	s6 =	sld [smem:$0x3FA5]  }
0x2c: {  	s7 =	sld [smem:$0x3FA6]  }
0x2d: {  	s3 =	simm.s32 $0x108;
	s8 =	sld [smem:$0x3FA7]  }
0x2e: {  	s3 =	simm.s32 @!p0 $0x1082;
	s9 =	sld [smem:$0x3FA8]  }
0x2f: {  	lr =	sadd.s32 s0, s3;
	s0 =	sld [smem:$0x3F9F]  }
0x30: {  	s3 =	sld [smem:$0x3FA2]  }
0x31: {  	[smem:$0x3FAB] =	sst s10  }
0x32: {  	s10 =	sld [smem:$0x3FA9];
	_ =	sdelay $0x3  }
0x33: {  	p0 =	seq.s32 s10, $0x1;
	s10 =	sld [smem:$0x3FAB];
	_ =	sdelay $0x3  }
0x34: {  	[smem:$0x3FAB] =	sst s10  }
0x35: {  	s10 =	sld [smem:$0x3FAA];
	_ =	sdelay $0x3  }
0x36: {  	p1 =	seq.s32 s10, $0x1;
	s10 =	sld [smem:$0x3FAB];
	_ =	sdelay $0x3  }
0x37: {  	[smem:$0x3FAB] =	sst s10  }
0x38: {  	s10 =	sld [smem:$0x3FAC]  }
0x39: {  	_ = 	snop;
	(pc) =	sbr.ind lr, $3  }
0x3a: {  	_ = 	snop  }
0x3b: {  	_ = 	snop  }
0x3c: {  	p2 =	seq.s32 s10, $0x1;
	s10 =	sld [smem:$0x3FAB]  }
0x3d: {  	_ =	shalt  }
0x3e: {  	_ =	shalt  }
0x3f: {  	_ =	shalt  }
0x40: {  	_ =	shalt  }
0x41: {  	_ =	shalt  }
0x42: {  	_ =	shalt  }
0x43: {  	_ =	shalt  }
0x44: {  	_ =	shalt  }
0x45: {  	_ =	shalt  }
0x46: {  	_ =	shalt  }
0x47: {  	_ =	shalt  }
0x48: {  	_ =	shalt  }
0x49: {  	_ =	shalt  }
0x4a: {  	_ =	shalt  }
0x4b: {  	_ =	shalt  }
0x4c: {  	_ =	shalt  }
0x4d: {  	_ =	shalt  }
0x4e: {  	_ =	shalt  }
0x4f: {  	_ =	shalt  }
0x50: {  	_ =	shalt  }
0x51: {  	_ =	shalt  }
0x52: {  	_ =	shalt  }
0x53: {  	_ =	shalt  }
0x54: {  	_ =	shalt  }
0x55: {  	_ =	shalt  }
0x56: {  	_ =	shalt  }
0x57: {  	_ =	shalt  }
0x58: {  	_ =	shalt  }
0x59: {  	_ =	shalt  }
0x5a: {  	_ =	shalt  }
0x5b: {  	_ =	shalt  }
0x5c: {  	_ =	shalt  }
0x5d: {  	_ =	shalt  }
0x5e: {  	_ =	shalt  }
0x5f: {  	_ =	shalt  }
0x60: {  	_ =	shalt  }
0x61: {  	_ =	shalt  }
0x62: {  	_ =	shalt  }
0x63: {  	_ =	shalt  }
0x64: {  	_ =	shalt  }
0x65: {  	_ =	shalt  }
0x66: {  	_ =	shalt  }
0x67: {  	_ =	shalt  }
0x68: {  	_ =	shalt  }
0x69: {  	_ =	shalt  }
0x6a: {  	_ =	shalt  }
0x6b: {  	_ =	shalt  }
0x6c: {  	_ =	shalt  }
0x6d: {  	_ =	shalt  }
0x6e: {  	_ =	shalt  }
0x6f: {  	_ =	shalt  }
0x70: {  	_ =	shalt  }
0x71: {  	_ =	shalt  }
0x72: {  	_ =	shalt  }
0x73: {  	_ =	shalt  }
0x74: {  	_ =	shalt  }
0x75: {  	_ =	shalt  }
0x76: {  	_ =	shalt  }
0x77: {  	_ =	shalt  }
0x78: {  	_ =	shalt  }
0x79: {  	_ =	shalt  }
0x7a: {  	_ =	shalt  }
0x7b: {  	_ =	shalt  }
0x7c: {  	_ =	shalt  }
0x7d: {  	_ =	shalt  }
0x7e: {  	_ =	shalt  }
0x7f: {  	_ =	shalt  }
0x80: {  	_ =	shalt  }
0x81: {  	_ =	shalt  }
0x82: {  	_ =	shalt  }
0x83: {  	_ =	shalt  }
0x84: {  	_ =	shalt  }
0x85: {  	_ =	shalt  }
0x86: {  	_ =	shalt  }
0x87: {  	_ =	shalt  }
.Lfunc_end0:
.L_simem_size_0:
called_computation.1_lowered:
.L_overlay_start_0:
0x88: {  	s2 =	sld [smem:$0x3FD9]  }
0x89: {  	s3 =	sld [smem:$0x3FFE];
	_ =	sdelay $0x1  }
0x8a: {  	s1 =	srdreg.scid  }
0x8b: {  	s0 =	sand.u32 $0x1, s1  }
0x8c: {  	s16 =	sshll.u32 s0, $0xA;
	s2 =	sadd.s32 s3, s2  }
0x8d: {  	s2 =	sadd.s32 s2, s16  }
0x8e: {  	[smem:$0x3FB7] =	sst s2  }
0x8f: {  	_ = 	snop  }
0x90: {  	(tm) =	ssettm $0x1  }
0x91: {  	s17 =	sld [smem:$0x3FFB];
	_ =	sdelay $0x3  }
0x92: {  	_ =	strace s17  }
0x93: {  	s2 =	sld [smem:$0x3FFC];
	_ =	sdelay $0x3  }
0x94: {  	_ =	strace s2  }
0x95: {  	s2 =	sld [smem:$0x3FFD];
	_ =	sdelay $0x3  }
0x96: {  	_ =	strace s2  }
0x97: {  	_ =	strace $0x8FFFFFFF  }
0x98: {  	s18 =	sld [smem:$0x3FDB];
	_ =	sdelay $0x1  }
0x99: {  	s19 =	simm.s32 $_scs_section_size  }
0x9a: {  	s4 =	simm.s32 $_size__tile_overlayer_lowered;
	s5 =	simm.s32 $_tile_overlayer_lowered  }
0x9b: {  	s22 =	simm.s32 $0x1BFF;
	s21 =	sshll.u32 s5, $0x1;
	s2 =	sadd.s32 s19, s18  }
0x9c: {  	s6 =	simm.s32 $0x0;
	s20 =	sshll.u32 s4, $0x1;
	s4 =	sadd.s32 s21, s2  }
0x9d: {  	[timem:s6], [sflag:s22] =	dma.local [hbm:s4], s20  }
0x9e: {  	_ =	swait.ge [sflag:s22], s20  }
0x9f: {  	s3 =	ssub.s32 $0x0, s20;
	[sflag:s22] =	ssyncset.done $0x0  }
0xa0: {  	[sflag:s22] =	ssyncadd.s32 s3;
	_ =	sdelay $0x1  }
0xa1: {  	s23 =	simm.s32 $0x1B8B  }
0xa2: {  	_ =	swait.ge [sflag:s23], $0x1  }
0xa3: {  	[sflag:s23] =	ssyncset.done $0x0  }
0xa4: {  	s25 =	simm.s32 $0x1B8E;
	s24 =	sld [smem:$0x3FFE];
	[sflag:s23] =	ssyncadd.s32 $0xFFFFFFFF  }
0xa5: {  	s26 =	simm.s32 $execute0_lowered;
	[smem:$0x3FD2] =	sst s25  }
0xa6: {  	s4 =	sshll.u32 s26, $0x1;
	_ =	strace $0x80000049;
	[dreg:$0x1] =	wrdreg $0xFFFFFFFF  }
0xa7: {  	s28 =	simm.s32 $_size_execute0_lowered;
	s2 =	sadd.s32 s2, s4;
	[dreg:$0x0] =	wrdreg $0x0  }
0xa8: {  	s4 =	sshll.u32 s28, $0x1;
	[dreg:$0x2] =	wrdreg s2  }
0xa9: {  	[dreg:$0x3] =	wrdreg s4  }
0xaa: {  	[dreg:$0x4] =	wrdreg $0xC0  }
0xab: {  	_ =	task [dreg:s6], $0x5FFFF  }
0xac: {  	[dreg:$0x1] =	wrdreg $0xFFFFFFFF  }
0xad: {  	[dreg:$0x0] =	wrdreg $0x60  }
0xae: {  	[dreg:$0x2] =	wrdreg s24  }
0xaf: {  	[dreg:$0x3] =	wrdreg $0x90000  }
0xb0: {  	[dreg:$0x4] =	wrdreg $0x12E000  }
0xb1: {  	[dreg:$0x5] =	wrdreg $0x9  }
0xb2: {  	_ =	task.clear_ibuf [dreg:s6], $0x6FFFF;
	_ =	strace $0x90000049  }
0xb3: {  	s29 =	simm.s32 $0x9;
	_ =	strace $0x8000004B  }
0xb4: {  	_ =	swait.ge [sflag:s29], $0x1  }
0xb5: {  	[sflag:s29] =	ssyncadd.s32 $0xFFFFFFFF  }
0xb6: {  	_ =	strace $0x9000004B  }
0xb7: {  	_ =	sfence  }
0xb8: {  	s30 =	sld [smem:$0x0];
	_ =	sdelay $0x2  }
0xb9: {  	s31 =	sshll.u32 s1, $0xD;
	s1 =	sshrl.u32 s1, $0x2  }
0xba: {  	s3 =	sand.u32 $0x4000, s31;
	s1 =	sadd.s32 s1, s30  }
0xbb: {  	s0 =	sor.u32 s3, s0;
	s1 =	sshll.u32 s1, $0x11  }
0xbc: {  	s0 =	sor.u32 s1, s0  }
0xbd: {  	s0 =	sadd.s32 $0x8F2B, s0  }
0xbe: {  	[sflag:s0] =	ssyncadd.remote.s32 $0x1  }
0xbf: {  	_ =	sfence.sel $0xFFFF  }
0xc0: {  	[dreg:$0x0] =	wrdreg $0xFFFFFFFF;
	(pc) =	sbr.abs _section_cstart, $3  }
0xc1: {  	[dreg:$0x1] =	wrdreg $0xFFFFFFFF  }
0xc2: {  	_ =	task.clear_ibuf [dreg:s6], $0x2FFFF;
	_ =	strace $0x9FFFFFFF  }
0xc3: {  	(tm) =	ssettm $0x7FFFFFFF  }
tec
execute0_lowered:
.L_overlay_start_1:
0x0: {  	(tag) =	ssettag $0x1  }
0x1: {  	s6 =	rddreg [dreg:$0x0]  }
0x2: {  	s2 =	rddreg [dreg:$0x1]  }
0x3: {  	s0 =	srdreg.scid;
	s3 =	rddreg [dreg:$0x2]  }
0x4: {  	s4 =	simm.s32 $0x0;
	s17 =	simm.s32 $0x1;
	s18 =	simm.s32 $0x2  }
0x5: {  	s19 =	simm.s32 $0x3;
	s20 =	simm.s32 $0x4;
	s21 =	simm.s32 $0x80  }
0x6: {  	s22 =	simm.s32 $0x5000;
	s23 =	simm.s32 $0x7000;
	s24 =	simm.s32 $0x4F00  }
0x7: {  	s25 =	simm.s32 $0x4F80;
	s5 =	sand.u32 $0x1, s0;
	s0 =	stileid.u32  }
0x8: {  	s26 =	simm.s32 $0x5;
	s28 =	simm.s32 $0x0;
	s10 =	smul.u32 $0x9E00, s0  }
0x9: {  	[smem:$0x7FF] =	sst s4;
	s1 =	sshll.u32 s5, $0x4;
	s8 =	smul.u32 $0x13C0, s0  }
0xa: {  	s11 =	smul.u32 $0x13C00, s5;
	s5 =	ssub.s32 $0x2, s5;
	s1 =	sor.u32 s0, s1  }
0xb: {  	s31 =	sshrl.u32 s5, $0x1;
	s7 =	smul.u32 $0x500, s1;
	s1 =	rddreg [dreg:$0x3]  }
0xc: {  	s9 =	sshrl.u32 s10, $0x3;
	_ =	strace $0x8000004A;
	s8 =	sadd.s32 s8, s11  }
0xd: {  	s13 =	ssub.s32 s5, s31;
	s14 =	sadd.s32 s10, s2;
	s16 =	sadd.s32 s10, s3  }
0xe: {  	s12 =	sadd.s32 s9, s6;
	s11 =	sadd.s32 s8, s6;
	s14 =	sshrl.u32 s14, $0x3  }
0xf: {  	s16 =	sshrl.u32 s16, $0x3;
	s7 =	sadd.s32 s7, s6;
	s8 =	sadd.s32 $0x3A200, s12  }
0x10: {  	s10 =	sadd.s32 $0x26600, s12;
	s11 =	sadd.s32 $0x4DE00, s11;
	s12 =	smax.u32 s13, $0x1  }
0x11: {  	s5 =	sadd.s32 $0x1C600, s7;
	s6 =	sadd.s32 $0x3800, s7;
	s7 =	sshll.u32 s0, $0x6  }
0x12: {  	s13 =	simm.s32 $0x2800;
	s9 =	sor.u32 $0x1C03, s7;
	s15 =	sor.u32 $0x1C04, s7  }
.LBB2_1:
0x13: {  	[tilespmem:s4], [sflag:$0x1] =	stream.linear.gather [hbm4b:s5+s4], $0x2800, $0x38;
	[tilespmem:$0x1CC00] =	vst v63  }
0x14: {  	_ = 	snop  }
0x15: {  	[tilespmem:s13], [sflag:$0x2] =	stream.linear.gather [hbm4b:s6+s4], $0x2800, $0x38;
	[tilespmem:$0x1CC00] =	vst v63  }
0x16: {  	[spmem:s14], [sflag:s9] =	dma.local [hbm:s8], $0x13C0  }
0x17: {  	[spmem:s16], [sflag:s15] =	dma.local [hbm:s10], $0x13C0  }
0x18: {  	_ =	swait.ge [sflag:s17], $0x2800  }
0x19: {  	[sflag:s17] =	ssyncset.done $0x0  }
0x1a: {  	[sflag:s17] =	ssyncadd.s32 $0xFFFFD800  }
0x1b: {  	_ =	swait.ge [sflag:s18], $0x2800  }
0x1c: {  	[sflag:s18] =	ssyncset.done $0x0  }
0x1d: {  	[sflag:s18] =	ssyncadd.s32 $0xFFFFD800  }
0x1e: {  	_ =	swait.ge [sflag:s19], $0x13C0  }
0x1f: {  	[sflag:s19] =	ssyncset.done $0x0  }
0x20: {  	[sflag:s19] =	ssyncadd.s32 $0xFFFFEC40  }
0x21: {  	_ =	swait.ge [sflag:s20], $0x13C0  }
0x22: {  	[sflag:s20] =	ssyncset.done $0x0  }
0x23: {  	[sflag:s20] =	ssyncadd.s32 $0xFFFFEC40  }
0x24: {  	[bflag:$0x0] =	sbarrier.arrive $0xFFFF  }
0x25: {  	[tilespmem:s22], [sflag:$0x1] =	stream.indirect.gather [spmem:s3], $0x40, s4, s21, $0xb8;
	[tilespmem:$0x1CC00] =	vst v63  }
0x26: {  	_ = 	snop  }
0x27: {  	[tilespmem:s23], [sflag:$0x2] =	stream.indirect.gather [spmem:s3], $0x40, s21, s21, $0xb8;
	[tilespmem:$0x1CC00] =	vst v63  }
0x28: {  	_ =	swait.ge [sflag:s17], $0x2000  }
0x29: {  	[sflag:s17] =	ssyncset.done $0x0  }
0x2a: {  	s29 =	simm.s32 $0x2800;
	[sflag:s17] =	ssyncadd.s32 $0xFFFFE000  }
0x2b: {  	[spmem:s2] =	stream.indirect.scatter.add.f32 [tilespmem:s22], [sflag:$0x3], $0x40, s29, s21, $0xb8;
	[tilespmem:$0x1CC00] =	vst v63  }
0x2c: {  	_ =	swait.ge [sflag:s18], $0x2000  }
0x2d: {  	[sflag:s18] =	ssyncset.done $0x0  }
0x2e: {  	s29 =	simm.s32 $0x2880;
	[sflag:s18] =	ssyncadd.s32 $0xFFFFE000  }
0x2f: {  	[spmem:s2] =	stream.indirect.scatter.add.f32 [tilespmem:s23], [sflag:$0x4], $0x40, s29, s21, $0xb8;
	[tilespmem:$0x1CC00] =	vst v63  }
0x30: {  	_ =	swait.ge [sflag:s19], $0x2000  }
0x31: {  	[sflag:s19] =	ssyncset.done $0x0  }
0x32: {  	s29 =	simm.s32 $0x100;
	[sflag:s19] =	ssyncadd.s32 $0xFFFFE000  }
0x33: {  	[tilespmem:s22], [sflag:$0x1] =	stream.indirect.gather [spmem:s3], $0x40, s29, s21, $0xb8;
	[tilespmem:$0x1CC00] =	vst v63  }
0x34: {  	_ =	swait.ge [sflag:s20], $0x2000  }
0x35: {  	[sflag:s20] =	ssyncset.done $0x0  }
0x36: {  	s30 =	simm.s32 $0x180;
	s29 =	simm.s32 $0x400;
	[sflag:s20] =	ssyncadd.s32 $0xFFFFE000  }
.LBB2_2:
0x37: {  	[tilespmem:s23], [sflag:$0x2] =	stream.indirect.gather [spmem:s3], $0x40, s30, s21, $0xb8;
	[tilespmem:$0x1CC00] =	vst v63  }
0x38: {  	s30 =	smov.u32 s29  }
0x39: {  	p0 =	sne.s32 s29, $0x9800;
	s29 =	sadd.s32 $0x400, s29;
	_ =	swait.ge [sflag:s17], $0x2000  }
0x3a: {  	s30 =	sshra.s32 s30, $0x2;
	[sflag:s17] =	ssyncset.done $0x0  }
0x3b: {  	s31 =	sadd.s32 $0x2800, s30;
	[sflag:s17] =	ssyncadd.s32 $0xFFFFE000  }
0x3c: {  	[spmem:s2] =	stream.indirect.scatter.add.f32 [tilespmem:s22], [sflag:$0x3], $0x40, s31, s21, $0xb8;
	[tilespmem:$0x1CC00] =	vst v63  }
0x3d: {  	_ =	swait.ge [sflag:s18], $0x2000  }
0x3e: {  	[sflag:s18] =	ssyncset.done $0x0  }
0x3f: {  	s31 =	sadd.s32 $0x2880, s30;
	[sflag:s18] =	ssyncadd.s32 $0xFFFFE000  }
0x40: {  	[spmem:s2] =	stream.indirect.scatter.add.f32 [tilespmem:s23], [sflag:$0x4], $0x40, s31, s21, $0xb8;
	[tilespmem:$0x1CC00] =	vst v63  }
0x41: {  	_ =	swait.ge [sflag:s19], $0x2000  }
0x42: {  	[sflag:s19] =	ssyncset.done $0x0  }
.Ltmp0:
0x43: {  	s31 =	sadd.s32 $0x100, s30;
	[sflag:s19] =	ssyncadd.s32 $0xFFFFE000;
	(pc) =	sbr.rel @p0 .LBB2_2-.Ltmp0, $4  }
0x44: {  	[tilespmem:s22], [sflag:$0x1] =	stream.indirect.gather [spmem:s3], $0x40, s31, s21, $0xb8;
	[tilespmem:$0x1CC00] =	vst v63  }
0x45: {  	_ =	swait.ge [sflag:s20], $0x2000  }
0x46: {  	[sflag:s20] =	ssyncset.done $0x0  }
0x47: {  	s30 =	sadd.s32 $0x180, s30;
	[sflag:s20] =	ssyncadd.s32 $0xFFFFE000  }
0x48: {  	[tilespmem:s23], [sflag:$0x2] =	stream.indirect.gather [spmem:s3], $0x40, s30, s21, $0xb8;
	[tilespmem:$0x1CC00] =	vst v63  }
0x49: {  	_ =	swait.ge [sflag:s17], $0x2000  }
0x4a: {  	[sflag:s17] =	ssyncset.done $0x0  }
0x4b: {  	[sflag:s17] =	ssyncadd.s32 $0xFFFFE000  }
0x4c: {  	[spmem:s2] =	stream.indirect.scatter.add.f32 [tilespmem:s22], [sflag:$0x3], $0x40, s24, s21, $0xb8;
	[tilespmem:$0x1CC00] =	vst v63  }
0x4d: {  	_ =	swait.ge [sflag:s18], $0x2000  }
0x4e: {  	[sflag:s18] =	ssyncset.done $0x0  }
0x4f: {  	[sflag:s18] =	ssyncadd.s32 $0xFFFFE000  }
0x50: {  	[spmem:s2] =	stream.indirect.scatter.add.f32 [tilespmem:s23], [sflag:$0x4], $0x40, s25, s21, $0xb8;
	[tilespmem:$0x1CC00] =	vst v63  }
0x51: {  	_ =	swait.ge [sflag:s19], $0x2000  }
0x52: {  	[sflag:s19] =	ssyncset.done $0x0  }
0x53: {  	[sflag:s19] =	ssyncadd.s32 $0xFFFFE000  }
0x54: {  	_ =	swait.ge [sflag:s20], $0x2000  }
0x55: {  	s28 =	sadd.s32 $0x1, s28;
	[sflag:s20] =	ssyncset.done $0x0  }
0x56: {  	p0 =	sne.s32 s28, s12;
	[sflag:s20] =	ssyncadd.s32 $0xFFFFE000  }
.Ltmp1:
0x57: {  	s29 =	sor.u32 $0x1C05, s7;
	[bflag:$0x0] =	sbarrier.arrive $0xFFFF;
	(pc) =	sbr.rel @p0 .LBB2_1-.Ltmp1, $4  }
0x58: {  	[hbm:s11], [sflag:s29] =	dma.local [spmem:s14], $0x13C0  }
0x59: {  	_ =	swait.ge [sflag:s26], $0x13C0  }
0x5a: {  	[sflag:s26] =	ssyncset.done $0x0  }
0x5b: {  	[sflag:s26] =	ssyncadd.s32 $0xFFFFEC40  }
0x5c: {  	_ =	sfence.sel $0x180000  }
0x5d: {  	[bflag:$0x0] =	sbarrier.arrive $0xFFFF  }
0x5e: {  	p0 =	sne.s32 s0, $0x0;
	_ =	strace $0x9000004A  }
0x5f: {  	s0 =	sadd.s32 @!p0 $0x100000, s1;
	[bflag:$0x2] =	sbarrier.arrive $0xFFFF  }
0x60: {  	[sflag:s0] =	ssyncadd.tile.s32 @!p0 $0x1;
	_ =	shalt  }
.Lfunc_end2:
_tile_overlayer_lowered:
.L_overlay_start_2:
0x61: {  	(tag) =	ssettag $0x2  }
0x62: {  	s0 =	rddreg [dreg:$0x0];
	s2 =	stileid.u32  }
0x63: {  	s1 =	rddreg [dreg:$0x1];
	p0 =	sne.s32 s2, $0x0  }
0x64: {  	s3 =	rddreg [dreg:$0x2];
	[bflag:$0x3] =	sbarrier.arrive $0xFFFF;
	s2 =	simm.s32 @!p0 $0x1C05  }
0x65: {  	[timem:s3], [sflag:s2] =	dma.local @!p0 [hbm:s0], s1  }
0x66: {  	s0 =	simm.s32 @!p0 $0x5  }
0x67: {  	_ =	swait.ge @!p0 [sflag:s0], s1  }
0x68: {  	s1 =	ssub.s32 @!p0 $0x0, s1;
	[sflag:s0] =	ssyncset.done @!p0 $0x0  }
0x69: {  	[sflag:s0] =	ssyncadd.s32 @!p0 s1  }
0x6a: {  	[bflag:$0x3] =	sbarrier.arrive $0xFFFF  }
0x6b: {  	_ =	shalt  }

// kernel: kernel.20.cloned.1.call-start
scs
__scs_entry_jumppad:
0x0: {  	(pc) =	sbr.rel $0x88, $3  }
0x1: {  	(tag) =	ssettag $0x0;
	lr =	simm.s32 $0x1  }
0x2: {  	[smem:$0x3F90] =	sst lr;
	_ =	strace $0xD0000000  }
0x3: {  	_ = 	snop  }
0x4: {  	_ = 	snop  }
0x5: {  	_ = 	snop  }
0x6: {  	_ = 	snop  }
0x7: {  	_ = 	snop  }
__scs_overlays_trampoline_lowered:
0x8: {  	[smem:$0x3F9F] =	sst s0  }
0x9: {  	[smem:$0x3FA0] =	sst s1  }
0xa: {  	[smem:$0x3FA1] =	sst s2  }
0xb: {  	[smem:$0x3FA2] =	sst s3  }
0xc: {  	[smem:$0x3FA3] =	sst s4  }
0xd: {  	[smem:$0x3FA4] =	sst s5  }
0xe: {  	[smem:$0x3FA5] =	sst s6  }
0xf: {  	[smem:$0x3FA6] =	sst s7  }
0x10: {  	[smem:$0x3FA7] =	sst s8  }
0x11: {  	[smem:$0x3FA8] =	sst s9;
	s0 =	simm.s32 @!p0 $0x0  }
0x12: {  	s1 =	sld [smem:$0x3F8E];
	s0 =	simm.s32 @p0 $0x1  }
0x13: {  	[smem:$0x3FA9] =	sst s0;
	s0 =	simm.s32 @!p1 $0x0  }
0x14: {  	s2 =	sld [smem:$0x3F8D];
	s0 =	simm.s32 @p1 $0x1  }
0x15: {  	[smem:$0x3FAA] =	sst s0;
	s0 =	simm.s32 @!p2 $0x0  }
0x16: {  	s3 =	sld [smem:$0x3FDB];
	s0 =	simm.s32 @p2 $0x1  }
0x17: {  	s4 =	simm.s32 $0x1BF5;
	[smem:$0x3FAC] =	sst s0  }
0x18: {  	s0 =	sld [smem:$0x3F8F];
	_ =	swait.ge [sflag:s4], $0x0  }
0x19: {  	s7 =	sld [smem:$0x3F90]  }
0x1a: {  	s8 =	sadd.s32 $0xFFFFE003, lr  }
0x1b: {  	s9 =	sadd.s32 $0xFFFFFEF7, lr;
	s5 =	simm.s32 $0xFFFFFFFF;
	p2 =	slt.u32 s8, $0xFFFFF086  }
0x1c: {  	p1 =	slt.u32 s9, $0xF7A;
	s5 =	simm.s32 @!p2 $0x0  }
0x1d: {  	s5 =	simm.s32 @p1 $0x1;
	p0 =	seq.s32 s7, s2  }
0x1e: {  	s7 =	smul.u32 @!p0 $0xF7A, s2;
	p2 =	seq.s32 @!p0 s5, $0x0  }
0x1f: {  	s9 =	smul.u32 $0xF7A, s1;
	s8 =	simm.s32 @!p0 $0x1BF5;
	p2 =	por !p2, p0  }
0x20: {  	[sflag:s8] =	ssyncset.s32 @!p0 $0xFFFFF086;
	s6 =	sadd.s32 @!p0 s3, s7;
	s7 =	simm.s32 @!p0 $0x108  }
0x21: {  	s3 =	sadd.s32 s3, s9;
	s6 =	sadd.s32 @!p0 $0x88, s6;
	s7 =	simm.s32 @p2 $0x1082  }
0x22: {  	[simem:s7], [sflag:s8] =	dma.local @!p0 [hbm:s6], $0xF7A  }
0x23: {  	s9 =	sor.u32 $0xD0000000, s2;
	s6 =	simm.s32 $0x108;
	_ =	swait.ge @!p0 [sflag:s8], $0x0  }
0x24: {  	s3 =	sadd.s32 $0x88, s3;
	s6 =	simm.s32 @!p1 $0x1082;
	[sflag:s4] =	ssyncset.s32 $0xFFFFF086  }
0x25: {  	[simem:s6], [sflag:s4] =	dma.local [hbm:s3], $0xF7A  }
0x26: {  	[smem:$0x3F90] =	sst s1;
	(tag) =	ssettag s2;
	_ =	strace s9  }
0x27: {  	s1 =	sld [smem:$0x3FA0]  }
0x28: {  	s2 =	sld [smem:$0x3FA1]  }
0x29: {  	s4 =	sld [smem:$0x3FA3]  }
0x2a: {  	p0 =	seq.s32 s5, $0x0;
	s5 =	sld [smem:$0x3FA4]  }
0x2b: {  	s6 =	sld [smem:$0x3FA5]  }
0x2c: {  	s7 =	sld [smem:$0x3FA6]  }
0x2d: {  	s3 =	simm.s32 $0x108;
	s8 =	sld [smem:$0x3FA7]  }
0x2e: {  	s3 =	simm.s32 @!p0 $0x1082;
	s9 =	sld [smem:$0x3FA8]  }
0x2f: {  	lr =	sadd.s32 s0, s3;
	s0 =	sld [smem:$0x3F9F]  }
0x30: {  	s3 =	sld [smem:$0x3FA2]  }
0x31: {  	[smem:$0x3FAB] =	sst s10  }
0x32: {  	s10 =	sld [smem:$0x3FA9];
	_ =	sdelay $0x3  }
0x33: {  	p0 =	seq.s32 s10, $0x1;
	s10 =	sld [smem:$0x3FAB];
	_ =	sdelay $0x3  }
0x34: {  	[smem:$0x3FAB] =	sst s10  }
0x35: {  	s10 =	sld [smem:$0x3FAA];
	_ =	sdelay $0x3  }
0x36: {  	p1 =	seq.s32 s10, $0x1;
	s10 =	sld [smem:$0x3FAB];
	_ =	sdelay $0x3  }
0x37: {  	[smem:$0x3FAB] =	sst s10  }
0x38: {  	s10 =	sld [smem:$0x3FAC]  }
0x39: {  	_ = 	snop;
	(pc) =	sbr.ind lr, $3  }
0x3a: {  	_ = 	snop  }
0x3b: {  	_ = 	snop  }
0x3c: {  	p2 =	seq.s32 s10, $0x1;
	s10 =	sld [smem:$0x3FAB]  }
0x3d: {  	_ =	shalt  }
0x3e: {  	_ =	shalt  }
0x3f: {  	_ =	shalt  }
0x40: {  	_ =	shalt  }
0x41: {  	_ =	shalt  }
0x42: {  	_ =	shalt  }
0x43: {  	_ =	shalt  }
0x44: {  	_ =	shalt  }
0x45: {  	_ =	shalt  }
0x46: {  	_ =	shalt  }
0x47: {  	_ =	shalt  }
0x48: {  	_ =	shalt  }
0x49: {  	_ =	shalt  }
0x4a: {  	_ =	shalt  }
0x4b: {  	_ =	shalt  }
0x4c: {  	_ =	shalt  }
0x4d: {  	_ =	shalt  }
0x4e: {  	_ =	shalt  }
0x4f: {  	_ =	shalt  }
0x50: {  	_ =	shalt  }
0x51: {  	_ =	shalt  }
0x52: {  	_ =	shalt  }
0x53: {  	_ =	shalt  }
0x54: {  	_ =	shalt  }
0x55: {  	_ =	shalt  }
0x56: {  	_ =	shalt  }
0x57: {  	_ =	shalt  }
0x58: {  	_ =	shalt  }
0x59: {  	_ =	shalt  }
0x5a: {  	_ =	shalt  }
0x5b: {  	_ =	shalt  }
0x5c: {  	_ =	shalt  }
0x5d: {  	_ =	shalt  }
0x5e: {  	_ =	shalt  }
0x5f: {  	_ =	shalt  }
0x60: {  	_ =	shalt  }
0x61: {  	_ =	shalt  }
0x62: {  	_ =	shalt  }
0x63: {  	_ =	shalt  }
0x64: {  	_ =	shalt  }
0x65: {  	_ =	shalt  }
0x66: {  	_ =	shalt  }
0x67: {  	_ =	shalt  }
0x68: {  	_ =	shalt  }
0x69: {  	_ =	shalt  }
0x6a: {  	_ =	shalt  }
0x6b: {  	_ =	shalt  }
0x6c: {  	_ =	shalt  }
0x6d: {  	_ =	shalt  }
0x6e: {  	_ =	shalt  }
0x6f: {  	_ =	shalt  }
0x70: {  	_ =	shalt  }
0x71: {  	_ =	shalt  }
0x72: {  	_ =	shalt  }
0x73: {  	_ =	shalt  }
0x74: {  	_ =	shalt  }
0x75: {  	_ =	shalt  }
0x76: {  	_ =	shalt  }
0x77: {  	_ =	shalt  }
0x78: {  	_ =	shalt  }
0x79: {  	_ =	shalt  }
0x7a: {  	_ =	shalt  }
0x7b: {  	_ =	shalt  }
0x7c: {  	_ =	shalt  }
0x7d: {  	_ =	shalt  }
0x7e: {  	_ =	shalt  }
0x7f: {  	_ =	shalt  }
0x80: {  	_ =	shalt  }
0x81: {  	_ =	shalt  }
0x82: {  	_ =	shalt  }
0x83: {  	_ =	shalt  }
0x84: {  	_ =	shalt  }
0x85: {  	_ =	shalt  }
0x86: {  	_ =	shalt  }
0x87: {  	_ =	shalt  }
.Lfunc_end0:
.L_simem_size_0:
called_computation.2_lowered:
.L_overlay_start_0:
0x88: {  	s2 =	sld [smem:$0x3FD9]  }
0x89: {  	s3 =	sld [smem:$0x3FFE];
	_ =	sdelay $0x1  }
0x8a: {  	s1 =	srdreg.scid  }
0x8b: {  	s0 =	sand.u32 $0x1, s1  }
0x8c: {  	s16 =	sshll.u32 s0, $0xA;
	s2 =	sadd.s32 s3, s2  }
0x8d: {  	s2 =	sadd.s32 s2, s16  }
0x8e: {  	[smem:$0x3FB7] =	sst s2  }
0x8f: {  	_ = 	snop  }
0x90: {  	(tm) =	ssettm $0x1  }
0x91: {  	s17 =	sld [smem:$0x3FFB];
	_ =	sdelay $0x3  }
0x92: {  	_ =	strace s17  }
0x93: {  	s2 =	sld [smem:$0x3FFC];
	_ =	sdelay $0x3  }
0x94: {  	_ =	strace s2  }
0x95: {  	s2 =	sld [smem:$0x3FFD];
	_ =	sdelay $0x3  }
0x96: {  	_ =	strace s2  }
0x97: {  	_ =	strace $0x8FFFFFFF  }
0x98: {  	s18 =	sld [smem:$0x3FDB];
	_ =	sdelay $0x1  }
0x99: {  	s19 =	simm.s32 $_scs_section_size  }
0x9a: {  	s4 =	simm.s32 $_size__tile_overlayer_lowered;
	s5 =	simm.s32 $_tile_overlayer_lowered  }
0x9b: {  	s22 =	simm.s32 $0x1BFF;
	s21 =	sshll.u32 s5, $0x1;
	s2 =	sadd.s32 s19, s18  }
0x9c: {  	s6 =	simm.s32 $0x0;
	s20 =	sshll.u32 s4, $0x1;
	s4 =	sadd.s32 s21, s2  }
0x9d: {  	[timem:s6], [sflag:s22] =	dma.local [hbm:s4], s20  }
0x9e: {  	_ =	swait.ge [sflag:s22], s20  }
0x9f: {  	s3 =	ssub.s32 $0x0, s20;
	[sflag:s22] =	ssyncset.done $0x0  }
0xa0: {  	[sflag:s22] =	ssyncadd.s32 s3;
	_ =	sdelay $0x1  }
0xa1: {  	s23 =	simm.s32 $0x1B8B  }
0xa2: {  	_ =	swait.ge [sflag:s23], $0x1  }
0xa3: {  	[sflag:s23] =	ssyncset.done $0x0  }
0xa4: {  	s25 =	simm.s32 $0x1B8E;
	s24 =	sld [smem:$0x3FFE];
	[sflag:s23] =	ssyncadd.s32 $0xFFFFFFFF  }
0xa5: {  	s26 =	simm.s32 $execute0_lowered;
	[smem:$0x3FD2] =	sst s25  }
0xa6: {  	s4 =	sshll.u32 s26, $0x1;
	_ =	strace $0x8000004C;
	[dreg:$0x1] =	wrdreg $0xFFFFFFFF  }
0xa7: {  	s28 =	simm.s32 $_size_execute0_lowered;
	s2 =	sadd.s32 s2, s4;
	[dreg:$0x0] =	wrdreg $0x0  }
0xa8: {  	s4 =	sshll.u32 s28, $0x1;
	[dreg:$0x2] =	wrdreg s2  }
0xa9: {  	[dreg:$0x3] =	wrdreg s4  }
0xaa: {  	[dreg:$0x4] =	wrdreg $0xC0  }
0xab: {  	_ =	task [dreg:s6], $0x5FFFF  }
0xac: {  	[dreg:$0x1] =	wrdreg $0xFFFFFFFF  }
0xad: {  	[dreg:$0x0] =	wrdreg $0x60  }
0xae: {  	[dreg:$0x2] =	wrdreg s24  }
0xaf: {  	[dreg:$0x3] =	wrdreg $0x90000  }
0xb0: {  	[dreg:$0x4] =	wrdreg $0x12E000  }
0xb1: {  	[dreg:$0x5] =	wrdreg $0x9  }
0xb2: {  	_ =	task.clear_ibuf [dreg:s6], $0x6FFFF;
	_ =	strace $0x9000004C  }
0xb3: {  	s29 =	simm.s32 $0x9;
	_ =	strace $0x8000004E  }
0xb4: {  	_ =	swait.ge [sflag:s29], $0x1  }
0xb5: {  	[sflag:s29] =	ssyncadd.s32 $0xFFFFFFFF  }
0xb6: {  	_ =	strace $0x9000004E  }
0xb7: {  	_ =	sfence  }
0xb8: {  	s30 =	sld [smem:$0x0];
	_ =	sdelay $0x2  }
0xb9: {  	s31 =	sshll.u32 s1, $0xD;
	s1 =	sshrl.u32 s1, $0x2  }
0xba: {  	s3 =	sand.u32 $0x4000, s31;
	s1 =	sadd.s32 s1, s30  }
0xbb: {  	s0 =	sor.u32 s3, s0;
	s1 =	sshll.u32 s1, $0x11  }
0xbc: {  	s0 =	sor.u32 s1, s0  }
0xbd: {  	s0 =	sadd.s32 $0x8F2B, s0  }
0xbe: {  	[sflag:s0] =	ssyncadd.remote.s32 $0x1  }
0xbf: {  	_ =	sfence.sel $0xFFFF  }
0xc0: {  	[dreg:$0x0] =	wrdreg $0xFFFFFFFF;
	(pc) =	sbr.abs _section_cstart, $3  }
0xc1: {  	[dreg:$0x1] =	wrdreg $0xFFFFFFFF  }
0xc2: {  	_ =	task.clear_ibuf [dreg:s6], $0x2FFFF;
	_ =	strace $0x9FFFFFFF  }
0xc3: {  	(tm) =	ssettm $0x7FFFFFFF  }
tec
execute0_lowered:
.L_overlay_start_1:
0x0: {  	(tag) =	ssettag $0x1  }
0x1: {  	s6 =	rddreg [dreg:$0x0]  }
0x2: {  	s2 =	rddreg [dreg:$0x1]  }
0x3: {  	s0 =	srdreg.scid;
	s3 =	rddreg [dreg:$0x2]  }
0x4: {  	s4 =	simm.s32 $0x0;
	s17 =	simm.s32 $0x1;
	s18 =	simm.s32 $0x2  }
0x5: {  	s19 =	simm.s32 $0x3;
	s20 =	simm.s32 $0x4;
	s21 =	simm.s32 $0x80  }
0x6: {  	s22 =	simm.s32 $0x5000;
	s23 =	simm.s32 $0x7000;
	s24 =	simm.s32 $0x4F00  }
0x7: {  	s25 =	simm.s32 $0x4F80;
	s5 =	sand.u32 $0x1, s0;
	s0 =	stileid.u32  }
0x8: {  	s26 =	simm.s32 $0x5;
	s28 =	simm.s32 $0x0;
	s10 =	smul.u32 $0x9E00, s0  }
0x9: {  	[smem:$0x7FF] =	sst s4;
	s1 =	sshll.u32 s5, $0x4;
	s8 =	smul.u32 $0x13C0, s0  }
0xa: {  	s11 =	smul.u32 $0x13C00, s5;
	s5 =	ssub.s32 $0x2, s5;
	s1 =	sor.u32 s0, s1  }
0xb: {  	s31 =	sshrl.u32 s5, $0x1;
	s7 =	smul.u32 $0x500, s1;
	s1 =	rddreg [dreg:$0x3]  }
0xc: {  	s9 =	sshrl.u32 s10, $0x3;
	_ =	strace $0x8000004D;
	s8 =	sadd.s32 s8, s11  }
0xd: {  	s13 =	ssub.s32 s5, s31;
	s14 =	sadd.s32 s10, s2;
	s16 =	sadd.s32 s10, s3  }
0xe: {  	s12 =	sadd.s32 s9, s6;
	s11 =	sadd.s32 s8, s6;
	s14 =	sshrl.u32 s14, $0x3  }
0xf: {  	s16 =	sshrl.u32 s16, $0x3;
	s7 =	sadd.s32 s7, s6;
	s8 =	sadd.s32 $0x3A200, s12  }
0x10: {  	s10 =	sadd.s32 $0x26600, s12;
	s11 =	sadd.s32 $0x4DE00, s11;
	s12 =	smax.u32 s13, $0x1  }
0x11: {  	s5 =	sadd.s32 $0x1C600, s7;
	s6 =	sadd.s32 $0x3800, s7;
	s7 =	sshll.u32 s0, $0x6  }
0x12: {  	s13 =	simm.s32 $0x2800;
	s9 =	sor.u32 $0x1C03, s7;
	s15 =	sor.u32 $0x1C04, s7  }
.LBB2_1:
0x13: {  	[tilespmem:s4], [sflag:$0x1] =	stream.linear.gather [hbm4b:s5+s4], $0x2800, $0x38;
	[tilespmem:$0x1CC00] =	vst v63  }
0x14: {  	_ = 	snop  }
0x15: {  	[tilespmem:s13], [sflag:$0x2] =	stream.linear.gather [hbm4b:s6+s4], $0x2800, $0x38;
	[tilespmem:$0x1CC00] =	vst v63  }
0x16: {  	[spmem:s14], [sflag:s9] =	dma.local [hbm:s8], $0x13C0  }
0x17: {  	[spmem:s16], [sflag:s15] =	dma.local [hbm:s10], $0x13C0  }
0x18: {  	_ =	swait.ge [sflag:s17], $0x2800  }
0x19: {  	[sflag:s17] =	ssyncset.done $0x0  }
0x1a: {  	[sflag:s17] =	ssyncadd.s32 $0xFFFFD800  }
0x1b: {  	_ =	swait.ge [sflag:s18], $0x2800  }
0x1c: {  	[sflag:s18] =	ssyncset.done $0x0  }
0x1d: {  	[sflag:s18] =	ssyncadd.s32 $0xFFFFD800  }
0x1e: {  	_ =	swait.ge [sflag:s19], $0x13C0  }
0x1f: {  	[sflag:s19] =	ssyncset.done $0x0  }
0x20: {  	[sflag:s19] =	ssyncadd.s32 $0xFFFFEC40  }
0x21: {  	_ =	swait.ge [sflag:s20], $0x13C0  }
0x22: {  	[sflag:s20] =	ssyncset.done $0x0  }
0x23: {  	[sflag:s20] =	ssyncadd.s32 $0xFFFFEC40  }
0x24: {  	[bflag:$0x0] =	sbarrier.arrive $0xFFFF  }
0x25: {  	[tilespmem:s22], [sflag:$0x1] =	stream.indirect.gather [spmem:s3], $0x40, s4, s21, $0xb8;
	[tilespmem:$0x1CC00] =	vst v63  }
0x26: {  	_ = 	snop  }
0x27: {  	[tilespmem:s23], [sflag:$0x2] =	stream.indirect.gather [spmem:s3], $0x40, s21, s21, $0xb8;
	[tilespmem:$0x1CC00] =	vst v63  }
0x28: {  	_ =	swait.ge [sflag:s17], $0x2000  }
0x29: {  	[sflag:s17] =	ssyncset.done $0x0  }
0x2a: {  	s29 =	simm.s32 $0x2800;
	[sflag:s17] =	ssyncadd.s32 $0xFFFFE000  }
0x2b: {  	[spmem:s2] =	stream.indirect.scatter.add.f32 [tilespmem:s22], [sflag:$0x3], $0x40, s29, s21, $0xb8;
	[tilespmem:$0x1CC00] =	vst v63  }
0x2c: {  	_ =	swait.ge [sflag:s18], $0x2000  }
0x2d: {  	[sflag:s18] =	ssyncset.done $0x0  }
0x2e: {  	s29 =	simm.s32 $0x2880;
	[sflag:s18] =	ssyncadd.s32 $0xFFFFE000  }
0x2f: {  	[spmem:s2] =	stream.indirect.scatter.add.f32 [tilespmem:s23], [sflag:$0x4], $0x40, s29, s21, $0xb8;
	[tilespmem:$0x1CC00] =	vst v63  }
0x30: {  	_ =	swait.ge [sflag:s19], $0x2000  }
0x31: {  	[sflag:s19] =	ssyncset.done $0x0  }
0x32: {  	s29 =	simm.s32 $0x100;
	[sflag:s19] =	ssyncadd.s32 $0xFFFFE000  }
0x33: {  	[tilespmem:s22], [sflag:$0x1] =	stream.indirect.gather [spmem:s3], $0x40, s29, s21, $0xb8;
	[tilespmem:$0x1CC00] =	vst v63  }
0x34: {  	_ =	swait.ge [sflag:s20], $0x2000  }
0x35: {  	[sflag:s20] =	ssyncset.done $0x0  }
0x36: {  	s30 =	simm.s32 $0x180;
	s29 =	simm.s32 $0x400;
	[sflag:s20] =	ssyncadd.s32 $0xFFFFE000  }
.LBB2_2:
0x37: {  	[tilespmem:s23], [sflag:$0x2] =	stream.indirect.gather [spmem:s3], $0x40, s30, s21, $0xb8;
	[tilespmem:$0x1CC00] =	vst v63  }
0x38: {  	s30 =	smov.u32 s29  }
0x39: {  	p0 =	sne.s32 s29, $0x9800;
	s29 =	sadd.s32 $0x400, s29;
	_ =	swait.ge [sflag:s17], $0x2000  }
0x3a: {  	s30 =	sshra.s32 s30, $0x2;
	[sflag:s17] =	ssyncset.done $0x0  }
0x3b: {  	s31 =	sadd.s32 $0x2800, s30;
	[sflag:s17] =	ssyncadd.s32 $0xFFFFE000  }
0x3c: {  	[spmem:s2] =	stream.indirect.scatter.add.f32 [tilespmem:s22], [sflag:$0x3], $0x40, s31, s21, $0xb8;
	[tilespmem:$0x1CC00] =	vst v63  }
0x3d: {  	_ =	swait.ge [sflag:s18], $0x2000  }
0x3e: {  	[sflag:s18] =	ssyncset.done $0x0  }
0x3f: {  	s31 =	sadd.s32 $0x2880, s30;
	[sflag:s18] =	ssyncadd.s32 $0xFFFFE000  }
0x40: {  	[spmem:s2] =	stream.indirect.scatter.add.f32 [tilespmem:s23], [sflag:$0x4], $0x40, s31, s21, $0xb8;
	[tilespmem:$0x1CC00] =	vst v63  }
0x41: {  	_ =	swait.ge [sflag:s19], $0x2000  }
0x42: {  	[sflag:s19] =	ssyncset.done $0x0  }
.Ltmp0:
0x43: {  	s31 =	sadd.s32 $0x100, s30;
	[sflag:s19] =	ssyncadd.s32 $0xFFFFE000;
	(pc) =	sbr.rel @p0 .LBB2_2-.Ltmp0, $4  }
0x44: {  	[tilespmem:s22], [sflag:$0x1] =	stream.indirect.gather [spmem:s3], $0x40, s31, s21, $0xb8;
	[tilespmem:$0x1CC00] =	vst v63  }
0x45: {  	_ =	swait.ge [sflag:s20], $0x2000  }
0x46: {  	[sflag:s20] =	ssyncset.done $0x0  }
0x47: {  	s30 =	sadd.s32 $0x180, s30;
	[sflag:s20] =	ssyncadd.s32 $0xFFFFE000  }
0x48: {  	[tilespmem:s23], [sflag:$0x2] =	stream.indirect.gather [spmem:s3], $0x40, s30, s21, $0xb8;
	[tilespmem:$0x1CC00] =	vst v63  }
0x49: {  	_ =	swait.ge [sflag:s17], $0x2000  }
0x4a: {  	[sflag:s17] =	ssyncset.done $0x0  }
0x4b: {  	[sflag:s17] =	ssyncadd.s32 $0xFFFFE000  }
0x4c: {  	[spmem:s2] =	stream.indirect.scatter.add.f32 [tilespmem:s22], [sflag:$0x3], $0x40, s24, s21, $0xb8;
	[tilespmem:$0x1CC00] =	vst v63  }
0x4d: {  	_ =	swait.ge [sflag:s18], $0x2000  }
0x4e: {  	[sflag:s18] =	ssyncset.done $0x0  }
0x4f: {  	[sflag:s18] =	ssyncadd.s32 $0xFFFFE000  }
0x50: {  	[spmem:s2] =	stream.indirect.scatter.add.f32 [tilespmem:s23], [sflag:$0x4], $0x40, s25, s21, $0xb8;
	[tilespmem:$0x1CC00] =	vst v63  }
0x51: {  	_ =	swait.ge [sflag:s19], $0x2000  }
0x52: {  	[sflag:s19] =	ssyncset.done $0x0  }
0x53: {  	[sflag:s19] =	ssyncadd.s32 $0xFFFFE000  }
0x54: {  	_ =	swait.ge [sflag:s20], $0x2000  }
0x55: {  	s28 =	sadd.s32 $0x1, s28;
	[sflag:s20] =	ssyncset.done $0x0  }
0x56: {  	p0 =	sne.s32 s28, s12;
	[sflag:s20] =	ssyncadd.s32 $0xFFFFE000  }
.Ltmp1:
0x57: {  	s29 =	sor.u32 $0x1C05, s7;
	[bflag:$0x0] =	sbarrier.arrive $0xFFFF;
	(pc) =	sbr.rel @p0 .LBB2_1-.Ltmp1, $4  }
0x58: {  	[hbm:s11], [sflag:s29] =	dma.local [spmem:s14], $0x13C0  }
0x59: {  	_ =	swait.ge [sflag:s26], $0x13C0  }
0x5a: {  	[sflag:s26] =	ssyncset.done $0x0  }
0x5b: {  	[sflag:s26] =	ssyncadd.s32 $0xFFFFEC40  }
0x5c: {  	_ =	sfence.sel $0x180000  }
0x5d: {  	[bflag:$0x0] =	sbarrier.arrive $0xFFFF  }
0x5e: {  	p0 =	sne.s32 s0, $0x0;
	_ =	strace $0x9000004D  }
0x5f: {  	s0 =	sadd.s32 @!p0 $0x100000, s1;
	[bflag:$0x2] =	sbarrier.arrive $0xFFFF  }
0x60: {  	[sflag:s0] =	ssyncadd.tile.s32 @!p0 $0x1;
	_ =	shalt  }
.Lfunc_end2:
_tile_overlayer_lowered:
.L_overlay_start_2:
0x61: {  	(tag) =	ssettag $0x2  }
0x62: {  	s0 =	rddreg [dreg:$0x0];
	s2 =	stileid.u32  }
0x63: {  	s1 =	rddreg [dreg:$0x1];
	p0 =	sne.s32 s2, $0x0  }
0x64: {  	s3 =	rddreg [dreg:$0x2];
	[bflag:$0x3] =	sbarrier.arrive $0xFFFF;
	s2 =	simm.s32 @!p0 $0x1C05  }
0x65: {  	[timem:s3], [sflag:s2] =	dma.local @!p0 [hbm:s0], s1  }
0x66: {  	s0 =	simm.s32 @!p0 $0x5  }
0x67: {  	_ =	swait.ge @!p0 [sflag:s0], s1  }
0x68: {  	s1 =	ssub.s32 @!p0 $0x0, s1;
	[sflag:s0] =	ssyncset.done @!p0 $0x0  }
0x69: {  	[sflag:s0] =	ssyncadd.s32 @!p0 s1  }
0x6a: {  	[bflag:$0x3] =	sbarrier.arrive $0xFFFF  }
0x6b: {  	_ =	shalt  }

// kernel: kernel.23.cloned.1.call-start
scs
__scs_entry_jumppad:
0x0: {  	(pc) =	sbr.rel $0x88, $3  }
0x1: {  	(tag) =	ssettag $0x0;
	lr =	simm.s32 $0x1  }
0x2: {  	[smem:$0x3F90] =	sst lr;
	_ =	strace $0xD0000000  }
0x3: {  	_ = 	snop  }
0x4: {  	_ = 	snop  }
0x5: {  	_ = 	snop  }
0x6: {  	_ = 	snop  }
0x7: {  	_ = 	snop  }
__scs_overlays_trampoline_lowered:
0x8: {  	[smem:$0x3F9F] =	sst s0  }
0x9: {  	[smem:$0x3FA0] =	sst s1  }
0xa: {  	[smem:$0x3FA1] =	sst s2  }
0xb: {  	[smem:$0x3FA2] =	sst s3  }
0xc: {  	[smem:$0x3FA3] =	sst s4  }
0xd: {  	[smem:$0x3FA4] =	sst s5  }
0xe: {  	[smem:$0x3FA5] =	sst s6  }
0xf: {  	[smem:$0x3FA6] =	sst s7  }
0x10: {  	[smem:$0x3FA7] =	sst s8  }
0x11: {  	[smem:$0x3FA8] =	sst s9;
	s0 =	simm.s32 @!p0 $0x0  }
0x12: {  	s1 =	sld [smem:$0x3F8E];
	s0 =	simm.s32 @p0 $0x1  }
0x13: {  	[smem:$0x3FA9] =	sst s0;
	s0 =	simm.s32 @!p1 $0x0  }
0x14: {  	s2 =	sld [smem:$0x3F8D];
	s0 =	simm.s32 @p1 $0x1  }
0x15: {  	[smem:$0x3FAA] =	sst s0;
	s0 =	simm.s32 @!p2 $0x0  }
0x16: {  	s3 =	sld [smem:$0x3FDB];
	s0 =	simm.s32 @p2 $0x1  }
0x17: {  	s4 =	simm.s32 $0x1BF5;
	[smem:$0x3FAC] =	sst s0  }
0x18: {  	s0 =	sld [smem:$0x3F8F];
	_ =	swait.ge [sflag:s4], $0x0  }
0x19: {  	s7 =	sld [smem:$0x3F90]  }
0x1a: {  	s8 =	sadd.s32 $0xFFFFE003, lr  }
0x1b: {  	s9 =	sadd.s32 $0xFFFFFEF7, lr;
	s5 =	simm.s32 $0xFFFFFFFF;
	p2 =	slt.u32 s8, $0xFFFFF086  }
0x1c: {  	p1 =	slt.u32 s9, $0xF7A;
	s5 =	simm.s32 @!p2 $0x0  }
0x1d: {  	s5 =	simm.s32 @p1 $0x1;
	p0 =	seq.s32 s7, s2  }
0x1e: {  	s7 =	smul.u32 @!p0 $0xF7A, s2;
	p2 =	seq.s32 @!p0 s5, $0x0  }
0x1f: {  	s9 =	smul.u32 $0xF7A, s1;
	s8 =	simm.s32 @!p0 $0x1BF5;
	p2 =	por !p2, p0  }
0x20: {  	[sflag:s8] =	ssyncset.s32 @!p0 $0xFFFFF086;
	s6 =	sadd.s32 @!p0 s3, s7;
	s7 =	simm.s32 @!p0 $0x108  }
0x21: {  	s3 =	sadd.s32 s3, s9;
	s6 =	sadd.s32 @!p0 $0x88, s6;
	s7 =	simm.s32 @p2 $0x1082  }
0x22: {  	[simem:s7], [sflag:s8] =	dma.local @!p0 [hbm:s6], $0xF7A  }
0x23: {  	s9 =	sor.u32 $0xD0000000, s2;
	s6 =	simm.s32 $0x108;
	_ =	swait.ge @!p0 [sflag:s8], $0x0  }
0x24: {  	s3 =	sadd.s32 $0x88, s3;
	s6 =	simm.s32 @!p1 $0x1082;
	[sflag:s4] =	ssyncset.s32 $0xFFFFF086  }
0x25: {  	[simem:s6], [sflag:s4] =	dma.local [hbm:s3], $0xF7A  }
0x26: {  	[smem:$0x3F90] =	sst s1;
	(tag) =	ssettag s2;
	_ =	strace s9  }
0x27: {  	s1 =	sld [smem:$0x3FA0]  }
0x28: {  	s2 =	sld [smem:$0x3FA1]  }
0x29: {  	s4 =	sld [smem:$0x3FA3]  }
0x2a: {  	p0 =	seq.s32 s5, $0x0;
	s5 =	sld [smem:$0x3FA4]  }
0x2b: {  	s6 =	sld [smem:$0x3FA5]  }
0x2c: {  	s7 =	sld [smem:$0x3FA6]  }
0x2d: {  	s3 =	simm.s32 $0x108;
	s8 =	sld [smem:$0x3FA7]  }
0x2e: {  	s3 =	simm.s32 @!p0 $0x1082;
	s9 =	sld [smem:$0x3FA8]  }
0x2f: {  	lr =	sadd.s32 s0, s3;
	s0 =	sld [smem:$0x3F9F]  }
0x30: {  	s3 =	sld [smem:$0x3FA2]  }
0x31: {  	[smem:$0x3FAB] =	sst s10  }
0x32: {  	s10 =	sld [smem:$0x3FA9];
	_ =	sdelay $0x3  }
0x33: {  	p0 =	seq.s32 s10, $0x1;
	s10 =	sld [smem:$0x3FAB];
	_ =	sdelay $0x3  }
0x34: {  	[smem:$0x3FAB] =	sst s10  }
0x35: {  	s10 =	sld [smem:$0x3FAA];
	_ =	sdelay $0x3  }
0x36: {  	p1 =	seq.s32 s10, $0x1;
	s10 =	sld [smem:$0x3FAB];
	_ =	sdelay $0x3  }
0x37: {  	[smem:$0x3FAB] =	sst s10  }
0x38: {  	s10 =	sld [smem:$0x3FAC]  }
0x39: {  	_ = 	snop;
	(pc) =	sbr.ind lr, $3  }
0x3a: {  	_ = 	snop  }
0x3b: {  	_ = 	snop  }
0x3c: {  	p2 =	seq.s32 s10, $0x1;
	s10 =	sld [smem:$0x3FAB]  }
0x3d: {  	_ =	shalt  }
0x3e: {  	_ =	shalt  }
0x3f: {  	_ =	shalt  }
0x40: {  	_ =	shalt  }
0x41: {  	_ =	shalt  }
0x42: {  	_ =	shalt  }
0x43: {  	_ =	shalt  }
0x44: {  	_ =	shalt  }
0x45: {  	_ =	shalt  }
0x46: {  	_ =	shalt  }
0x47: {  	_ =	shalt  }
0x48: {  	_ =	shalt  }
0x49: {  	_ =	shalt  }
0x4a: {  	_ =	shalt  }
0x4b: {  	_ =	shalt  }
0x4c: {  	_ =	shalt  }
0x4d: {  	_ =	shalt  }
0x4e: {  	_ =	shalt  }
0x4f: {  	_ =	shalt  }
0x50: {  	_ =	shalt  }
0x51: {  	_ =	shalt  }
0x52: {  	_ =	shalt  }
0x53: {  	_ =	shalt  }
0x54: {  	_ =	shalt  }
0x55: {  	_ =	shalt  }
0x56: {  	_ =	shalt  }
0x57: {  	_ =	shalt  }
0x58: {  	_ =	shalt  }
0x59: {  	_ =	shalt  }
0x5a: {  	_ =	shalt  }
0x5b: {  	_ =	shalt  }
0x5c: {  	_ =	shalt  }
0x5d: {  	_ =	shalt  }
0x5e: {  	_ =	shalt  }
0x5f: {  	_ =	shalt  }
0x60: {  	_ =	shalt  }
0x61: {  	_ =	shalt  }
0x62: {  	_ =	shalt  }
0x63: {  	_ =	shalt  }
0x64: {  	_ =	shalt  }
0x65: {  	_ =	shalt  }
0x66: {  	_ =	shalt  }
0x67: {  	_ =	shalt  }
0x68: {  	_ =	shalt  }
0x69: {  	_ =	shalt  }
0x6a: {  	_ =	shalt  }
0x6b: {  	_ =	shalt  }
0x6c: {  	_ =	shalt  }
0x6d: {  	_ =	shalt  }
0x6e: {  	_ =	shalt  }
0x6f: {  	_ =	shalt  }
0x70: {  	_ =	shalt  }
0x71: {  	_ =	shalt  }
0x72: {  	_ =	shalt  }
0x73: {  	_ =	shalt  }
0x74: {  	_ =	shalt  }
0x75: {  	_ =	shalt  }
0x76: {  	_ =	shalt  }
0x77: {  	_ =	shalt  }
0x78: {  	_ =	shalt  }
0x79: {  	_ =	shalt  }
0x7a: {  	_ =	shalt  }
0x7b: {  	_ =	shalt  }
0x7c: {  	_ =	shalt  }
0x7d: {  	_ =	shalt  }
0x7e: {  	_ =	shalt  }
0x7f: {  	_ =	shalt  }
0x80: {  	_ =	shalt  }
0x81: {  	_ =	shalt  }
0x82: {  	_ =	shalt  }
0x83: {  	_ =	shalt  }
0x84: {  	_ =	shalt  }
0x85: {  	_ =	shalt  }
0x86: {  	_ =	shalt  }
0x87: {  	_ =	shalt  }
.Lfunc_end0:
.L_simem_size_0:
called_computation.3_lowered:
.L_overlay_start_0:
0x88: {  	s2 =	sld [smem:$0x3FD9]  }
0x89: {  	s3 =	sld [smem:$0x3FFE];
	_ =	sdelay $0x1  }
0x8a: {  	s1 =	srdreg.scid  }
0x8b: {  	s0 =	sand.u32 $0x1, s1  }
0x8c: {  	s16 =	sshll.u32 s0, $0xA;
	s2 =	sadd.s32 s3, s2  }
0x8d: {  	s2 =	sadd.s32 s2, s16  }
0x8e: {  	[smem:$0x3FB7] =	sst s2  }
0x8f: {  	_ = 	snop  }
0x90: {  	(tm) =	ssettm $0x1  }
0x91: {  	s17 =	sld [smem:$0x3FFB];
	_ =	sdelay $0x3  }
0x92: {  	_ =	strace s17  }
0x93: {  	s2 =	sld [smem:$0x3FFC];
	_ =	sdelay $0x3  }
0x94: {  	_ =	strace s2  }
0x95: {  	s2 =	sld [smem:$0x3FFD];
	_ =	sdelay $0x3  }
0x96: {  	_ =	strace s2  }
0x97: {  	_ =	strace $0x8FFFFFFF  }
0x98: {  	s18 =	sld [smem:$0x3FDB];
	_ =	sdelay $0x1  }
0x99: {  	s19 =	simm.s32 $_scs_section_size  }
0x9a: {  	s4 =	simm.s32 $_size__tile_overlayer_lowered;
	s5 =	simm.s32 $_tile_overlayer_lowered  }
0x9b: {  	s22 =	simm.s32 $0x1BFF;
	s21 =	sshll.u32 s5, $0x1;
	s2 =	sadd.s32 s19, s18  }
0x9c: {  	s6 =	simm.s32 $0x0;
	s20 =	sshll.u32 s4, $0x1;
	s4 =	sadd.s32 s21, s2  }
0x9d: {  	[timem:s6], [sflag:s22] =	dma.local [hbm:s4], s20  }
0x9e: {  	_ =	swait.ge [sflag:s22], s20  }
0x9f: {  	s3 =	ssub.s32 $0x0, s20;
	[sflag:s22] =	ssyncset.done $0x0  }
0xa0: {  	[sflag:s22] =	ssyncadd.s32 s3;
	_ =	sdelay $0x1  }
0xa1: {  	s23 =	simm.s32 $0x1B8B  }
0xa2: {  	_ =	swait.ge [sflag:s23], $0x1  }
0xa3: {  	[sflag:s23] =	ssyncset.done $0x0  }
0xa4: {  	s25 =	simm.s32 $0x1B8E;
	s24 =	sld [smem:$0x3FFE];
	[sflag:s23] =	ssyncadd.s32 $0xFFFFFFFF  }
0xa5: {  	s26 =	simm.s32 $execute0_lowered;
	[smem:$0x3FD2] =	sst s25  }
0xa6: {  	s4 =	sshll.u32 s26, $0x1;
	_ =	strace $0x8000004F;
	[dreg:$0x1] =	wrdreg $0xFFFFFFFF  }
0xa7: {  	s28 =	simm.s32 $_size_execute0_lowered;
	s2 =	sadd.s32 s2, s4;
	[dreg:$0x0] =	wrdreg $0x0  }
0xa8: {  	s4 =	sshll.u32 s28, $0x1;
	[dreg:$0x2] =	wrdreg s2  }
0xa9: {  	[dreg:$0x3] =	wrdreg s4  }
0xaa: {  	[dreg:$0x4] =	wrdreg $0xC0  }
0xab: {  	_ =	task [dreg:s6], $0x5FFFF  }
0xac: {  	[dreg:$0x1] =	wrdreg $0xFFFFFFFF  }
0xad: {  	[dreg:$0x0] =	wrdreg $0x60  }
0xae: {  	[dreg:$0x2] =	wrdreg s24  }
0xaf: {  	[dreg:$0x3] =	wrdreg $0x90000  }
0xb0: {  	[dreg:$0x4] =	wrdreg $0x12E000  }
0xb1: {  	[dreg:$0x5] =	wrdreg $0x9  }
0xb2: {  	_ =	task.clear_ibuf [dreg:s6], $0x6FFFF;
	_ =	strace $0x9000004F  }
0xb3: {  	s29 =	simm.s32 $0x9;
	_ =	strace $0x80000051  }
0xb4: {  	_ =	swait.ge [sflag:s29], $0x1  }
0xb5: {  	[sflag:s29] =	ssyncadd.s32 $0xFFFFFFFF  }
0xb6: {  	_ =	strace $0x90000051  }
0xb7: {  	_ =	sfence  }
0xb8: {  	s30 =	sld [smem:$0x0];
	_ =	sdelay $0x2  }
0xb9: {  	s31 =	sshll.u32 s1, $0xD;
	s1 =	sshrl.u32 s1, $0x2  }
0xba: {  	s3 =	sand.u32 $0x4000, s31;
	s1 =	sadd.s32 s1, s30  }
0xbb: {  	s0 =	sor.u32 s3, s0;
	s1 =	sshll.u32 s1, $0x11  }
0xbc: {  	s0 =	sor.u32 s1, s0  }
0xbd: {  	s0 =	sadd.s32 $0x8F2B, s0  }
0xbe: {  	[sflag:s0] =	ssyncadd.remote.s32 $0x1  }
0xbf: {  	_ =	sfence.sel $0xFFFF  }
0xc0: {  	[dreg:$0x0] =	wrdreg $0xFFFFFFFF;
	(pc) =	sbr.abs _section_cstart, $3  }
0xc1: {  	[dreg:$0x1] =	wrdreg $0xFFFFFFFF  }
0xc2: {  	_ =	task.clear_ibuf [dreg:s6], $0x2FFFF;
	_ =	strace $0x9FFFFFFF  }
0xc3: {  	(tm) =	ssettm $0x7FFFFFFF  }
tec
execute0_lowered:
.L_overlay_start_1:
0x0: {  	(tag) =	ssettag $0x1  }
0x1: {  	s6 =	rddreg [dreg:$0x0]  }
0x2: {  	s2 =	rddreg [dreg:$0x1]  }
0x3: {  	s0 =	srdreg.scid;
	s3 =	rddreg [dreg:$0x2]  }
0x4: {  	s4 =	simm.s32 $0x0;
	s17 =	simm.s32 $0x1;
	s18 =	simm.s32 $0x2  }
0x5: {  	s19 =	simm.s32 $0x3;
	s20 =	simm.s32 $0x4;
	s21 =	simm.s32 $0x80  }
0x6: {  	s22 =	simm.s32 $0x5000;
	s23 =	simm.s32 $0x7000;
	s24 =	simm.s32 $0x4F00  }
0x7: {  	s25 =	simm.s32 $0x4F80;
	s5 =	sand.u32 $0x1, s0;
	s0 =	stileid.u32  }
0x8: {  	s26 =	simm.s32 $0x5;
	s28 =	simm.s32 $0x0;
	s10 =	smul.u32 $0x9E00, s0  }
0x9: {  	[smem:$0x7FF] =	sst s4;
	s1 =	sshll.u32 s5, $0x4;
	s8 =	smul.u32 $0x13C0, s0  }
0xa: {  	s11 =	smul.u32 $0x13C00, s5;
	s5 =	ssub.s32 $0x2, s5;
	s1 =	sor.u32 s0, s1  }
0xb: {  	s31 =	sshrl.u32 s5, $0x1;
	s7 =	smul.u32 $0x500, s1;
	s1 =	rddreg [dreg:$0x3]  }
0xc: {  	s9 =	sshrl.u32 s10, $0x3;
	_ =	strace $0x80000050;
	s8 =	sadd.s32 s8, s11  }
0xd: {  	s13 =	ssub.s32 s5, s31;
	s14 =	sadd.s32 s10, s2;
	s16 =	sadd.s32 s10, s3  }
0xe: {  	s12 =	sadd.s32 s9, s6;
	s11 =	sadd.s32 s8, s6;
	s14 =	sshrl.u32 s14, $0x3  }
0xf: {  	s16 =	sshrl.u32 s16, $0x3;
	s7 =	sadd.s32 s7, s6;
	s8 =	sadd.s32 $0x3A200, s12  }
0x10: {  	s10 =	sadd.s32 $0x26600, s12;
	s11 =	sadd.s32 $0x4DE00, s11;
	s12 =	smax.u32 s13, $0x1  }
0x11: {  	s5 =	sadd.s32 $0x1C600, s7;
	s6 =	sadd.s32 $0x3800, s7;
	s7 =	sshll.u32 s0, $0x6  }
0x12: {  	s13 =	simm.s32 $0x2800;
	s9 =	sor.u32 $0x1C03, s7;
	s15 =	sor.u32 $0x1C04, s7  }
.LBB2_1:
0x13: {  	[tilespmem:s4], [sflag:$0x1] =	stream.linear.gather [hbm4b:s5+s4], $0x2800, $0x38;
	[tilespmem:$0x1CC00] =	vst v63  }
0x14: {  	_ = 	snop  }
0x15: {  	[tilespmem:s13], [sflag:$0x2] =	stream.linear.gather [hbm4b:s6+s4], $0x2800, $0x38;
	[tilespmem:$0x1CC00] =	vst v63  }
0x16: {  	[spmem:s14], [sflag:s9] =	dma.local [hbm:s8], $0x13C0  }
0x17: {  	[spmem:s16], [sflag:s15] =	dma.local [hbm:s10], $0x13C0  }
0x18: {  	_ =	swait.ge [sflag:s17], $0x2800  }
0x19: {  	[sflag:s17] =	ssyncset.done $0x0  }
0x1a: {  	[sflag:s17] =	ssyncadd.s32 $0xFFFFD800  }
0x1b: {  	_ =	swait.ge [sflag:s18], $0x2800  }
0x1c: {  	[sflag:s18] =	ssyncset.done $0x0  }
0x1d: {  	[sflag:s18] =	ssyncadd.s32 $0xFFFFD800  }
0x1e: {  	_ =	swait.ge [sflag:s19], $0x13C0  }
0x1f: {  	[sflag:s19] =	ssyncset.done $0x0  }
0x20: {  	[sflag:s19] =	ssyncadd.s32 $0xFFFFEC40  }
0x21: {  	_ =	swait.ge [sflag:s20], $0x13C0  }
0x22: {  	[sflag:s20] =	ssyncset.done $0x0  }
0x23: {  	[sflag:s20] =	ssyncadd.s32 $0xFFFFEC40  }
0x24: {  	[bflag:$0x0] =	sbarrier.arrive $0xFFFF  }
0x25: {  	[tilespmem:s22], [sflag:$0x1] =	stream.indirect.gather [spmem:s3], $0x40, s4, s21, $0xb8;
	[tilespmem:$0x1CC00] =	vst v63  }
0x26: {  	_ = 	snop  }
0x27: {  	[tilespmem:s23], [sflag:$0x2] =	stream.indirect.gather [spmem:s3], $0x40, s21, s21, $0xb8;
	[tilespmem:$0x1CC00] =	vst v63  }
0x28: {  	_ =	swait.ge [sflag:s17], $0x2000  }
0x29: {  	[sflag:s17] =	ssyncset.done $0x0  }
0x2a: {  	s29 =	simm.s32 $0x2800;
	[sflag:s17] =	ssyncadd.s32 $0xFFFFE000  }
0x2b: {  	[spmem:s2] =	stream.indirect.scatter.add.f32 [tilespmem:s22], [sflag:$0x3], $0x40, s29, s21, $0xb8;
	[tilespmem:$0x1CC00] =	vst v63  }
0x2c: {  	_ =	swait.ge [sflag:s18], $0x2000  }
0x2d: {  	[sflag:s18] =	ssyncset.done $0x0  }
0x2e: {  	s29 =	simm.s32 $0x2880;
	[sflag:s18] =	ssyncadd.s32 $0xFFFFE000  }
0x2f: {  	[spmem:s2] =	stream.indirect.scatter.add.f32 [tilespmem:s23], [sflag:$0x4], $0x40, s29, s21, $0xb8;
	[tilespmem:$0x1CC00] =	vst v63  }
0x30: {  	_ =	swait.ge [sflag:s19], $0x2000  }
0x31: {  	[sflag:s19] =	ssyncset.done $0x0  }
0x32: {  	s29 =	simm.s32 $0x100;
	[sflag:s19] =	ssyncadd.s32 $0xFFFFE000  }
0x33: {  	[tilespmem:s22], [sflag:$0x1] =	stream.indirect.gather [spmem:s3], $0x40, s29, s21, $0xb8;
	[tilespmem:$0x1CC00] =	vst v63  }
0x34: {  	_ =	swait.ge [sflag:s20], $0x2000  }
0x35: {  	[sflag:s20] =	ssyncset.done $0x0  }
0x36: {  	s30 =	simm.s32 $0x180;
	s29 =	simm.s32 $0x400;
	[sflag:s20] =	ssyncadd.s32 $0xFFFFE000  }
.LBB2_2:
0x37: {  	[tilespmem:s23], [sflag:$0x2] =	stream.indirect.gather [spmem:s3], $0x40, s30, s21, $0xb8;
	[tilespmem:$0x1CC00] =	vst v63  }
0x38: {  	s30 =	smov.u32 s29  }
0x39: {  	p0 =	sne.s32 s29, $0x9800;
	s29 =	sadd.s32 $0x400, s29;
	_ =	swait.ge [sflag:s17], $0x2000  }
0x3a: {  	s30 =	sshra.s32 s30, $0x2;
	[sflag:s17] =	ssyncset.done $0x0  }
0x3b: {  	s31 =	sadd.s32 $0x2800, s30;
	[sflag:s17] =	ssyncadd.s32 $0xFFFFE000  }
0x3c: {  	[spmem:s2] =	stream.indirect.scatter.add.f32 [tilespmem:s22], [sflag:$0x3], $0x40, s31, s21, $0xb8;
	[tilespmem:$0x1CC00] =	vst v63  }
0x3d: {  	_ =	swait.ge [sflag:s18], $0x2000  }
0x3e: {  	[sflag:s18] =	ssyncset.done $0x0  }
0x3f: {  	s31 =	sadd.s32 $0x2880, s30;
	[sflag:s18] =	ssyncadd.s32 $0xFFFFE000  }
0x40: {  	[spmem:s2] =	stream.indirect.scatter.add.f32 [tilespmem:s23], [sflag:$0x4], $0x40, s31, s21, $0xb8;
	[tilespmem:$0x1CC00] =	vst v63  }
0x41: {  	_ =	swait.ge [sflag:s19], $0x2000  }
0x42: {  	[sflag:s19] =	ssyncset.done $0x0  }
.Ltmp0:
0x43: {  	s31 =	sadd.s32 $0x100, s30;
	[sflag:s19] =	ssyncadd.s32 $0xFFFFE000;
	(pc) =	sbr.rel @p0 .LBB2_2-.Ltmp0, $4  }
0x44: {  	[tilespmem:s22], [sflag:$0x1] =	stream.indirect.gather [spmem:s3], $0x40, s31, s21, $0xb8;
	[tilespmem:$0x1CC00] =	vst v63  }
0x45: {  	_ =	swait.ge [sflag:s20], $0x2000  }
0x46: {  	[sflag:s20] =	ssyncset.done $0x0  }
0x47: {  	s30 =	sadd.s32 $0x180, s30;
	[sflag:s20] =	ssyncadd.s32 $0xFFFFE000  }
0x48: {  	[tilespmem:s23], [sflag:$0x2] =	stream.indirect.gather [spmem:s3], $0x40, s30, s21, $0xb8;
	[tilespmem:$0x1CC00] =	vst v63  }
0x49: {  	_ =	swait.ge [sflag:s17], $0x2000  }
0x4a: {  	[sflag:s17] =	ssyncset.done $0x0  }
0x4b: {  	[sflag:s17] =	ssyncadd.s32 $0xFFFFE000  }
0x4c: {  	[spmem:s2] =	stream.indirect.scatter.add.f32 [tilespmem:s22], [sflag:$0x3], $0x40, s24, s21, $0xb8;
	[tilespmem:$0x1CC00] =	vst v63  }
0x4d: {  	_ =	swait.ge [sflag:s18], $0x2000  }
0x4e: {  	[sflag:s18] =	ssyncset.done $0x0  }
0x4f: {  	[sflag:s18] =	ssyncadd.s32 $0xFFFFE000  }
0x50: {  	[spmem:s2] =	stream.indirect.scatter.add.f32 [tilespmem:s23], [sflag:$0x4], $0x40, s25, s21, $0xb8;
	[tilespmem:$0x1CC00] =	vst v63  }
0x51: {  	_ =	swait.ge [sflag:s19], $0x2000  }
0x52: {  	[sflag:s19] =	ssyncset.done $0x0  }
0x53: {  	[sflag:s19] =	ssyncadd.s32 $0xFFFFE000  }
0x54: {  	_ =	swait.ge [sflag:s20], $0x2000  }
0x55: {  	s28 =	sadd.s32 $0x1, s28;
	[sflag:s20] =	ssyncset.done $0x0  }
0x56: {  	p0 =	sne.s32 s28, s12;
	[sflag:s20] =	ssyncadd.s32 $0xFFFFE000  }
.Ltmp1:
0x57: {  	s29 =	sor.u32 $0x1C05, s7;
	[bflag:$0x0] =	sbarrier.arrive $0xFFFF;
	(pc) =	sbr.rel @p0 .LBB2_1-.Ltmp1, $4  }
0x58: {  	[hbm:s11], [sflag:s29] =	dma.local [spmem:s14], $0x13C0  }
0x59: {  	_ =	swait.ge [sflag:s26], $0x13C0  }
0x5a: {  	[sflag:s26] =	ssyncset.done $0x0  }
0x5b: {  	[sflag:s26] =	ssyncadd.s32 $0xFFFFEC40  }
0x5c: {  	_ =	sfence.sel $0x180000  }
0x5d: {  	[bflag:$0x0] =	sbarrier.arrive $0xFFFF  }
0x5e: {  	p0 =	sne.s32 s0, $0x0;
	_ =	strace $0x90000050  }
0x5f: {  	s0 =	sadd.s32 @!p0 $0x100000, s1;
	[bflag:$0x2] =	sbarrier.arrive $0xFFFF  }
0x60: {  	[sflag:s0] =	ssyncadd.tile.s32 @!p0 $0x1;
	_ =	shalt  }
.Lfunc_end2:
_tile_overlayer_lowered:
.L_overlay_start_2:
0x61: {  	(tag) =	ssettag $0x2  }
0x62: {  	s0 =	rddreg [dreg:$0x0];
	s2 =	stileid.u32  }
0x63: {  	s1 =	rddreg [dreg:$0x1];
	p0 =	sne.s32 s2, $0x0  }
0x64: {  	s3 =	rddreg [dreg:$0x2];
	[bflag:$0x3] =	sbarrier.arrive $0xFFFF;
	s2 =	simm.s32 @!p0 $0x1C05  }
0x65: {  	[timem:s3], [sflag:s2] =	dma.local @!p0 [hbm:s0], s1  }
0x66: {  	s0 =	simm.s32 @!p0 $0x5  }
0x67: {  	_ =	swait.ge @!p0 [sflag:s0], s1  }
0x68: {  	s1 =	ssub.s32 @!p0 $0x0, s1;
	[sflag:s0] =	ssyncset.done @!p0 $0x0  }
0x69: {  	[sflag:s0] =	ssyncadd.s32 @!p0 s1  }
0x6a: {  	[bflag:$0x3] =	sbarrier.arrive $0xFFFF  }
0x6b: {  	_ =	shalt  }

// kernel: kernel.26.cloned.1.call-start
scs
__scs_entry_jumppad:
0x0: {  	(pc) =	sbr.rel $0x88, $3  }
0x1: {  	(tag) =	ssettag $0x0;
	lr =	simm.s32 $0x1  }
0x2: {  	[smem:$0x3F90] =	sst lr;
	_ =	strace $0xD0000000  }
0x3: {  	_ = 	snop  }
0x4: {  	_ = 	snop  }
0x5: {  	_ = 	snop  }
0x6: {  	_ = 	snop  }
0x7: {  	_ = 	snop  }
__scs_overlays_trampoline_lowered:
0x8: {  	[smem:$0x3F9F] =	sst s0  }
0x9: {  	[smem:$0x3FA0] =	sst s1  }
0xa: {  	[smem:$0x3FA1] =	sst s2  }
0xb: {  	[smem:$0x3FA2] =	sst s3  }
0xc: {  	[smem:$0x3FA3] =	sst s4  }
0xd: {  	[smem:$0x3FA4] =	sst s5  }
0xe: {  	[smem:$0x3FA5] =	sst s6  }
0xf: {  	[smem:$0x3FA6] =	sst s7  }
0x10: {  	[smem:$0x3FA7] =	sst s8  }
0x11: {  	[smem:$0x3FA8] =	sst s9;
	s0 =	simm.s32 @!p0 $0x0  }
0x12: {  	s1 =	sld [smem:$0x3F8E];
	s0 =	simm.s32 @p0 $0x1  }
0x13: {  	[smem:$0x3FA9] =	sst s0;
	s0 =	simm.s32 @!p1 $0x0  }
0x14: {  	s2 =	sld [smem:$0x3F8D];
	s0 =	simm.s32 @p1 $0x1  }
0x15: {  	[smem:$0x3FAA] =	sst s0;
	s0 =	simm.s32 @!p2 $0x0  }
0x16: {  	s3 =	sld [smem:$0x3FDB];
	s0 =	simm.s32 @p2 $0x1  }
0x17: {  	s4 =	simm.s32 $0x1BF5;
	[smem:$0x3FAC] =	sst s0  }
0x18: {  	s0 =	sld [smem:$0x3F8F];
	_ =	swait.ge [sflag:s4], $0x0  }
0x19: {  	s7 =	sld [smem:$0x3F90]  }
0x1a: {  	s8 =	sadd.s32 $0xFFFFE003, lr  }
0x1b: {  	s9 =	sadd.s32 $0xFFFFFEF7, lr;
	s5 =	simm.s32 $0xFFFFFFFF;
	p2 =	slt.u32 s8, $0xFFFFF086  }
0x1c: {  	p1 =	slt.u32 s9, $0xF7A;
	s5 =	simm.s32 @!p2 $0x0  }
0x1d: {  	s5 =	simm.s32 @p1 $0x1;
	p0 =	seq.s32 s7, s2  }
0x1e: {  	s7 =	smul.u32 @!p0 $0xF7A, s2;
	p2 =	seq.s32 @!p0 s5, $0x0  }
0x1f: {  	s9 =	smul.u32 $0xF7A, s1;
	s8 =	simm.s32 @!p0 $0x1BF5;
	p2 =	por !p2, p0  }
0x20: {  	[sflag:s8] =	ssyncset.s32 @!p0 $0xFFFFF086;
	s6 =	sadd.s32 @!p0 s3, s7;
	s7 =	simm.s32 @!p0 $0x108  }
0x21: {  	s3 =	sadd.s32 s3, s9;
	s6 =	sadd.s32 @!p0 $0x88, s6;
	s7 =	simm.s32 @p2 $0x1082  }
0x22: {  	[simem:s7], [sflag:s8] =	dma.local @!p0 [hbm:s6], $0xF7A  }
0x23: {  	s9 =	sor.u32 $0xD0000000, s2;
	s6 =	simm.s32 $0x108;
	_ =	swait.ge @!p0 [sflag:s8], $0x0  }
0x24: {  	s3 =	sadd.s32 $0x88, s3;
	s6 =	simm.s32 @!p1 $0x1082;
	[sflag:s4] =	ssyncset.s32 $0xFFFFF086  }
0x25: {  	[simem:s6], [sflag:s4] =	dma.local [hbm:s3], $0xF7A  }
0x26: {  	[smem:$0x3F90] =	sst s1;
	(tag) =	ssettag s2;
	_ =	strace s9  }
0x27: {  	s1 =	sld [smem:$0x3FA0]  }
0x28: {  	s2 =	sld [smem:$0x3FA1]  }
0x29: {  	s4 =	sld [smem:$0x3FA3]  }
0x2a: {  	p0 =	seq.s32 s5, $0x0;
	s5 =	sld [smem:$0x3FA4]  }
0x2b: {  	s6 =	sld [smem:$0x3FA5]  }
0x2c: {  	s7 =	sld [smem:$0x3FA6]  }
0x2d: {  	s3 =	simm.s32 $0x108;
	s8 =	sld [smem:$0x3FA7]  }
0x2e: {  	s3 =	simm.s32 @!p0 $0x1082;
	s9 =	sld [smem:$0x3FA8]  }
0x2f: {  	lr =	sadd.s32 s0, s3;
	s0 =	sld [smem:$0x3F9F]  }
0x30: {  	s3 =	sld [smem:$0x3FA2]  }
0x31: {  	[smem:$0x3FAB] =	sst s10  }
0x32: {  	s10 =	sld [smem:$0x3FA9];
	_ =	sdelay $0x3  }
0x33: {  	p0 =	seq.s32 s10, $0x1;
	s10 =	sld [smem:$0x3FAB];
	_ =	sdelay $0x3  }
0x34: {  	[smem:$0x3FAB] =	sst s10  }
0x35: {  	s10 =	sld [smem:$0x3FAA];
	_ =	sdelay $0x3  }
0x36: {  	p1 =	seq.s32 s10, $0x1;
	s10 =	sld [smem:$0x3FAB];
	_ =	sdelay $0x3  }
0x37: {  	[smem:$0x3FAB] =	sst s10  }
0x38: {  	s10 =	sld [smem:$0x3FAC]  }
0x39: {  	_ = 	snop;
	(pc) =	sbr.ind lr, $3  }
0x3a: {  	_ = 	snop  }
0x3b: {  	_ = 	snop  }
0x3c: {  	p2 =	seq.s32 s10, $0x1;
	s10 =	sld [smem:$0x3FAB]  }
0x3d: {  	_ =	shalt  }
0x3e: {  	_ =	shalt  }
0x3f: {  	_ =	shalt  }
0x40: {  	_ =	shalt  }
0x41: {  	_ =	shalt  }
0x42: {  	_ =	shalt  }
0x43: {  	_ =	shalt  }
0x44: {  	_ =	shalt  }
0x45: {  	_ =	shalt  }
0x46: {  	_ =	shalt  }
0x47: {  	_ =	shalt  }
0x48: {  	_ =	shalt  }
0x49: {  	_ =	shalt  }
0x4a: {  	_ =	shalt  }
0x4b: {  	_ =	shalt  }
0x4c: {  	_ =	shalt  }
0x4d: {  	_ =	shalt  }
0x4e: {  	_ =	shalt  }
0x4f: {  	_ =	shalt  }
0x50: {  	_ =	shalt  }
0x51: {  	_ =	shalt  }
0x52: {  	_ =	shalt  }
0x53: {  	_ =	shalt  }
0x54: {  	_ =	shalt  }
0x55: {  	_ =	shalt  }
0x56: {  	_ =	shalt  }
0x57: {  	_ =	shalt  }
0x58: {  	_ =	shalt  }
0x59: {  	_ =	shalt  }
0x5a: {  	_ =	shalt  }
0x5b: {  	_ =	shalt  }
0x5c: {  	_ =	shalt  }
0x5d: {  	_ =	shalt  }
0x5e: {  	_ =	shalt  }
0x5f: {  	_ =	shalt  }
0x60: {  	_ =	shalt  }
0x61: {  	_ =	shalt  }
0x62: {  	_ =	shalt  }
0x63: {  	_ =	shalt  }
0x64: {  	_ =	shalt  }
0x65: {  	_ =	shalt  }
0x66: {  	_ =	shalt  }
0x67: {  	_ =	shalt  }
0x68: {  	_ =	shalt  }
0x69: {  	_ =	shalt  }
0x6a: {  	_ =	shalt  }
0x6b: {  	_ =	shalt  }
0x6c: {  	_ =	shalt  }
0x6d: {  	_ =	shalt  }
0x6e: {  	_ =	shalt  }
0x6f: {  	_ =	shalt  }
0x70: {  	_ =	shalt  }
0x71: {  	_ =	shalt  }
0x72: {  	_ =	shalt  }
0x73: {  	_ =	shalt  }
0x74: {  	_ =	shalt  }
0x75: {  	_ =	shalt  }
0x76: {  	_ =	shalt  }
0x77: {  	_ =	shalt  }
0x78: {  	_ =	shalt  }
0x79: {  	_ =	shalt  }
0x7a: {  	_ =	shalt  }
0x7b: {  	_ =	shalt  }
0x7c: {  	_ =	shalt  }
0x7d: {  	_ =	shalt  }
0x7e: {  	_ =	shalt  }
0x7f: {  	_ =	shalt  }
0x80: {  	_ =	shalt  }
0x81: {  	_ =	shalt  }
0x82: {  	_ =	shalt  }
0x83: {  	_ =	shalt  }
0x84: {  	_ =	shalt  }
0x85: {  	_ =	shalt  }
0x86: {  	_ =	shalt  }
0x87: {  	_ =	shalt  }
.Lfunc_end0:
.L_simem_size_0:
called_computation.4_lowered:
.L_overlay_start_0:
0x88: {  	s2 =	sld [smem:$0x3FD9]  }
0x89: {  	s3 =	sld [smem:$0x3FFE];
	_ =	sdelay $0x1  }
0x8a: {  	s1 =	srdreg.scid  }
0x8b: {  	s0 =	sand.u32 $0x1, s1  }
0x8c: {  	s16 =	sshll.u32 s0, $0xA;
	s2 =	sadd.s32 s3, s2  }
0x8d: {  	s2 =	sadd.s32 s2, s16  }
0x8e: {  	[smem:$0x3FB7] =	sst s2  }
0x8f: {  	_ = 	snop  }
0x90: {  	(tm) =	ssettm $0x1  }
0x91: {  	s17 =	sld [smem:$0x3FFB];
	_ =	sdelay $0x3  }
0x92: {  	_ =	strace s17  }
0x93: {  	s2 =	sld [smem:$0x3FFC];
	_ =	sdelay $0x3  }
0x94: {  	_ =	strace s2  }
0x95: {  	s2 =	sld [smem:$0x3FFD];
	_ =	sdelay $0x3  }
0x96: {  	_ =	strace s2  }
0x97: {  	_ =	strace $0x8FFFFFFF  }
0x98: {  	s18 =	sld [smem:$0x3FDB];
	_ =	sdelay $0x1  }
0x99: {  	s19 =	simm.s32 $_scs_section_size  }
0x9a: {  	s4 =	simm.s32 $_size__tile_overlayer_lowered;
	s5 =	simm.s32 $_tile_overlayer_lowered  }
0x9b: {  	s22 =	simm.s32 $0x1BFF;
	s21 =	sshll.u32 s5, $0x1;
	s2 =	sadd.s32 s19, s18  }
0x9c: {  	s6 =	simm.s32 $0x0;
	s20 =	sshll.u32 s4, $0x1;
	s4 =	sadd.s32 s21, s2  }
0x9d: {  	[timem:s6], [sflag:s22] =	dma.local [hbm:s4], s20  }
0x9e: {  	_ =	swait.ge [sflag:s22], s20  }
0x9f: {  	s3 =	ssub.s32 $0x0, s20;
	[sflag:s22] =	ssyncset.done $0x0  }
0xa0: {  	[sflag:s22] =	ssyncadd.s32 s3;
	_ =	sdelay $0x1  }
0xa1: {  	s23 =	simm.s32 $0x1B8B  }
0xa2: {  	_ =	swait.ge [sflag:s23], $0x1  }
0xa3: {  	[sflag:s23] =	ssyncset.done $0x0  }
0xa4: {  	s25 =	simm.s32 $0x1B8E;
	s24 =	sld [smem:$0x3FFE];
	[sflag:s23] =	ssyncadd.s32 $0xFFFFFFFF  }
0xa5: {  	s26 =	simm.s32 $execute0_lowered;
	[smem:$0x3FD2] =	sst s25  }
0xa6: {  	s4 =	sshll.u32 s26, $0x1;
	_ =	strace $0x80000052;
	[dreg:$0x1] =	wrdreg $0xFFFFFFFF  }
0xa7: {  	s28 =	simm.s32 $_size_execute0_lowered;
	s2 =	sadd.s32 s2, s4;
	[dreg:$0x0] =	wrdreg $0x0  }
0xa8: {  	s4 =	sshll.u32 s28, $0x1;
	[dreg:$0x2] =	wrdreg s2  }
0xa9: {  	[dreg:$0x3] =	wrdreg s4  }
0xaa: {  	[dreg:$0x4] =	wrdreg $0xC0  }
0xab: {  	_ =	task [dreg:s6], $0x5FFFF  }
0xac: {  	[dreg:$0x1] =	wrdreg $0xFFFFFFFF  }
0xad: {  	[dreg:$0x0] =	wrdreg $0x60  }
0xae: {  	[dreg:$0x2] =	wrdreg s24  }
0xaf: {  	[dreg:$0x3] =	wrdreg $0x90000  }
0xb0: {  	[dreg:$0x4] =	wrdreg $0x12E000  }
0xb1: {  	[dreg:$0x5] =	wrdreg $0x9  }
0xb2: {  	_ =	task.clear_ibuf [dreg:s6], $0x6FFFF;
	_ =	strace $0x90000052  }
0xb3: {  	s29 =	simm.s32 $0x9;
	_ =	strace $0x80000054  }
0xb4: {  	_ =	swait.ge [sflag:s29], $0x1  }
0xb5: {  	[sflag:s29] =	ssyncadd.s32 $0xFFFFFFFF  }
0xb6: {  	_ =	strace $0x90000054  }
0xb7: {  	_ =	sfence  }
0xb8: {  	s30 =	sld [smem:$0x0];
	_ =	sdelay $0x2  }
0xb9: {  	s31 =	sshll.u32 s1, $0xD;
	s1 =	sshrl.u32 s1, $0x2  }
0xba: {  	s3 =	sand.u32 $0x4000, s31;
	s1 =	sadd.s32 s1, s30  }
0xbb: {  	s0 =	sor.u32 s3, s0;
	s1 =	sshll.u32 s1, $0x11  }
0xbc: {  	s0 =	sor.u32 s1, s0  }
0xbd: {  	s0 =	sadd.s32 $0x8F2B, s0  }
0xbe: {  	[sflag:s0] =	ssyncadd.remote.s32 $0x1  }
0xbf: {  	_ =	sfence.sel $0xFFFF  }
0xc0: {  	[dreg:$0x0] =	wrdreg $0xFFFFFFFF;
	(pc) =	sbr.abs _section_cstart, $3  }
0xc1: {  	[dreg:$0x1] =	wrdreg $0xFFFFFFFF  }
0xc2: {  	_ =	task.clear_ibuf [dreg:s6], $0x2FFFF;
	_ =	strace $0x9FFFFFFF  }
0xc3: {  	(tm) =	ssettm $0x7FFFFFFF  }
tec
execute0_lowered:
.L_overlay_start_1:
0x0: {  	(tag) =	ssettag $0x1  }
0x1: {  	s6 =	rddreg [dreg:$0x0]  }
0x2: {  	s2 =	rddreg [dreg:$0x1]  }
0x3: {  	s0 =	srdreg.scid;
	s3 =	rddreg [dreg:$0x2]  }
0x4: {  	s4 =	simm.s32 $0x0;
	s17 =	simm.s32 $0x1;
	s18 =	simm.s32 $0x2  }
0x5: {  	s19 =	simm.s32 $0x3;
	s20 =	simm.s32 $0x4;
	s21 =	simm.s32 $0x80  }
0x6: {  	s22 =	simm.s32 $0x5000;
	s23 =	simm.s32 $0x7000;
	s24 =	simm.s32 $0x4F00  }
0x7: {  	s25 =	simm.s32 $0x4F80;
	s5 =	sand.u32 $0x1, s0;
	s0 =	stileid.u32  }
0x8: {  	s26 =	simm.s32 $0x5;
	s28 =	simm.s32 $0x0;
	s10 =	smul.u32 $0x9E00, s0  }
0x9: {  	[smem:$0x7FF] =	sst s4;
	s1 =	sshll.u32 s5, $0x4;
	s8 =	smul.u32 $0x13C0, s0  }
0xa: {  	s11 =	smul.u32 $0x13C00, s5;
	s5 =	ssub.s32 $0x2, s5;
	s1 =	sor.u32 s0, s1  }
0xb: {  	s31 =	sshrl.u32 s5, $0x1;
	s7 =	smul.u32 $0x500, s1;
	s1 =	rddreg [dreg:$0x3]  }
0xc: {  	s9 =	sshrl.u32 s10, $0x3;
	_ =	strace $0x80000053;
	s8 =	sadd.s32 s8, s11  }
0xd: {  	s13 =	ssub.s32 s5, s31;
	s14 =	sadd.s32 s10, s2;
	s16 =	sadd.s32 s10, s3  }
0xe: {  	s12 =	sadd.s32 s9, s6;
	s11 =	sadd.s32 s8, s6;
	s14 =	sshrl.u32 s14, $0x3  }
0xf: {  	s16 =	sshrl.u32 s16, $0x3;
	s7 =	sadd.s32 s7, s6;
	s8 =	sadd.s32 $0x3A200, s12  }
0x10: {  	s10 =	sadd.s32 $0x26600, s12;
	s11 =	sadd.s32 $0x4DE00, s11;
	s12 =	smax.u32 s13, $0x1  }
0x11: {  	s5 =	sadd.s32 $0x1C600, s7;
	s6 =	sadd.s32 $0x3800, s7;
	s7 =	sshll.u32 s0, $0x6  }
0x12: {  	s13 =	simm.s32 $0x2800;
	s9 =	sor.u32 $0x1C03, s7;
	s15 =	sor.u32 $0x1C04, s7  }
.LBB2_1:
0x13: {  	[tilespmem:s4], [sflag:$0x1] =	stream.linear.gather [hbm4b:s5+s4], $0x2800, $0x38;
	[tilespmem:$0x1CC00] =	vst v63  }
0x14: {  	_ = 	snop  }
0x15: {  	[tilespmem:s13], [sflag:$0x2] =	stream.linear.gather [hbm4b:s6+s4], $0x2800, $0x38;
	[tilespmem:$0x1CC00] =	vst v63  }
0x16: {  	[spmem:s14], [sflag:s9] =	dma.local [hbm:s8], $0x13C0  }
0x17: {  	[spmem:s16], [sflag:s15] =	dma.local [hbm:s10], $0x13C0  }
0x18: {  	_ =	swait.ge [sflag:s17], $0x2800  }
0x19: {  	[sflag:s17] =	ssyncset.done $0x0  }
0x1a: {  	[sflag:s17] =	ssyncadd.s32 $0xFFFFD800  }
0x1b: {  	_ =	swait.ge [sflag:s18], $0x2800  }
0x1c: {  	[sflag:s18] =	ssyncset.done $0x0  }
0x1d: {  	[sflag:s18] =	ssyncadd.s32 $0xFFFFD800  }
0x1e: {  	_ =	swait.ge [sflag:s19], $0x13C0  }
0x1f: {  	[sflag:s19] =	ssyncset.done $0x0  }
0x20: {  	[sflag:s19] =	ssyncadd.s32 $0xFFFFEC40  }
0x21: {  	_ =	swait.ge [sflag:s20], $0x13C0  }
0x22: {  	[sflag:s20] =	ssyncset.done $0x0  }
0x23: {  	[sflag:s20] =	ssyncadd.s32 $0xFFFFEC40  }
0x24: {  	[bflag:$0x0] =	sbarrier.arrive $0xFFFF  }
0x25: {  	[tilespmem:s22], [sflag:$0x1] =	stream.indirect.gather [spmem:s3], $0x40, s4, s21, $0xb8;
	[tilespmem:$0x1CC00] =	vst v63  }
0x26: {  	_ = 	snop  }
0x27: {  	[tilespmem:s23], [sflag:$0x2] =	stream.indirect.gather [spmem:s3], $0x40, s21, s21, $0xb8;
	[tilespmem:$0x1CC00] =	vst v63  }
0x28: {  	_ =	swait.ge [sflag:s17], $0x2000  }
0x29: {  	[sflag:s17] =	ssyncset.done $0x0  }
0x2a: {  	s29 =	simm.s32 $0x2800;
	[sflag:s17] =	ssyncadd.s32 $0xFFFFE000  }
0x2b: {  	[spmem:s2] =	stream.indirect.scatter.add.f32 [tilespmem:s22], [sflag:$0x3], $0x40, s29, s21, $0xb8;
	[tilespmem:$0x1CC00] =	vst v63  }
0x2c: {  	_ =	swait.ge [sflag:s18], $0x2000  }
0x2d: {  	[sflag:s18] =	ssyncset.done $0x0  }
0x2e: {  	s29 =	simm.s32 $0x2880;
	[sflag:s18] =	ssyncadd.s32 $0xFFFFE000  }
0x2f: {  	[spmem:s2] =	stream.indirect.scatter.add.f32 [tilespmem:s23], [sflag:$0x4], $0x40, s29, s21, $0xb8;
	[tilespmem:$0x1CC00] =	vst v63  }
0x30: {  	_ =	swait.ge [sflag:s19], $0x2000  }
0x31: {  	[sflag:s19] =	ssyncset.done $0x0  }
0x32: {  	s29 =	simm.s32 $0x100;
	[sflag:s19] =	ssyncadd.s32 $0xFFFFE000  }
0x33: {  	[tilespmem:s22], [sflag:$0x1] =	stream.indirect.gather [spmem:s3], $0x40, s29, s21, $0xb8;
	[tilespmem:$0x1CC00] =	vst v63  }
0x34: {  	_ =	swait.ge [sflag:s20], $0x2000  }
0x35: {  	[sflag:s20] =	ssyncset.done $0x0  }
0x36: {  	s30 =	simm.s32 $0x180;
	s29 =	simm.s32 $0x400;
	[sflag:s20] =	ssyncadd.s32 $0xFFFFE000  }
.LBB2_2:
0x37: {  	[tilespmem:s23], [sflag:$0x2] =	stream.indirect.gather [spmem:s3], $0x40, s30, s21, $0xb8;
	[tilespmem:$0x1CC00] =	vst v63  }
0x38: {  	s30 =	smov.u32 s29  }
0x39: {  	p0 =	sne.s32 s29, $0x9800;
	s29 =	sadd.s32 $0x400, s29;
	_ =	swait.ge [sflag:s17], $0x2000  }
0x3a: {  	s30 =	sshra.s32 s30, $0x2;
	[sflag:s17] =	ssyncset.done $0x0  }
0x3b: {  	s31 =	sadd.s32 $0x2800, s30;
	[sflag:s17] =	ssyncadd.s32 $0xFFFFE000  }
0x3c: {  	[spmem:s2] =	stream.indirect.scatter.add.f32 [tilespmem:s22], [sflag:$0x3], $0x40, s31, s21, $0xb8;
	[tilespmem:$0x1CC00] =	vst v63  }
0x3d: {  	_ =	swait.ge [sflag:s18], $0x2000  }
0x3e: {  	[sflag:s18] =	ssyncset.done $0x0  }
0x3f: {  	s31 =	sadd.s32 $0x2880, s30;
	[sflag:s18] =	ssyncadd.s32 $0xFFFFE000  }
0x40: {  	[spmem:s2] =	stream.indirect.scatter.add.f32 [tilespmem:s23], [sflag:$0x4], $0x40, s31, s21, $0xb8;
	[tilespmem:$0x1CC00] =	vst v63  }
0x41: {  	_ =	swait.ge [sflag:s19], $0x2000  }
0x42: {  	[sflag:s19] =	ssyncset.done $0x0  }
.Ltmp0:
0x43: {  	s31 =	sadd.s32 $0x100, s30;
	[sflag:s19] =	ssyncadd.s32 $0xFFFFE000;
	(pc) =	sbr.rel @p0 .LBB2_2-.Ltmp0, $4  }
0x44: {  	[tilespmem:s22], [sflag:$0x1] =	stream.indirect.gather [spmem:s3], $0x40, s31, s21, $0xb8;
	[tilespmem:$0x1CC00] =	vst v63  }
0x45: {  	_ =	swait.ge [sflag:s20], $0x2000  }
0x46: {  	[sflag:s20] =	ssyncset.done $0x0  }
0x47: {  	s30 =	sadd.s32 $0x180, s30;
	[sflag:s20] =	ssyncadd.s32 $0xFFFFE000  }
0x48: {  	[tilespmem:s23], [sflag:$0x2] =	stream.indirect.gather [spmem:s3], $0x40, s30, s21, $0xb8;
	[tilespmem:$0x1CC00] =	vst v63  }
0x49: {  	_ =	swait.ge [sflag:s17], $0x2000  }
0x4a: {  	[sflag:s17] =	ssyncset.done $0x0  }
0x4b: {  	[sflag:s17] =	ssyncadd.s32 $0xFFFFE000  }
0x4c: {  	[spmem:s2] =	stream.indirect.scatter.add.f32 [tilespmem:s22], [sflag:$0x3], $0x40, s24, s21, $0xb8;
	[tilespmem:$0x1CC00] =	vst v63  }
0x4d: {  	_ =	swait.ge [sflag:s18], $0x2000  }
0x4e: {  	[sflag:s18] =	ssyncset.done $0x0  }
0x4f: {  	[sflag:s18] =	ssyncadd.s32 $0xFFFFE000  }
0x50: {  	[spmem:s2] =	stream.indirect.scatter.add.f32 [tilespmem:s23], [sflag:$0x4], $0x40, s25, s21, $0xb8;
	[tilespmem:$0x1CC00] =	vst v63  }
0x51: {  	_ =	swait.ge [sflag:s19], $0x2000  }
0x52: {  	[sflag:s19] =	ssyncset.done $0x0  }
0x53: {  	[sflag:s19] =	ssyncadd.s32 $0xFFFFE000  }
0x54: {  	_ =	swait.ge [sflag:s20], $0x2000  }
0x55: {  	s28 =	sadd.s32 $0x1, s28;
	[sflag:s20] =	ssyncset.done $0x0  }
0x56: {  	p0 =	sne.s32 s28, s12;
	[sflag:s20] =	ssyncadd.s32 $0xFFFFE000  }
.Ltmp1:
0x57: {  	s29 =	sor.u32 $0x1C05, s7;
	[bflag:$0x0] =	sbarrier.arrive $0xFFFF;
	(pc) =	sbr.rel @p0 .LBB2_1-.Ltmp1, $4  }
0x58: {  	[hbm:s11], [sflag:s29] =	dma.local [spmem:s14], $0x13C0  }
0x59: {  	_ =	swait.ge [sflag:s26], $0x13C0  }
0x5a: {  	[sflag:s26] =	ssyncset.done $0x0  }
0x5b: {  	[sflag:s26] =	ssyncadd.s32 $0xFFFFEC40  }
0x5c: {  	_ =	sfence.sel $0x180000  }
0x5d: {  	[bflag:$0x0] =	sbarrier.arrive $0xFFFF  }
0x5e: {  	p0 =	sne.s32 s0, $0x0;
	_ =	strace $0x90000053  }
0x5f: {  	s0 =	sadd.s32 @!p0 $0x100000, s1;
	[bflag:$0x2] =	sbarrier.arrive $0xFFFF  }
0x60: {  	[sflag:s0] =	ssyncadd.tile.s32 @!p0 $0x1;
	_ =	shalt  }
.Lfunc_end2:
_tile_overlayer_lowered:
.L_overlay_start_2:
0x61: {  	(tag) =	ssettag $0x2  }
0x62: {  	s0 =	rddreg [dreg:$0x0];
	s2 =	stileid.u32  }
0x63: {  	s1 =	rddreg [dreg:$0x1];
	p0 =	sne.s32 s2, $0x0  }
0x64: {  	s3 =	rddreg [dreg:$0x2];
	[bflag:$0x3] =	sbarrier.arrive $0xFFFF;
	s2 =	simm.s32 @!p0 $0x1C05  }
0x65: {  	[timem:s3], [sflag:s2] =	dma.local @!p0 [hbm:s0], s1  }
0x66: {  	s0 =	simm.s32 @!p0 $0x5  }
0x67: {  	_ =	swait.ge @!p0 [sflag:s0], s1  }
0x68: {  	s1 =	ssub.s32 @!p0 $0x0, s1;
	[sflag:s0] =	ssyncset.done @!p0 $0x0  }
0x69: {  	[sflag:s0] =	ssyncadd.s32 @!p0 s1  }
0x6a: {  	[bflag:$0x3] =	sbarrier.arrive $0xFFFF  }
0x6b: {  	_ =	shalt  }

// kernel: kernel.29.cloned.1.call-start
scs
__scs_entry_jumppad:
0x0: {  	(pc) =	sbr.rel $0x88, $3  }
0x1: {  	(tag) =	ssettag $0x0;
	lr =	simm.s32 $0x1  }
0x2: {  	[smem:$0x3F90] =	sst lr;
	_ =	strace $0xD0000000  }
0x3: {  	_ = 	snop  }
0x4: {  	_ = 	snop  }
0x5: {  	_ = 	snop  }
0x6: {  	_ = 	snop  }
0x7: {  	_ = 	snop  }
__scs_overlays_trampoline_lowered:
0x8: {  	[smem:$0x3F9F] =	sst s0  }
0x9: {  	[smem:$0x3FA0] =	sst s1  }
0xa: {  	[smem:$0x3FA1] =	sst s2  }
0xb: {  	[smem:$0x3FA2] =	sst s3  }
0xc: {  	[smem:$0x3FA3] =	sst s4  }
0xd: {  	[smem:$0x3FA4] =	sst s5  }
0xe: {  	[smem:$0x3FA5] =	sst s6  }
0xf: {  	[smem:$0x3FA6] =	sst s7  }
0x10: {  	[smem:$0x3FA7] =	sst s8  }
0x11: {  	[smem:$0x3FA8] =	sst s9;
	s0 =	simm.s32 @!p0 $0x0  }
0x12: {  	s1 =	sld [smem:$0x3F8E];
	s0 =	simm.s32 @p0 $0x1  }
0x13: {  	[smem:$0x3FA9] =	sst s0;
	s0 =	simm.s32 @!p1 $0x0  }
0x14: {  	s2 =	sld [smem:$0x3F8D];
	s0 =	simm.s32 @p1 $0x1  }
0x15: {  	[smem:$0x3FAA] =	sst s0;
	s0 =	simm.s32 @!p2 $0x0  }
0x16: {  	s3 =	sld [smem:$0x3FDB];
	s0 =	simm.s32 @p2 $0x1  }
0x17: {  	s4 =	simm.s32 $0x1BF5;
	[smem:$0x3FAC] =	sst s0  }
0x18: {  	s0 =	sld [smem:$0x3F8F];
	_ =	swait.ge [sflag:s4], $0x0  }
0x19: {  	s7 =	sld [smem:$0x3F90]  }
0x1a: {  	s8 =	sadd.s32 $0xFFFFE003, lr  }
0x1b: {  	s9 =	sadd.s32 $0xFFFFFEF7, lr;
	s5 =	simm.s32 $0xFFFFFFFF;
	p2 =	slt.u32 s8, $0xFFFFF086  }
0x1c: {  	p1 =	slt.u32 s9, $0xF7A;
	s5 =	simm.s32 @!p2 $0x0  }
0x1d: {  	s5 =	simm.s32 @p1 $0x1;
	p0 =	seq.s32 s7, s2  }
0x1e: {  	s7 =	smul.u32 @!p0 $0xF7A, s2;
	p2 =	seq.s32 @!p0 s5, $0x0  }
0x1f: {  	s9 =	smul.u32 $0xF7A, s1;
	s8 =	simm.s32 @!p0 $0x1BF5;
	p2 =	por !p2, p0  }
0x20: {  	[sflag:s8] =	ssyncset.s32 @!p0 $0xFFFFF086;
	s6 =	sadd.s32 @!p0 s3, s7;
	s7 =	simm.s32 @!p0 $0x108  }
0x21: {  	s3 =	sadd.s32 s3, s9;
	s6 =	sadd.s32 @!p0 $0x88, s6;
	s7 =	simm.s32 @p2 $0x1082  }
0x22: {  	[simem:s7], [sflag:s8] =	dma.local @!p0 [hbm:s6], $0xF7A  }
0x23: {  	s9 =	sor.u32 $0xD0000000, s2;
	s6 =	simm.s32 $0x108;
	_ =	swait.ge @!p0 [sflag:s8], $0x0  }
0x24: {  	s3 =	sadd.s32 $0x88, s3;
	s6 =	simm.s32 @!p1 $0x1082;
	[sflag:s4] =	ssyncset.s32 $0xFFFFF086  }
0x25: {  	[simem:s6], [sflag:s4] =	dma.local [hbm:s3], $0xF7A  }
0x26: {  	[smem:$0x3F90] =	sst s1;
	(tag) =	ssettag s2;
	_ =	strace s9  }
0x27: {  	s1 =	sld [smem:$0x3FA0]  }
0x28: {  	s2 =	sld [smem:$0x3FA1]  }
0x29: {  	s4 =	sld [smem:$0x3FA3]  }
0x2a: {  	p0 =	seq.s32 s5, $0x0;
	s5 =	sld [smem:$0x3FA4]  }
0x2b: {  	s6 =	sld [smem:$0x3FA5]  }
0x2c: {  	s7 =	sld [smem:$0x3FA6]  }
0x2d: {  	s3 =	simm.s32 $0x108;
	s8 =	sld [smem:$0x3FA7]  }
0x2e: {  	s3 =	simm.s32 @!p0 $0x1082;
	s9 =	sld [smem:$0x3FA8]  }
0x2f: {  	lr =	sadd.s32 s0, s3;
	s0 =	sld [smem:$0x3F9F]  }
0x30: {  	s3 =	sld [smem:$0x3FA2]  }
0x31: {  	[smem:$0x3FAB] =	sst s10  }
0x32: {  	s10 =	sld [smem:$0x3FA9];
	_ =	sdelay $0x3  }
0x33: {  	p0 =	seq.s32 s10, $0x1;
	s10 =	sld [smem:$0x3FAB];
	_ =	sdelay $0x3  }
0x34: {  	[smem:$0x3FAB] =	sst s10  }
0x35: {  	s10 =	sld [smem:$0x3FAA];
	_ =	sdelay $0x3  }
0x36: {  	p1 =	seq.s32 s10, $0x1;
	s10 =	sld [smem:$0x3FAB];
	_ =	sdelay $0x3  }
0x37: {  	[smem:$0x3FAB] =	sst s10  }
0x38: {  	s10 =	sld [smem:$0x3FAC]  }
0x39: {  	_ = 	snop;
	(pc) =	sbr.ind lr, $3  }
0x3a: {  	_ = 	snop  }
0x3b: {  	_ = 	snop  }
0x3c: {  	p2 =	seq.s32 s10, $0x1;
	s10 =	sld [smem:$0x3FAB]  }
0x3d: {  	_ =	shalt  }
0x3e: {  	_ =	shalt  }
0x3f: {  	_ =	shalt  }
0x40: {  	_ =	shalt  }
0x41: {  	_ =	shalt  }
0x42: {  	_ =	shalt  }
0x43: {  	_ =	shalt  }
0x44: {  	_ =	shalt  }
0x45: {  	_ =	shalt  }
0x46: {  	_ =	shalt  }
0x47: {  	_ =	shalt  }
0x48: {  	_ =	shalt  }
0x49: {  	_ =	shalt  }
0x4a: {  	_ =	shalt  }
0x4b: {  	_ =	shalt  }
0x4c: {  	_ =	shalt  }
0x4d: {  	_ =	shalt  }
0x4e: {  	_ =	shalt  }
0x4f: {  	_ =	shalt  }
0x50: {  	_ =	shalt  }
0x51: {  	_ =	shalt  }
0x52: {  	_ =	shalt  }
0x53: {  	_ =	shalt  }
0x54: {  	_ =	shalt  }
0x55: {  	_ =	shalt  }
0x56: {  	_ =	shalt  }
0x57: {  	_ =	shalt  }
0x58: {  	_ =	shalt  }
0x59: {  	_ =	shalt  }
0x5a: {  	_ =	shalt  }
0x5b: {  	_ =	shalt  }
0x5c: {  	_ =	shalt  }
0x5d: {  	_ =	shalt  }
0x5e: {  	_ =	shalt  }
0x5f: {  	_ =	shalt  }
0x60: {  	_ =	shalt  }
0x61: {  	_ =	shalt  }
0x62: {  	_ =	shalt  }
0x63: {  	_ =	shalt  }
0x64: {  	_ =	shalt  }
0x65: {  	_ =	shalt  }
0x66: {  	_ =	shalt  }
0x67: {  	_ =	shalt  }
0x68: {  	_ =	shalt  }
0x69: {  	_ =	shalt  }
0x6a: {  	_ =	shalt  }
0x6b: {  	_ =	shalt  }
0x6c: {  	_ =	shalt  }
0x6d: {  	_ =	shalt  }
0x6e: {  	_ =	shalt  }
0x6f: {  	_ =	shalt  }
0x70: {  	_ =	shalt  }
0x71: {  	_ =	shalt  }
0x72: {  	_ =	shalt  }
0x73: {  	_ =	shalt  }
0x74: {  	_ =	shalt  }
0x75: {  	_ =	shalt  }
0x76: {  	_ =	shalt  }
0x77: {  	_ =	shalt  }
0x78: {  	_ =	shalt  }
0x79: {  	_ =	shalt  }
0x7a: {  	_ =	shalt  }
0x7b: {  	_ =	shalt  }
0x7c: {  	_ =	shalt  }
0x7d: {  	_ =	shalt  }
0x7e: {  	_ =	shalt  }
0x7f: {  	_ =	shalt  }
0x80: {  	_ =	shalt  }
0x81: {  	_ =	shalt  }
0x82: {  	_ =	shalt  }
0x83: {  	_ =	shalt  }
0x84: {  	_ =	shalt  }
0x85: {  	_ =	shalt  }
0x86: {  	_ =	shalt  }
0x87: {  	_ =	shalt  }
.Lfunc_end0:
.L_simem_size_0:
called_computation.5_lowered:
.L_overlay_start_0:
0x88: {  	s2 =	sld [smem:$0x3FD9]  }
0x89: {  	s3 =	sld [smem:$0x3FFE];
	_ =	sdelay $0x1  }
0x8a: {  	s1 =	srdreg.scid  }
0x8b: {  	s0 =	sand.u32 $0x1, s1  }
0x8c: {  	s16 =	sshll.u32 s0, $0xA;
	s2 =	sadd.s32 s3, s2  }
0x8d: {  	s2 =	sadd.s32 s2, s16  }
0x8e: {  	[smem:$0x3FB7] =	sst s2  }
0x8f: {  	_ = 	snop  }
0x90: {  	(tm) =	ssettm $0x1  }
0x91: {  	s17 =	sld [smem:$0x3FFB];
	_ =	sdelay $0x3  }
0x92: {  	_ =	strace s17  }
0x93: {  	s2 =	sld [smem:$0x3FFC];
	_ =	sdelay $0x3  }
0x94: {  	_ =	strace s2  }
0x95: {  	s2 =	sld [smem:$0x3FFD];
	_ =	sdelay $0x3  }
0x96: {  	_ =	strace s2  }
0x97: {  	_ =	strace $0x8FFFFFFF  }
0x98: {  	s18 =	sld [smem:$0x3FDB];
	_ =	sdelay $0x1  }
0x99: {  	s19 =	simm.s32 $_scs_section_size  }
0x9a: {  	s4 =	simm.s32 $_size__tile_overlayer_lowered;
	s5 =	simm.s32 $_tile_overlayer_lowered  }
0x9b: {  	s22 =	simm.s32 $0x1BFF;
	s21 =	sshll.u32 s5, $0x1;
	s2 =	sadd.s32 s19, s18  }
0x9c: {  	s6 =	simm.s32 $0x0;
	s20 =	sshll.u32 s4, $0x1;
	s4 =	sadd.s32 s21, s2  }
0x9d: {  	[timem:s6], [sflag:s22] =	dma.local [hbm:s4], s20  }
0x9e: {  	_ =	swait.ge [sflag:s22], s20  }
0x9f: {  	s3 =	ssub.s32 $0x0, s20;
	[sflag:s22] =	ssyncset.done $0x0  }
0xa0: {  	[sflag:s22] =	ssyncadd.s32 s3;
	_ =	sdelay $0x1  }
0xa1: {  	s23 =	simm.s32 $0x1B8B  }
0xa2: {  	_ =	swait.ge [sflag:s23], $0x1  }
0xa3: {  	[sflag:s23] =	ssyncset.done $0x0  }
0xa4: {  	s25 =	simm.s32 $0x1B8E;
	s24 =	sld [smem:$0x3FFE];
	[sflag:s23] =	ssyncadd.s32 $0xFFFFFFFF  }
0xa5: {  	s26 =	simm.s32 $execute0_lowered;
	[smem:$0x3FD2] =	sst s25  }
0xa6: {  	s4 =	sshll.u32 s26, $0x1;
	_ =	strace $0x80000055;
	[dreg:$0x1] =	wrdreg $0xFFFFFFFF  }
0xa7: {  	s28 =	simm.s32 $_size_execute0_lowered;
	s2 =	sadd.s32 s2, s4;
	[dreg:$0x0] =	wrdreg $0x0  }
0xa8: {  	s4 =	sshll.u32 s28, $0x1;
	[dreg:$0x2] =	wrdreg s2  }
0xa9: {  	[dreg:$0x3] =	wrdreg s4  }
0xaa: {  	[dreg:$0x4] =	wrdreg $0xC0  }
0xab: {  	_ =	task [dreg:s6], $0x5FFFF  }
0xac: {  	[dreg:$0x1] =	wrdreg $0xFFFFFFFF  }
0xad: {  	[dreg:$0x0] =	wrdreg $0x60  }
0xae: {  	[dreg:$0x2] =	wrdreg s24  }
0xaf: {  	[dreg:$0x3] =	wrdreg $0x90000  }
0xb0: {  	[dreg:$0x4] =	wrdreg $0x12E000  }
0xb1: {  	[dreg:$0x5] =	wrdreg $0x9  }
0xb2: {  	_ =	task.clear_ibuf [dreg:s6], $0x6FFFF;
	_ =	strace $0x90000055  }
0xb3: {  	s29 =	simm.s32 $0x9;
	_ =	strace $0x80000057  }
0xb4: {  	_ =	swait.ge [sflag:s29], $0x1  }
0xb5: {  	[sflag:s29] =	ssyncadd.s32 $0xFFFFFFFF  }
0xb6: {  	_ =	strace $0x90000057  }
0xb7: {  	_ =	sfence  }
0xb8: {  	s30 =	sld [smem:$0x0];
	_ =	sdelay $0x2  }
0xb9: {  	s31 =	sshll.u32 s1, $0xD;
	s1 =	sshrl.u32 s1, $0x2  }
0xba: {  	s3 =	sand.u32 $0x4000, s31;
	s1 =	sadd.s32 s1, s30  }
0xbb: {  	s0 =	sor.u32 s3, s0;
	s1 =	sshll.u32 s1, $0x11  }
0xbc: {  	s0 =	sor.u32 s1, s0  }
0xbd: {  	s0 =	sadd.s32 $0x8F2B, s0  }
0xbe: {  	[sflag:s0] =	ssyncadd.remote.s32 $0x1  }
0xbf: {  	_ =	sfence.sel $0xFFFF  }
0xc0: {  	[dreg:$0x0] =	wrdreg $0xFFFFFFFF;
	(pc) =	sbr.abs _section_cstart, $3  }
0xc1: {  	[dreg:$0x1] =	wrdreg $0xFFFFFFFF  }
0xc2: {  	_ =	task.clear_ibuf [dreg:s6], $0x2FFFF;
	_ =	strace $0x9FFFFFFF  }
0xc3: {  	(tm) =	ssettm $0x7FFFFFFF  }
tec
execute0_lowered:
.L_overlay_start_1:
0x0: {  	(tag) =	ssettag $0x1  }
0x1: {  	s6 =	rddreg [dreg:$0x0]  }
0x2: {  	s2 =	rddreg [dreg:$0x1]  }
0x3: {  	s0 =	srdreg.scid;
	s3 =	rddreg [dreg:$0x2]  }
0x4: {  	s4 =	simm.s32 $0x0;
	s17 =	simm.s32 $0x1;
	s18 =	simm.s32 $0x2  }
0x5: {  	s19 =	simm.s32 $0x3;
	s20 =	simm.s32 $0x4;
	s21 =	simm.s32 $0x80  }
0x6: {  	s22 =	simm.s32 $0x5000;
	s23 =	simm.s32 $0x7000;
	s24 =	simm.s32 $0x4F00  }
0x7: {  	s25 =	simm.s32 $0x4F80;
	s5 =	sand.u32 $0x1, s0;
	s0 =	stileid.u32  }
0x8: {  	s26 =	simm.s32 $0x5;
	s28 =	simm.s32 $0x0;
	s10 =	smul.u32 $0x9E00, s0  }
0x9: {  	[smem:$0x7FF] =	sst s4;
	s1 =	sshll.u32 s5, $0x4;
	s8 =	smul.u32 $0x13C0, s0  }
0xa: {  	s11 =	smul.u32 $0x13C00, s5;
	s5 =	ssub.s32 $0x2, s5;
	s1 =	sor.u32 s0, s1  }
0xb: {  	s31 =	sshrl.u32 s5, $0x1;
	s7 =	smul.u32 $0x500, s1;
	s1 =	rddreg [dreg:$0x3]  }
0xc: {  	s9 =	sshrl.u32 s10, $0x3;
	_ =	strace $0x80000056;
	s8 =	sadd.s32 s8, s11  }
0xd: {  	s13 =	ssub.s32 s5, s31;
	s14 =	sadd.s32 s10, s2;
	s16 =	sadd.s32 s10, s3  }
0xe: {  	s12 =	sadd.s32 s9, s6;
	s11 =	sadd.s32 s8, s6;
	s14 =	sshrl.u32 s14, $0x3  }
0xf: {  	s16 =	sshrl.u32 s16, $0x3;
	s7 =	sadd.s32 s7, s6;
	s8 =	sadd.s32 $0x3A200, s12  }
0x10: {  	s10 =	sadd.s32 $0x26600, s12;
	s11 =	sadd.s32 $0x4DE00, s11;
	s12 =	smax.u32 s13, $0x1  }
0x11: {  	s5 =	sadd.s32 $0x1C600, s7;
	s6 =	sadd.s32 $0x3800, s7;
	s7 =	sshll.u32 s0, $0x6  }
0x12: {  	s13 =	simm.s32 $0x2800;
	s9 =	sor.u32 $0x1C03, s7;
	s15 =	sor.u32 $0x1C04, s7  }
.LBB2_1:
0x13: {  	[tilespmem:s4], [sflag:$0x1] =	stream.linear.gather [hbm4b:s5+s4], $0x2800, $0x38;
	[tilespmem:$0x1CC00] =	vst v63  }
0x14: {  	_ = 	snop  }
0x15: {  	[tilespmem:s13], [sflag:$0x2] =	stream.linear.gather [hbm4b:s6+s4], $0x2800, $0x38;
	[tilespmem:$0x1CC00] =	vst v63  }
0x16: {  	[spmem:s14], [sflag:s9] =	dma.local [hbm:s8], $0x13C0  }
0x17: {  	[spmem:s16], [sflag:s15] =	dma.local [hbm:s10], $0x13C0  }
0x18: {  	_ =	swait.ge [sflag:s17], $0x2800  }
0x19: {  	[sflag:s17] =	ssyncset.done $0x0  }
0x1a: {  	[sflag:s17] =	ssyncadd.s32 $0xFFFFD800  }
0x1b: {  	_ =	swait.ge [sflag:s18], $0x2800  }
0x1c: {  	[sflag:s18] =	ssyncset.done $0x0  }
0x1d: {  	[sflag:s18] =	ssyncadd.s32 $0xFFFFD800  }
0x1e: {  	_ =	swait.ge [sflag:s19], $0x13C0  }
0x1f: {  	[sflag:s19] =	ssyncset.done $0x0  }
0x20: {  	[sflag:s19] =	ssyncadd.s32 $0xFFFFEC40  }
0x21: {  	_ =	swait.ge [sflag:s20], $0x13C0  }
0x22: {  	[sflag:s20] =	ssyncset.done $0x0  }
0x23: {  	[sflag:s20] =	ssyncadd.s32 $0xFFFFEC40  }
0x24: {  	[bflag:$0x0] =	sbarrier.arrive $0xFFFF  }
0x25: {  	[tilespmem:s22], [sflag:$0x1] =	stream.indirect.gather [spmem:s3], $0x40, s4, s21, $0xb8;
	[tilespmem:$0x1CC00] =	vst v63  }
0x26: {  	_ = 	snop  }
0x27: {  	[tilespmem:s23], [sflag:$0x2] =	stream.indirect.gather [spmem:s3], $0x40, s21, s21, $0xb8;
	[tilespmem:$0x1CC00] =	vst v63  }
0x28: {  	_ =	swait.ge [sflag:s17], $0x2000  }
0x29: {  	[sflag:s17] =	ssyncset.done $0x0  }
0x2a: {  	s29 =	simm.s32 $0x2800;
	[sflag:s17] =	ssyncadd.s32 $0xFFFFE000  }
0x2b: {  	[spmem:s2] =	stream.indirect.scatter.add.f32 [tilespmem:s22], [sflag:$0x3], $0x40, s29, s21, $0xb8;
	[tilespmem:$0x1CC00] =	vst v63  }
0x2c: {  	_ =	swait.ge [sflag:s18], $0x2000  }
0x2d: {  	[sflag:s18] =	ssyncset.done $0x0  }
0x2e: {  	s29 =	simm.s32 $0x2880;
	[sflag:s18] =	ssyncadd.s32 $0xFFFFE000  }
0x2f: {  	[spmem:s2] =	stream.indirect.scatter.add.f32 [tilespmem:s23], [sflag:$0x4], $0x40, s29, s21, $0xb8;
	[tilespmem:$0x1CC00] =	vst v63  }
0x30: {  	_ =	swait.ge [sflag:s19], $0x2000  }
0x31: {  	[sflag:s19] =	ssyncset.done $0x0  }
0x32: {  	s29 =	simm.s32 $0x100;
	[sflag:s19] =	ssyncadd.s32 $0xFFFFE000  }
0x33: {  	[tilespmem:s22], [sflag:$0x1] =	stream.indirect.gather [spmem:s3], $0x40, s29, s21, $0xb8;
	[tilespmem:$0x1CC00] =	vst v63  }
0x34: {  	_ =	swait.ge [sflag:s20], $0x2000  }
0x35: {  	[sflag:s20] =	ssyncset.done $0x0  }
0x36: {  	s30 =	simm.s32 $0x180;
	s29 =	simm.s32 $0x400;
	[sflag:s20] =	ssyncadd.s32 $0xFFFFE000  }
.LBB2_2:
0x37: {  	[tilespmem:s23], [sflag:$0x2] =	stream.indirect.gather [spmem:s3], $0x40, s30, s21, $0xb8;
	[tilespmem:$0x1CC00] =	vst v63  }
0x38: {  	s30 =	smov.u32 s29  }
0x39: {  	p0 =	sne.s32 s29, $0x9800;
	s29 =	sadd.s32 $0x400, s29;
	_ =	swait.ge [sflag:s17], $0x2000  }
0x3a: {  	s30 =	sshra.s32 s30, $0x2;
	[sflag:s17] =	ssyncset.done $0x0  }
0x3b: {  	s31 =	sadd.s32 $0x2800, s30;
	[sflag:s17] =	ssyncadd.s32 $0xFFFFE000  }
0x3c: {  	[spmem:s2] =	stream.indirect.scatter.add.f32 [tilespmem:s22], [sflag:$0x3], $0x40, s31, s21, $0xb8;
	[tilespmem:$0x1CC00] =	vst v63  }
0x3d: {  	_ =	swait.ge [sflag:s18], $0x2000  }
0x3e: {  	[sflag:s18] =	ssyncset.done $0x0  }
0x3f: {  	s31 =	sadd.s32 $0x2880, s30;
	[sflag:s18] =	ssyncadd.s32 $0xFFFFE000  }
0x40: {  	[spmem:s2] =	stream.indirect.scatter.add.f32 [tilespmem:s23], [sflag:$0x4], $0x40, s31, s21, $0xb8;
	[tilespmem:$0x1CC00] =	vst v63  }
0x41: {  	_ =	swait.ge [sflag:s19], $0x2000  }
0x42: {  	[sflag:s19] =	ssyncset.done $0x0  }
.Ltmp0:
0x43: {  	s31 =	sadd.s32 $0x100, s30;
	[sflag:s19] =	ssyncadd.s32 $0xFFFFE000;
	(pc) =	sbr.rel @p0 .LBB2_2-.Ltmp0, $4  }
0x44: {  	[tilespmem:s22], [sflag:$0x1] =	stream.indirect.gather [spmem:s3], $0x40, s31, s21, $0xb8;
	[tilespmem:$0x1CC00] =	vst v63  }
0x45: {  	_ =	swait.ge [sflag:s20], $0x2000  }
0x46: {  	[sflag:s20] =	ssyncset.done $0x0  }
0x47: {  	s30 =	sadd.s32 $0x180, s30;
	[sflag:s20] =	ssyncadd.s32 $0xFFFFE000  }
0x48: {  	[tilespmem:s23], [sflag:$0x2] =	stream.indirect.gather [spmem:s3], $0x40, s30, s21, $0xb8;
	[tilespmem:$0x1CC00] =	vst v63  }
0x49: {  	_ =	swait.ge [sflag:s17], $0x2000  }
0x4a: {  	[sflag:s17] =	ssyncset.done $0x0  }
0x4b: {  	[sflag:s17] =	ssyncadd.s32 $0xFFFFE000  }
0x4c: {  	[spmem:s2] =	stream.indirect.scatter.add.f32 [tilespmem:s22], [sflag:$0x3], $0x40, s24, s21, $0xb8;
	[tilespmem:$0x1CC00] =	vst v63  }
0x4d: {  	_ =	swait.ge [sflag:s18], $0x2000  }
0x4e: {  	[sflag:s18] =	ssyncset.done $0x0  }
0x4f: {  	[sflag:s18] =	ssyncadd.s32 $0xFFFFE000  }
0x50: {  	[spmem:s2] =	stream.indirect.scatter.add.f32 [tilespmem:s23], [sflag:$0x4], $0x40, s25, s21, $0xb8;
	[tilespmem:$0x1CC00] =	vst v63  }
0x51: {  	_ =	swait.ge [sflag:s19], $0x2000  }
0x52: {  	[sflag:s19] =	ssyncset.done $0x0  }
0x53: {  	[sflag:s19] =	ssyncadd.s32 $0xFFFFE000  }
0x54: {  	_ =	swait.ge [sflag:s20], $0x2000  }
0x55: {  	s28 =	sadd.s32 $0x1, s28;
	[sflag:s20] =	ssyncset.done $0x0  }
0x56: {  	p0 =	sne.s32 s28, s12;
	[sflag:s20] =	ssyncadd.s32 $0xFFFFE000  }
.Ltmp1:
0x57: {  	s29 =	sor.u32 $0x1C05, s7;
	[bflag:$0x0] =	sbarrier.arrive $0xFFFF;
	(pc) =	sbr.rel @p0 .LBB2_1-.Ltmp1, $4  }
0x58: {  	[hbm:s11], [sflag:s29] =	dma.local [spmem:s14], $0x13C0  }
0x59: {  	_ =	swait.ge [sflag:s26], $0x13C0  }
0x5a: {  	[sflag:s26] =	ssyncset.done $0x0  }
0x5b: {  	[sflag:s26] =	ssyncadd.s32 $0xFFFFEC40  }
0x5c: {  	_ =	sfence.sel $0x180000  }
0x5d: {  	[bflag:$0x0] =	sbarrier.arrive $0xFFFF  }
0x5e: {  	p0 =	sne.s32 s0, $0x0;
	_ =	strace $0x90000056  }
0x5f: {  	s0 =	sadd.s32 @!p0 $0x100000, s1;
	[bflag:$0x2] =	sbarrier.arrive $0xFFFF  }
0x60: {  	[sflag:s0] =	ssyncadd.tile.s32 @!p0 $0x1;
	_ =	shalt  }
.Lfunc_end2:
_tile_overlayer_lowered:
.L_overlay_start_2:
0x61: {  	(tag) =	ssettag $0x2  }
0x62: {  	s0 =	rddreg [dreg:$0x0];
	s2 =	stileid.u32  }
0x63: {  	s1 =	rddreg [dreg:$0x1];
	p0 =	sne.s32 s2, $0x0  }
0x64: {  	s3 =	rddreg [dreg:$0x2];
	[bflag:$0x3] =	sbarrier.arrive $0xFFFF;
	s2 =	simm.s32 @!p0 $0x1C05  }
0x65: {  	[timem:s3], [sflag:s2] =	dma.local @!p0 [hbm:s0], s1  }
0x66: {  	s0 =	simm.s32 @!p0 $0x5  }
0x67: {  	_ =	swait.ge @!p0 [sflag:s0], s1  }
0x68: {  	s1 =	ssub.s32 @!p0 $0x0, s1;
	[sflag:s0] =	ssyncset.done @!p0 $0x0  }
0x69: {  	[sflag:s0] =	ssyncadd.s32 @!p0 s1  }
0x6a: {  	[bflag:$0x3] =	sbarrier.arrive $0xFFFF  }
0x6b: {  	_ =	shalt  }

</sc_bundles>
